<compile_context>
chip_gen: v7x
topology: tpu7x:2x2x1
jax: 0.10.2.dev20260603
libtpu: 0.0.44.dev20260713+nightly
codegen_flags: <defaults>
</compile_context>

<pallas_src>
import functools

import jax
import jax.numpy as jnp
from jax import lax
from jax.experimental import pallas as pl
from jax.experimental.pallas import tpu as pltpu
from jax.experimental.pallas import tpu_sc as plsc

_NC = 2
_NS = 16
_NW = _NC * _NS
_CHUNK = 128
_BPW = 512
_NCH = _BPW // _CHUNK


def _repack_body(ina_ref, inb_ref, inc_ref, ind_ref, eye_ref, out_ref):
    e = eye_ref[...]
    dn = (((0,), (0,)), ((), ()))

    def t(ref):
        return lax.dot_general(ref[...], e, dn,
                               preferred_element_type=jnp.float32)

    def u32(x):
        b16 = lax.bitcast_convert_type(x.astype(jnp.bfloat16), jnp.uint16)
        return b16.astype(jnp.uint32)

    def pack(lo, hi):
        w = lax.bitwise_or(u32(lo), lax.shift_left(u32(hi), jnp.uint32(16)))
        return lax.bitcast_convert_type(w, jnp.float32)

    out_ref[:, 0:64] = pack(t(ina_ref), t(inc_ref))
    out_ref[:, 64:128] = pack(t(inb_ref), t(ind_ref))


def _repack(tab_t, eye, h, bk):
    n = tab_t.shape[1]
    grid = h // bk
    last_blk = (n - 1) // bk

    def inspec(k):
        return pl.BlockSpec(
            (64, bk),
            lambda ib, g=grid, lb=last_blk, k=k:
            (0, jnp.minimum(ib + k * g, lb)))

    return pl.pallas_call(
        _repack_body,
        grid=(grid,),
        in_specs=[inspec(0), inspec(1), inspec(2), inspec(3),
                  pl.BlockSpec((64, 64), lambda ib: (0, 0))],
        out_specs=pl.BlockSpec((bk, 128), lambda ib: (ib, 0)),
        out_shape=jax.ShapeDtypeStruct((h, 128), jnp.float32),
        compiler_params=pltpu.CompilerParams(
            vmem_limit_bytes=100 * 1024 * 1024),
    )(tab_t, tab_t, tab_t, tab_t, eye)


def _sc_gather_body(n, *args):
    idxs = args[:n]
    pks = args[n:2 * n]
    outs_refs = args[2 * n:3 * n]
    idx_v, q_v, blocks_v, gsem, osem = args[3 * n:]
    wid = lax.axis_index("s") * _NC + lax.axis_index("c")
    row_base = wid * _BPW

    for idx3, pk, out in zip(idxs, pks, outs_refs):
        h = pk.shape[0]
        copies = []
        for c in range(_NCH):
            pltpu.sync_copy(idx3.at[wid * _NCH + c], idx_v)
            for j in range(_CHUNK // 16):
                v = idx_v[pl.ds(j * 16, 16)]
                q_v[c, pl.ds(j * 16, 16)] = lax.bitwise_and(v, h - 1)
            copies.append(pltpu.async_copy(
                pk.at[q_v.at[c]], blocks_v.at[pl.ds(c * _CHUNK, _CHUNK)],
                gsem))
        for cp in copies:
            cp.wait()
        pltpu.async_copy(blocks_v, out.at[pl.ds(row_base, _BPW)],
                         osem).wait()


def _sc_gather(idx_list, pk_list):
    n = len(idx_list)
    b = idx_list[0].shape[0]
    mesh = plsc.VectorSubcoreMesh(core_axis_name="c", subcore_axis_name="s")
    out_sds = jax.ShapeDtypeStruct((b, 128), jnp.float32)
    fn = pl.kernel(
        functools.partial(_sc_gather_body, n),
        out_type=(out_sds,) * n,
        mesh=mesh,
        scratch_types=[
            pltpu.VMEM((_CHUNK,), jnp.int32),
            pltpu.VMEM((_NCH, _CHUNK), jnp.int32),
            pltpu.VMEM((_BPW, 128), jnp.float32),
            pltpu.SemaphoreType.DMA,
            pltpu.SemaphoreType.DMA,
        ],
    )
    idx2 = [ix.reshape(b // _CHUNK, _CHUNK) for ix in idx_list]
    return fn(*idx2, *pk_list)


def _mlp_body(u_ref, g_ref, i_ref, su_ref, sg_ref, si_ref,
              w1u_ref, w1g_ref, w1i_ref, b1_ref,
              w2_ref, b2_ref, w3_ref, b3_ref, out_ref):
    col = lax.broadcasted_iota(jnp.int32, (1, 128), 1)
    low = col < 64

    def sel(pk_ref, s_ref):
        s = s_ref[...]
        w = lax.bitcast_convert_type(pk_ref[...], jnp.uint32)
        lo = lax.bitcast_convert_type(lax.shift_left(w, jnp.uint32(16)),
                                      jnp.float32)
        hi = lax.bitcast_convert_type(
            lax.bitwise_and(w, jnp.uint32(0xFFFF0000)), jnp.float32)
        v = jnp.where(s >= 1.5, hi, lo)
        odd = jnp.where(s >= 1.5, s - 2.0, s) >= 0.5
        keep = jnp.logical_xor(low, odd)
        return jnp.where(keep, v, 0.0)

    h = (sel(u_ref, su_ref) @ w1u_ref[...]
         + sel(g_ref, sg_ref) @ w1g_ref[...]
         + sel(i_ref, si_ref) @ w1i_ref[...]
         + b1_ref[...])
    h = jnp.maximum(h, 0.0)
    h2 = jnp.maximum(h @ w2_ref[...] + b2_ref[...], 0.0)
    o = h2 @ w3_ref[...] + b3_ref[...]
    out_ref[...] = 1.0 / (1.0 + jnp.exp(-o))


def _mlp(u, g, i, su, sg, si, W1, b1, W2, b2, W3, b3, blk=2048):
    b = u.shape[0]
    grid = b // blk
    w1u = jnp.concatenate([W1[0:64], W1[0:64]], axis=0)
    w1g = jnp.concatenate([W1[64:128], W1[64:128]], axis=0)
    w1i = jnp.concatenate([W1[128:192], W1[128:192]], axis=0)
    row_spec = pl.BlockSpec((blk, 128), lambda ib: (ib, 0))
    s_spec = pl.BlockSpec((blk, 1), lambda ib: (ib, 0))

    def full(a):
        return pl.BlockSpec(a.shape, lambda ib: (0,) * a.ndim)

    return pl.pallas_call(
        _mlp_body,
        grid=(grid,),
        in_specs=[row_spec, row_spec, row_spec,
                  s_spec, s_spec, s_spec,
                  full(w1u), full(w1g), full(w1i), full(b1),
                  full(W2), full(b2), full(W3), full(b3)],
        out_specs=pl.BlockSpec((blk, 1), lambda ib: (ib, 0)),
        out_shape=jax.ShapeDtypeStruct((b, 1), jnp.float32),
    )(u, g, i, su, sg, si, w1u, w1g, w1i, b1, W2, b2, W3, b3)


def kernel(user_input, genre_input, item_input, user_table, genre_table,
           item_table, W1, b1, W2, b2, W3, b3):
    b = user_input.shape[0]
    eye = jnp.eye(64, dtype=jnp.float32)
    upk = _repack(user_table.T, eye, 262144, 8192)
    (u,) = _sc_gather([user_input], [upk])
    ipk = _repack(item_table.T, eye, 262144, 8192)
    gpk = _repack(genre_table.T, eye, 256, 256)
    su = (user_input >> 18).astype(jnp.float32).reshape(b, 1)
    si = (item_input >> 18).astype(jnp.float32).reshape(b, 1)
    sg = (genre_input >> 8).astype(jnp.float32).reshape(b, 1)
    g, i = _sc_gather([genre_input, item_input], [gpk, ipk])
    return _mlp(u, g, i, su, sg, si, W1, b1, W2, b2, W3, b3)

# --- scband reference (transcript-rebuilt; emitter-appended) ---
"""Pipeline reference for scband-two-tower-model-16887811408054 (READ-ONLY COPY).

The authoritative reference and input builder live on the scoring server;
editing this copy changes nothing except your own understanding.
"""

import jax, jax.numpy as jnp
import numpy as np

NUM_USERS = 1000000
NUM_ITEMS = 1000000
NUM_GENRES = 1000
EMBED_DIM = 64
BATCH = 16384


def setup_inputs(seed: int = 0) -> dict:
    key = jax.random.key(seed)
    ks = jax.random.split(key, 12)
    user_input = jax.random.randint(ks[0], (BATCH,), 0, NUM_USERS, dtype=jnp.int64 if jax.config.read('jax_enable_x64') else jnp.int32).astype(jnp.int32)
    genre_input = jax.random.randint(ks[1], (BATCH,), 0, NUM_GENRES).astype(jnp.int32)
    item_input = jax.random.randint(ks[2], (BATCH,), 0, NUM_ITEMS).astype(jnp.int32)
    user_table = jax.random.normal(ks[3], (NUM_USERS, EMBED_DIM), dtype=jnp.float32) * 0.05
    item_table = jax.random.normal(ks[4], (NUM_ITEMS, EMBED_DIM), dtype=jnp.float32) * 0.05
    genre_table = jax.random.normal(ks[5], (NUM_GENRES, EMBED_DIM), dtype=jnp.float32) * 0.05
    d_in = 3 * EMBED_DIM
    W1 = jax.random.normal(ks[6], (d_in, 64), dtype=jnp.float32) * (1.0 / np.sqrt(d_in))
    b1 = jnp.zeros((64,), dtype=jnp.float32)
    W2 = jax.random.normal(ks[7], (64, 32), dtype=jnp.float32) * (1.0 / np.sqrt(64))
    b2 = jnp.zeros((32,), dtype=jnp.float32)
    W3 = jax.random.normal(ks[8], (32, 1), dtype=jnp.float32) * (1.0 / np.sqrt(32))
    b3 = jnp.zeros((1,), dtype=jnp.float32)
    return {
        'user_input': user_input,
        'genre_input': genre_input,
        'item_input': item_input,
        'user_table': user_table,
        'genre_table': genre_table,
        'item_table': item_table,
        'W1': W1, 'b1': b1, 'W2': W2, 'b2': b2, 'W3': W3, 'b3': b3,
    }


def reference(user_input, genre_input, item_input, user_table, genre_table, item_table, W1, b1, W2, b2, W3, b3):
    # Embedding lookups (Flatten on [B, dim] is identity reshape to [B, dim])
    user_vec = jnp.take(user_table, user_input, axis=0)
    item_vec = jnp.take(item_table, item_input, axis=0)
    genre_vec = jnp.take(genre_table, genre_input, axis=0)
    concat_vec = jnp.concatenate([user_vec, genre_vec, item_vec], axis=1)
    x = jax.nn.relu(concat_vec @ W1 + b1)
    x = jax.nn.relu(x @ W2 + b2)
    out = jax.nn.sigmoid(x @ W3 + b3)
    return out

if __name__ == "__main__":
    import jax
    _d = setup_inputs()
    print(jax.jit(kernel)(*tuple(_d.values())))

</pallas_src>

<mosaic_0001>
#map = affine_map<(d0, d1) -> (0, 0)>
module attributes {stable_mosaic.version = 14 : i64} {
  func.func @_sc_gather_body(%arg0: i32, %arg1: i32, %arg2: memref<128x128xi32, #tpu.memory_space<hbm>>, %arg3: memref<128x128xi32, #tpu.memory_space<hbm>>, %arg4: memref<256x128xf32, #tpu.memory_space<hbm>>, %arg5: memref<262144x128xf32, #tpu.memory_space<hbm>>, %arg6: memref<16384x128xf32, #tpu.memory_space<hbm>>, %arg7: memref<16384x128xf32, #tpu.memory_space<hbm>>, %arg8: memref<128xi32, #tpu.memory_space<vmem>>, %arg9: memref<4x128xi32, #tpu.memory_space<vmem>>, %arg10: memref<512x128xf32, #tpu.memory_space<vmem>>, %arg11: memref<!tpu.dma_semaphore, #tpu.memory_space<semaphore_mem>>, %arg12: memref<!tpu.dma_semaphore, #tpu.memory_space<semaphore_mem>>) attributes {dimension_semantics = [#tpu.dimension_semantics<core_parallel>, #tpu.dimension_semantics<subcore_parallel>], iteration_bounds = array<i64: 2, 16>, scalar_prefetch = 0 : i64, scratch_operands = 5 : i64, tpu.core_type = #tpu.core_type<sc_vector_subcore>, window_params = [{transform_indices = #map}, {transform_indices = #map}, {transform_indices = #map}, {transform_indices = #map}, {transform_indices = #map}, {transform_indices = #map}]} {
    %mul3A = arith.constant 2 : i32
    %mul3A_0 = arith.muli %arg1, %mul3A : i32
    %add3A = arith.addi %mul3A_0, %arg0 : i32
    %mul3A_1 = arith.constant 512 : i32
    %mul3A_2 = arith.muli %add3A, %mul3A_1 : i32
    %mul3A_3 = arith.constant 4 : i32
    %mul3A_4 = arith.muli %add3A, %mul3A_3 : i32
    %add3A_5 = arith.constant 0 : i32
    %add3A_6 = arith.addi %mul3A_4, %add3A_5 : i32
    "tpu.region"() ({
      %run_scoped3A = tpu.sem_alloc : memref<!tpu.dma_semaphore, #tpu.memory_space<semaphore_mem>>
      %dma_start3A_974 = arith.constant 0 : i32
      %dma_start3A_975 = tpu.memref_slice %arg2[%add3A_6, %dma_start3A_974] : memref<128x128xi32, #tpu.memory_space<hbm>> -> memref<1x128xi32, #tpu.memory_space<hbm>>
      %dma_start3A_976 = tpu.memref_squeeze %dma_start3A_975 : memref<1x128xi32, #tpu.memory_space<hbm>> -> memref<128xi32, #tpu.memory_space<hbm>>
      %dma_start3A_977 = arith.constant 0 : i32
      %dma_start3A_978 = tpu.memref_slice %arg2[%add3A_6, %dma_start3A_977] : memref<128x128xi32, #tpu.memory_space<hbm>> -> memref<1x128xi32, #tpu.memory_space<hbm>>
      %dma_start3A_979 = tpu.memref_squeeze %dma_start3A_978 : memref<1x128xi32, #tpu.memory_space<hbm>> -> memref<128xi32, #tpu.memory_space<hbm>>
      tpu.enqueue_dma source(%dma_start3A_979 : memref<128xi32, #tpu.memory_space<hbm>>) target(%arg8 : memref<128xi32, #tpu.memory_space<vmem>>) target_semaphore(%run_scoped3A : memref<!tpu.dma_semaphore, #tpu.memory_space<semaphore_mem>>)
      %dma_wait3A_980 = arith.constant 0 : i32
      %dma_wait3A_981 = tpu.memref_slice %arg2[%add3A_6, %dma_wait3A_980] : memref<128x128xi32, #tpu.memory_space<hbm>> -> memref<1x128xi32, #tpu.memory_space<hbm>>
      %dma_wait3A_982 = tpu.memref_squeeze %dma_wait3A_981 : memref<1x128xi32, #tpu.memory_space<hbm>> -> memref<128xi32, #tpu.memory_space<hbm>>
      %dma_wait3A_983 = arith.constant 0 : i32
      %dma_wait3A_984 = tpu.memref_slice %arg2[%add3A_6, %dma_wait3A_983] : memref<128x128xi32, #tpu.memory_space<hbm>> -> memref<1x128xi32, #tpu.memory_space<hbm>>
      %dma_wait3A_985 = tpu.memref_squeeze %dma_wait3A_984 : memref<1x128xi32, #tpu.memory_space<hbm>> -> memref<128xi32, #tpu.memory_space<hbm>>
      tpu.wait_dma2 semaphore(%run_scoped3A : memref<!tpu.dma_semaphore, #tpu.memory_space<semaphore_mem>>) src(%dma_wait3A_985 : memref<128xi32, #tpu.memory_space<hbm>>) dst(%arg8 : memref<128xi32, #tpu.memory_space<vmem>>)
      tpu.yield
    }) : () -> ()
    %get3A = arith.constant 0 : index
    %get3A_7 = tpu.vector_load %arg8[%get3A] {strides = array<i32>} : memref<128xi32, #tpu.memory_space<vmem>>, vector<16xi32>,
    %get3A_8 = vector.shape_cast %get3A_7 : vector<16xi32> to vector<16xi32>
    %and3A = arith.constant 255 : i32
    %and3A_9 = vector.broadcast %and3A : i32 to vector<16xi32>
    %and3A_10 = arith.andi %get3A_8, %and3A_9 : vector<16xi32>
    %swap3A = arith.constant 0 : i32
    %swap3A_11 = arith.index_cast %swap3A : i32 to index
    %swap3A_12 = arith.constant 0 : index
    %swap3A_13 = tpu.vector_load %arg9[%swap3A_11, %swap3A_12] {strides = array<i32>} : memref<4x128xi32, #tpu.memory_space<vmem>>, vector<1x16xi32>,
    %swap3A_14 = vector.shape_cast %swap3A_13 : vector<1x16xi32> to vector<16xi32>
    %swap3A_15 = vector.shape_cast %and3A_10 : vector<16xi32> to vector<1x16xi32>
    tpu.vector_store %arg9[%swap3A_11, %swap3A_12], %swap3A_15 {strides = array<i32>} : memref<4x128xi32, #tpu.memory_space<vmem>>, vector<1x16xi32>,
    %get3A_16 = arith.constant 16 : index
    %get3A_17 = tpu.vector_load %arg8[%get3A_16] {strides = array<i32>} : memref<128xi32, #tpu.memory_space<vmem>>, vector<16xi32>,
    %get3A_18 = vector.shape_cast %get3A_17 : vector<16xi32> to vector<16xi32>
    %and3A_19 = arith.constant 255 : i32
    %and3A_20 = vector.broadcast %and3A_19 : i32 to vector<16xi32>
    %and3A_21 = arith.andi %get3A_18, %and3A_20 : vector<16xi32>
    %swap3A_22 = arith.constant 0 : i32
    %swap3A_23 = arith.index_cast %swap3A_22 : i32 to index
    %swap3A_24 = arith.constant 16 : index
    %swap3A_25 = tpu.vector_load %arg9[%swap3A_23, %swap3A_24] {strides = array<i32>} : memref<4x128xi32, #tpu.memory_space<vmem>>, vector<1x16xi32>,
    %swap3A_26 = vector.shape_cast %swap3A_25 : vector<1x16xi32> to vector<16xi32>
    %swap3A_27 = vector.shape_cast %and3A_21 : vector<16xi32> to vector<1x16xi32>
    tpu.vector_store %arg9[%swap3A_23, %swap3A_24], %swap3A_27 {strides = array<i32>} : memref<4x128xi32, #tpu.memory_space<vmem>>, vector<1x16xi32>,
    %get3A_28 = arith.constant 32 : index
    %get3A_29 = tpu.vector_load %arg8[%get3A_28] {strides = array<i32>} : memref<128xi32, #tpu.memory_space<vmem>>, vector<16xi32>,
    %get3A_30 = vector.shape_cast %get3A_29 : vector<16xi32> to vector<16xi32>
    %and3A_31 = arith.constant 255 : i32
    %and3A_32 = vector.broadcast %and3A_31 : i32 to vector<16xi32>
    %and3A_33 = arith.andi %get3A_30, %and3A_32 : vector<16xi32>
    %swap3A_34 = arith.constant 0 : i32
    %swap3A_35 = arith.index_cast %swap3A_34 : i32 to index
    %swap3A_36 = arith.constant 32 : index
    %swap3A_37 = tpu.vector_load %arg9[%swap3A_35, %swap3A_36] {strides = array<i32>} : memref<4x128xi32, #tpu.memory_space<vmem>>, vector<1x16xi32>,
    %swap3A_38 = vector.shape_cast %swap3A_37 : vector<1x16xi32> to vector<16xi32>
    %swap3A_39 = vector.shape_cast %and3A_33 : vector<16xi32> to vector<1x16xi32>
    tpu.vector_store %arg9[%swap3A_35, %swap3A_36], %swap3A_39 {strides = array<i32>} : memref<4x128xi32, #tpu.memory_space<vmem>>, vector<1x16xi32>,
    %get3A_40 = arith.constant 48 : index
    %get3A_41 = tpu.vector_load %arg8[%get3A_40] {strides = array<i32>} : memref<128xi32, #tpu.memory_space<vmem>>, vector<16xi32>,
    %get3A_42 = vector.shape_cast %get3A_41 : vector<16xi32> to vector<16xi32>
    %and3A_43 = arith.constant 255 : i32
    %and3A_44 = vector.broadcast %and3A_43 : i32 to vector<16xi32>
    %and3A_45 = arith.andi %get3A_42, %and3A_44 : vector<16xi32>
    %swap3A_46 = arith.constant 0 : i32
    %swap3A_47 = arith.index_cast %swap3A_46 : i32 to index
    %swap3A_48 = arith.constant 48 : index
    %swap3A_49 = tpu.vector_load %arg9[%swap3A_47, %swap3A_48] {strides = array<i32>} : memref<4x128xi32, #tpu.memory_space<vmem>>, vector<1x16xi32>,
    %swap3A_50 = vector.shape_cast %swap3A_49 : vector<1x16xi32> to vector<16xi32>
    %swap3A_51 = vector.shape_cast %and3A_45 : vector<16xi32> to vector<1x16xi32>
    tpu.vector_store %arg9[%swap3A_47, %swap3A_48], %swap3A_51 {strides = array<i32>} : memref<4x128xi32, #tpu.memory_space<vmem>>, vector<1x16xi32>,
    %get3A_52 = arith.constant 64 : index
    %get3A_53 = tpu.vector_load %arg8[%get3A_52] {strides = array<i32>} : memref<128xi32, #tpu.memory_space<vmem>>, vector<16xi32>,
    %get3A_54 = vector.shape_cast %get3A_53 : vector<16xi32> to vector<16xi32>
    %and3A_55 = arith.constant 255 : i32
    %and3A_56 = vector.broadcast %and3A_55 : i32 to vector<16xi32>
    %and3A_57 = arith.andi %get3A_54, %and3A_56 : vector<16xi32>
    %swap3A_58 = arith.constant 0 : i32
    %swap3A_59 = arith.index_cast %swap3A_58 : i32 to index
    %swap3A_60 = arith.constant 64 : index
    %swap3A_61 = tpu.vector_load %arg9[%swap3A_59, %swap3A_60] {strides = array<i32>} : memref<4x128xi32, #tpu.memory_space<vmem>>, vector<1x16xi32>,
    %swap3A_62 = vector.shape_cast %swap3A_61 : vector<1x16xi32> to vector<16xi32>
    %swap3A_63 = vector.shape_cast %and3A_57 : vector<16xi32> to vector<1x16xi32>
    tpu.vector_store %arg9[%swap3A_59, %swap3A_60], %swap3A_63 {strides = array<i32>} : memref<4x128xi32, #tpu.memory_space<vmem>>, vector<1x16xi32>,
    %get3A_64 = arith.constant 80 : index
    %get3A_65 = tpu.vector_load %arg8[%get3A_64] {strides = array<i32>} : memref<128xi32, #tpu.memory_space<vmem>>, vector<16xi32>,
    %get3A_66 = vector.shape_cast %get3A_65 : vector<16xi32> to vector<16xi32>
    %and3A_67 = arith.constant 255 : i32
    %and3A_68 = vector.broadcast %and3A_67 : i32 to vector<16xi32>
    %and3A_69 = arith.andi %get3A_66, %and3A_68 : vector<16xi32>
    %swap3A_70 = arith.constant 0 : i32
    %swap3A_71 = arith.index_cast %swap3A_70 : i32 to index
    %swap3A_72 = arith.constant 80 : index
    %swap3A_73 = tpu.vector_load %arg9[%swap3A_71, %swap3A_72] {strides = array<i32>} : memref<4x128xi32, #tpu.memory_space<vmem>>, vector<1x16xi32>,
    %swap3A_74 = vector.shape_cast %swap3A_73 : vector<1x16xi32> to vector<16xi32>
    %swap3A_75 = vector.shape_cast %and3A_69 : vector<16xi32> to vector<1x16xi32>
    tpu.vector_store %arg9[%swap3A_71, %swap3A_72], %swap3A_75 {strides = array<i32>} : memref<4x128xi32, #tpu.memory_space<vmem>>, vector<1x16xi32>,
    %get3A_76 = arith.constant 96 : index
    %get3A_77 = tpu.vector_load %arg8[%get3A_76] {strides = array<i32>} : memref<128xi32, #tpu.memory_space<vmem>>, vector<16xi32>,
    %get3A_78 = vector.shape_cast %get3A_77 : vector<16xi32> to vector<16xi32>
    %and3A_79 = arith.constant 255 : i32
    %and3A_80 = vector.broadcast %and3A_79 : i32 to vector<16xi32>
    %and3A_81 = arith.andi %get3A_78, %and3A_80 : vector<16xi32>
    %swap3A_82 = arith.constant 0 : i32
    %swap3A_83 = arith.index_cast %swap3A_82 : i32 to index
    %swap3A_84 = arith.constant 96 : index
    %swap3A_85 = tpu.vector_load %arg9[%swap3A_83, %swap3A_84] {strides = array<i32>} : memref<4x128xi32, #tpu.memory_space<vmem>>, vector<1x16xi32>,
    %swap3A_86 = vector.shape_cast %swap3A_85 : vector<1x16xi32> to vector<16xi32>
    %swap3A_87 = vector.shape_cast %and3A_81 : vector<16xi32> to vector<1x16xi32>
    tpu.vector_store %arg9[%swap3A_83, %swap3A_84], %swap3A_87 {strides = array<i32>} : memref<4x128xi32, #tpu.memory_space<vmem>>, vector<1x16xi32>,
    %get3A_88 = arith.constant 112 : index
    %get3A_89 = tpu.vector_load %arg8[%get3A_88] {strides = array<i32>} : memref<128xi32, #tpu.memory_space<vmem>>, vector<16xi32>,
    %get3A_90 = vector.shape_cast %get3A_89 : vector<16xi32> to vector<16xi32>
    %and3A_91 = arith.constant 255 : i32
    %and3A_92 = vector.broadcast %and3A_91 : i32 to vector<16xi32>
    %and3A_93 = arith.andi %get3A_90, %and3A_92 : vector<16xi32>
    %swap3A_94 = arith.constant 0 : i32
    %swap3A_95 = arith.index_cast %swap3A_94 : i32 to index
    %swap3A_96 = arith.constant 112 : index
    %swap3A_97 = tpu.vector_load %arg9[%swap3A_95, %swap3A_96] {strides = array<i32>} : memref<4x128xi32, #tpu.memory_space<vmem>>, vector<1x16xi32>,
    %swap3A_98 = vector.shape_cast %swap3A_97 : vector<1x16xi32> to vector<16xi32>
    %swap3A_99 = vector.shape_cast %and3A_93 : vector<16xi32> to vector<1x16xi32>
    tpu.vector_store %arg9[%swap3A_95, %swap3A_96], %swap3A_99 {strides = array<i32>} : memref<4x128xi32, #tpu.memory_space<vmem>>, vector<1x16xi32>,
    %dma_start3A = arith.constant 0 : i32
    %dma_start3A_100 = arith.constant 0 : i32
    %dma_start3A_101 = arith.constant 0 : i32
    %dma_start3A_102 = tpu.memref_slice %arg10[%dma_start3A_100, %dma_start3A_101] : memref<512x128xf32, #tpu.memory_space<vmem>> -> memref<128x128xf32, #tpu.memory_space<vmem>>
    %dma_start3A_103 = arith.constant 0 : i32
    %dma_start3A_104 = tpu.memref_slice %arg9[%dma_start3A, %dma_start3A_103] : memref<4x128xi32, #tpu.memory_space<vmem>> -> memref<1x128xi32, #tpu.memory_space<vmem>>
    %dma_start3A_105 = tpu.memref_squeeze %dma_start3A_104 : memref<1x128xi32, #tpu.memory_space<vmem>> -> memref<128xi32, #tpu.memory_space<vmem>>
    %dma_start3A_106 = arith.constant 0 : i32
    %dma_start3A_107 = arith.constant 0 : i32
    %dma_start3A_108 = tpu.memref_slice %arg4[%dma_start3A_106, %dma_start3A_107] : memref<256x128xf32, #tpu.memory_space<hbm>> -> memref<256x128xf32, #tpu.memory_space<hbm>>
    tpu.enqueue_indirect_dma source(%dma_start3A_108 : memref<256x128xf32, #tpu.memory_space<hbm>>) target(%dma_start3A_102 : memref<128x128xf32, #tpu.memory_space<vmem>>) offsets(%dma_start3A_105 : memref<128xi32, #tpu.memory_space<vmem>>) semaphore(%arg11 : memref<!tpu.dma_semaphore, #tpu.memory_space<semaphore_mem>>)
    %mul3A_109 = arith.constant 4 : i32
    %mul3A_110 = arith.muli %add3A, %mul3A_109 : i32
    %add3A_111 = arith.constant 1 : i32
    %add3A_112 = arith.addi %mul3A_110, %add3A_111 : i32
    "tpu.region"() ({
      %run_scoped3A = tpu.sem_alloc : memref<!tpu.dma_semaphore, #tpu.memory_space<semaphore_mem>>
      %dma_start3A_974 = arith.constant 0 : i32
      %dma_start3A_975 = tpu.memref_slice %arg2[%add3A_112, %dma_start3A_974] : memref<128x128xi32, #tpu.memory_space<hbm>> -> memref<1x128xi32, #tpu.memory_space<hbm>>
      %dma_start3A_976 = tpu.memref_squeeze %dma_start3A_975 : memref<1x128xi32, #tpu.memory_space<hbm>> -> memref<128xi32, #tpu.memory_space<hbm>>
      %dma_start3A_977 = arith.constant 0 : i32
      %dma_start3A_978 = tpu.memref_slice %arg2[%add3A_112, %dma_start3A_977] : memref<128x128xi32, #tpu.memory_space<hbm>> -> memref<1x128xi32, #tpu.memory_space<hbm>>
      %dma_start3A_979 = tpu.memref_squeeze %dma_start3A_978 : memref<1x128xi32, #tpu.memory_space<hbm>> -> memref<128xi32, #tpu.memory_space<hbm>>
      tpu.enqueue_dma source(%dma_start3A_979 : memref<128xi32, #tpu.memory_space<hbm>>) target(%arg8 : memref<128xi32, #tpu.memory_space<vmem>>) target_semaphore(%run_scoped3A : memref<!tpu.dma_semaphore, #tpu.memory_space<semaphore_mem>>)
      %dma_wait3A_980 = arith.constant 0 : i32
      %dma_wait3A_981 = tpu.memref_slice %arg2[%add3A_112, %dma_wait3A_980] : memref<128x128xi32, #tpu.memory_space<hbm>> -> memref<1x128xi32, #tpu.memory_space<hbm>>
      %dma_wait3A_982 = tpu.memref_squeeze %dma_wait3A_981 : memref<1x128xi32, #tpu.memory_space<hbm>> -> memref<128xi32, #tpu.memory_space<hbm>>
      %dma_wait3A_983 = arith.constant 0 : i32
      %dma_wait3A_984 = tpu.memref_slice %arg2[%add3A_112, %dma_wait3A_983] : memref<128x128xi32, #tpu.memory_space<hbm>> -> memref<1x128xi32, #tpu.memory_space<hbm>>
      %dma_wait3A_985 = tpu.memref_squeeze %dma_wait3A_984 : memref<1x128xi32, #tpu.memory_space<hbm>> -> memref<128xi32, #tpu.memory_space<hbm>>
      tpu.wait_dma2 semaphore(%run_scoped3A : memref<!tpu.dma_semaphore, #tpu.memory_space<semaphore_mem>>) src(%dma_wait3A_985 : memref<128xi32, #tpu.memory_space<hbm>>) dst(%arg8 : memref<128xi32, #tpu.memory_space<vmem>>)
      tpu.yield
    }) : () -> ()
    %get3A_113 = arith.constant 0 : index
    %get3A_114 = tpu.vector_load %arg8[%get3A_113] {strides = array<i32>} : memref<128xi32, #tpu.memory_space<vmem>>, vector<16xi32>,
    %get3A_115 = vector.shape_cast %get3A_114 : vector<16xi32> to vector<16xi32>
    %and3A_116 = arith.constant 255 : i32
    %and3A_117 = vector.broadcast %and3A_116 : i32 to vector<16xi32>
    %and3A_118 = arith.andi %get3A_115, %and3A_117 : vector<16xi32>
    %swap3A_119 = arith.constant 1 : i32
    %swap3A_120 = arith.index_cast %swap3A_119 : i32 to index
    %swap3A_121 = arith.constant 0 : index
    %swap3A_122 = tpu.vector_load %arg9[%swap3A_120, %swap3A_121] {strides = array<i32>} : memref<4x128xi32, #tpu.memory_space<vmem>>, vector<1x16xi32>,
    %swap3A_123 = vector.shape_cast %swap3A_122 : vector<1x16xi32> to vector<16xi32>
    %swap3A_124 = vector.shape_cast %and3A_118 : vector<16xi32> to vector<1x16xi32>
    tpu.vector_store %arg9[%swap3A_120, %swap3A_121], %swap3A_124 {strides = array<i32>} : memref<4x128xi32, #tpu.memory_space<vmem>>, vector<1x16xi32>,
    %get3A_125 = arith.constant 16 : index
    %get3A_126 = tpu.vector_load %arg8[%get3A_125] {strides = array<i32>} : memref<128xi32, #tpu.memory_space<vmem>>, vector<16xi32>,
    %get3A_127 = vector.shape_cast %get3A_126 : vector<16xi32> to vector<16xi32>
    %and3A_128 = arith.constant 255 : i32
    %and3A_129 = vector.broadcast %and3A_128 : i32 to vector<16xi32>
    %and3A_130 = arith.andi %get3A_127, %and3A_129 : vector<16xi32>
    %swap3A_131 = arith.constant 1 : i32
    %swap3A_132 = arith.index_cast %swap3A_131 : i32 to index
    %swap3A_133 = arith.constant 16 : index
    %swap3A_134 = tpu.vector_load %arg9[%swap3A_132, %swap3A_133] {strides = array<i32>} : memref<4x128xi32, #tpu.memory_space<vmem>>, vector<1x16xi32>,
    %swap3A_135 = vector.shape_cast %swap3A_134 : vector<1x16xi32> to vector<16xi32>
    %swap3A_136 = vector.shape_cast %and3A_130 : vector<16xi32> to vector<1x16xi32>
    tpu.vector_store %arg9[%swap3A_132, %swap3A_133], %swap3A_136 {strides = array<i32>} : memref<4x128xi32, #tpu.memory_space<vmem>>, vector<1x16xi32>,
    %get3A_137 = arith.constant 32 : index
    %get3A_138 = tpu.vector_load %arg8[%get3A_137] {strides = array<i32>} : memref<128xi32, #tpu.memory_space<vmem>>, vector<16xi32>,
    %get3A_139 = vector.shape_cast %get3A_138 : vector<16xi32> to vector<16xi32>
    %and3A_140 = arith.constant 255 : i32
    %and3A_141 = vector.broadcast %and3A_140 : i32 to vector<16xi32>
    %and3A_142 = arith.andi %get3A_139, %and3A_141 : vector<16xi32>
    %swap3A_143 = arith.constant 1 : i32
    %swap3A_144 = arith.index_cast %swap3A_143 : i32 to index
    %swap3A_145 = arith.constant 32 : index
    %swap3A_146 = tpu.vector_load %arg9[%swap3A_144, %swap3A_145] {strides = array<i32>} : memref<4x128xi32, #tpu.memory_space<vmem>>, vector<1x16xi32>,
    %swap3A_147 = vector.shape_cast %swap3A_146 : vector<1x16xi32> to vector<16xi32>
    %swap3A_148 = vector.shape_cast %and3A_142 : vector<16xi32> to vector<1x16xi32>
    tpu.vector_store %arg9[%swap3A_144, %swap3A_145], %swap3A_148 {strides = array<i32>} : memref<4x128xi32, #tpu.memory_space<vmem>>, vector<1x16xi32>,
    %get3A_149 = arith.constant 48 : index
    %get3A_150 = tpu.vector_load %arg8[%get3A_149] {strides = array<i32>} : memref<128xi32, #tpu.memory_space<vmem>>, vector<16xi32>,
    %get3A_151 = vector.shape_cast %get3A_150 : vector<16xi32> to vector<16xi32>
    %and3A_152 = arith.constant 255 : i32
    %and3A_153 = vector.broadcast %and3A_152 : i32 to vector<16xi32>
    %and3A_154 = arith.andi %get3A_151, %and3A_153 : vector<16xi32>
    %swap3A_155 = arith.constant 1 : i32
    %swap3A_156 = arith.index_cast %swap3A_155 : i32 to index
    %swap3A_157 = arith.constant 48 : index
    %swap3A_158 = tpu.vector_load %arg9[%swap3A_156, %swap3A_157] {strides = array<i32>} : memref<4x128xi32, #tpu.memory_space<vmem>>, vector<1x16xi32>,
    %swap3A_159 = vector.shape_cast %swap3A_158 : vector<1x16xi32> to vector<16xi32>
    %swap3A_160 = vector.shape_cast %and3A_154 : vector<16xi32> to vector<1x16xi32>
    tpu.vector_store %arg9[%swap3A_156, %swap3A_157], %swap3A_160 {strides = array<i32>} : memref<4x128xi32, #tpu.memory_space<vmem>>, vector<1x16xi32>,
    %get3A_161 = arith.constant 64 : index
    %get3A_162 = tpu.vector_load %arg8[%get3A_161] {strides = array<i32>} : memref<128xi32, #tpu.memory_space<vmem>>, vector<16xi32>,
    %get3A_163 = vector.shape_cast %get3A_162 : vector<16xi32> to vector<16xi32>
    %and3A_164 = arith.constant 255 : i32
    %and3A_165 = vector.broadcast %and3A_164 : i32 to vector<16xi32>
    %and3A_166 = arith.andi %get3A_163, %and3A_165 : vector<16xi32>
    %swap3A_167 = arith.constant 1 : i32
    %swap3A_168 = arith.index_cast %swap3A_167 : i32 to index
    %swap3A_169 = arith.constant 64 : index
    %swap3A_170 = tpu.vector_load %arg9[%swap3A_168, %swap3A_169] {strides = array<i32>} : memref<4x128xi32, #tpu.memory_space<vmem>>, vector<1x16xi32>,
    %swap3A_171 = vector.shape_cast %swap3A_170 : vector<1x16xi32> to vector<16xi32>
    %swap3A_172 = vector.shape_cast %and3A_166 : vector<16xi32> to vector<1x16xi32>
    tpu.vector_store %arg9[%swap3A_168, %swap3A_169], %swap3A_172 {strides = array<i32>} : memref<4x128xi32, #tpu.memory_space<vmem>>, vector<1x16xi32>,
    %get3A_173 = arith.constant 80 : index
    %get3A_174 = tpu.vector_load %arg8[%get3A_173] {strides = array<i32>} : memref<128xi32, #tpu.memory_space<vmem>>, vector<16xi32>,
    %get3A_175 = vector.shape_cast %get3A_174 : vector<16xi32> to vector<16xi32>
    %and3A_176 = arith.constant 255 : i32
    %and3A_177 = vector.broadcast %and3A_176 : i32 to vector<16xi32>
    %and3A_178 = arith.andi %get3A_175, %and3A_177 : vector<16xi32>
    %swap3A_179 = arith.constant 1 : i32
    %swap3A_180 = arith.index_cast %swap3A_179 : i32 to index
    %swap3A_181 = arith.constant 80 : index
    %swap3A_182 = tpu.vector_load %arg9[%swap3A_180, %swap3A_181] {strides = array<i32>} : memref<4x128xi32, #tpu.memory_space<vmem>>, vector<1x16xi32>,
    %swap3A_183 = vector.shape_cast %swap3A_182 : vector<1x16xi32> to vector<16xi32>
    %swap3A_184 = vector.shape_cast %and3A_178 : vector<16xi32> to vector<1x16xi32>
    tpu.vector_store %arg9[%swap3A_180, %swap3A_181], %swap3A_184 {strides = array<i32>} : memref<4x128xi32, #tpu.memory_space<vmem>>, vector<1x16xi32>,
    %get3A_185 = arith.constant 96 : index
    %get3A_186 = tpu.vector_load %arg8[%get3A_185] {strides = array<i32>} : memref<128xi32, #tpu.memory_space<vmem>>, vector<16xi32>,
    %get3A_187 = vector.shape_cast %get3A_186 : vector<16xi32> to vector<16xi32>
    %and3A_188 = arith.constant 255 : i32
    %and3A_189 = vector.broadcast %and3A_188 : i32 to vector<16xi32>
    %and3A_190 = arith.andi %get3A_187, %and3A_189 : vector<16xi32>
    %swap3A_191 = arith.constant 1 : i32
    %swap3A_192 = arith.index_cast %swap3A_191 : i32 to index
    %swap3A_193 = arith.constant 96 : index
    %swap3A_194 = tpu.vector_load %arg9[%swap3A_192, %swap3A_193] {strides = array<i32>} : memref<4x128xi32, #tpu.memory_space<vmem>>, vector<1x16xi32>,
    %swap3A_195 = vector.shape_cast %swap3A_194 : vector<1x16xi32> to vector<16xi32>
    %swap3A_196 = vector.shape_cast %and3A_190 : vector<16xi32> to vector<1x16xi32>
    tpu.vector_store %arg9[%swap3A_192, %swap3A_193], %swap3A_196 {strides = array<i32>} : memref<4x128xi32, #tpu.memory_space<vmem>>, vector<1x16xi32>,
    %get3A_197 = arith.constant 112 : index
    %get3A_198 = tpu.vector_load %arg8[%get3A_197] {strides = array<i32>} : memref<128xi32, #tpu.memory_space<vmem>>, vector<16xi32>,
    %get3A_199 = vector.shape_cast %get3A_198 : vector<16xi32> to vector<16xi32>
    %and3A_200 = arith.constant 255 : i32
    %and3A_201 = vector.broadcast %and3A_200 : i32 to vector<16xi32>
    %and3A_202 = arith.andi %get3A_199, %and3A_201 : vector<16xi32>
    %swap3A_203 = arith.constant 1 : i32
    %swap3A_204 = arith.index_cast %swap3A_203 : i32 to index
    %swap3A_205 = arith.constant 112 : index
    %swap3A_206 = tpu.vector_load %arg9[%swap3A_204, %swap3A_205] {strides = array<i32>} : memref<4x128xi32, #tpu.memory_space<vmem>>, vector<1x16xi32>,
    %swap3A_207 = vector.shape_cast %swap3A_206 : vector<1x16xi32> to vector<16xi32>
    %swap3A_208 = vector.shape_cast %and3A_202 : vector<16xi32> to vector<1x16xi32>
    tpu.vector_store %arg9[%swap3A_204, %swap3A_205], %swap3A_208 {strides = array<i32>} : memref<4x128xi32, #tpu.memory_space<vmem>>, vector<1x16xi32>,
    %dma_start3A_209 = arith.constant 1 : i32
    %dma_start3A_210 = arith.constant 128 : i32
    %dma_start3A_211 = arith.constant 0 : i32
    %dma_start3A_212 = tpu.memref_slice %arg10[%dma_start3A_210, %dma_start3A_211] : memref<512x128xf32, #tpu.memory_space<vmem>> -> memref<128x128xf32, #tpu.memory_space<vmem>>
    %dma_start3A_213 = arith.constant 0 : i32
    %dma_start3A_214 = tpu.memref_slice %arg9[%dma_start3A_209, %dma_start3A_213] : memref<4x128xi32, #tpu.memory_space<vmem>> -> memref<1x128xi32, #tpu.memory_space<vmem>>
    %dma_start3A_215 = tpu.memref_squeeze %dma_start3A_214 : memref<1x128xi32, #tpu.memory_space<vmem>> -> memref<128xi32, #tpu.memory_space<vmem>>
    %dma_start3A_216 = arith.constant 0 : i32
    %dma_start3A_217 = arith.constant 0 : i32
    %dma_start3A_218 = tpu.memref_slice %arg4[%dma_start3A_216, %dma_start3A_217] : memref<256x128xf32, #tpu.memory_space<hbm>> -> memref<256x128xf32, #tpu.memory_space<hbm>>
    tpu.enqueue_indirect_dma source(%dma_start3A_218 : memref<256x128xf32, #tpu.memory_space<hbm>>) target(%dma_start3A_212 : memref<128x128xf32, #tpu.memory_space<vmem>>) offsets(%dma_start3A_215 : memref<128xi32, #tpu.memory_space<vmem>>) semaphore(%arg11 : memref<!tpu.dma_semaphore, #tpu.memory_space<semaphore_mem>>)
    %mul3A_219 = arith.constant 4 : i32
    %mul3A_220 = arith.muli %add3A, %mul3A_219 : i32
    %add3A_221 = arith.constant 2 : i32
    %add3A_222 = arith.addi %mul3A_220, %add3A_221 : i32
    "tpu.region"() ({
      %run_scoped3A = tpu.sem_alloc : memref<!tpu.dma_semaphore, #tpu.memory_space<semaphore_mem>>
      %dma_start3A_974 = arith.constant 0 : i32
      %dma_start3A_975 = tpu.memref_slice %arg2[%add3A_222, %dma_start3A_974] : memref<128x128xi32, #tpu.memory_space<hbm>> -> memref<1x128xi32, #tpu.memory_space<hbm>>
      %dma_start3A_976 = tpu.memref_squeeze %dma_start3A_975 : memref<1x128xi32, #tpu.memory_space<hbm>> -> memref<128xi32, #tpu.memory_space<hbm>>
      %dma_start3A_977 = arith.constant 0 : i32
      %dma_start3A_978 = tpu.memref_slice %arg2[%add3A_222, %dma_start3A_977] : memref<128x128xi32, #tpu.memory_space<hbm>> -> memref<1x128xi32, #tpu.memory_space<hbm>>
      %dma_start3A_979 = tpu.memref_squeeze %dma_start3A_978 : memref<1x128xi32, #tpu.memory_space<hbm>> -> memref<128xi32, #tpu.memory_space<hbm>>
      tpu.enqueue_dma source(%dma_start3A_979 : memref<128xi32, #tpu.memory_space<hbm>>) target(%arg8 : memref<128xi32, #tpu.memory_space<vmem>>) target_semaphore(%run_scoped3A : memref<!tpu.dma_semaphore, #tpu.memory_space<semaphore_mem>>)
      %dma_wait3A_980 = arith.constant 0 : i32
      %dma_wait3A_981 = tpu.memref_slice %arg2[%add3A_222, %dma_wait3A_980] : memref<128x128xi32, #tpu.memory_space<hbm>> -> memref<1x128xi32, #tpu.memory_space<hbm>>
      %dma_wait3A_982 = tpu.memref_squeeze %dma_wait3A_981 : memref<1x128xi32, #tpu.memory_space<hbm>> -> memref<128xi32, #tpu.memory_space<hbm>>
      %dma_wait3A_983 = arith.constant 0 : i32
      %dma_wait3A_984 = tpu.memref_slice %arg2[%add3A_222, %dma_wait3A_983] : memref<128x128xi32, #tpu.memory_space<hbm>> -> memref<1x128xi32, #tpu.memory_space<hbm>>
      %dma_wait3A_985 = tpu.memref_squeeze %dma_wait3A_984 : memref<1x128xi32, #tpu.memory_space<hbm>> -> memref<128xi32, #tpu.memory_space<hbm>>
      tpu.wait_dma2 semaphore(%run_scoped3A : memref<!tpu.dma_semaphore, #tpu.memory_space<semaphore_mem>>) src(%dma_wait3A_985 : memref<128xi32, #tpu.memory_space<hbm>>) dst(%arg8 : memref<128xi32, #tpu.memory_space<vmem>>)
      tpu.yield
    }) : () -> ()
    %get3A_223 = arith.constant 0 : index
    %get3A_224 = tpu.vector_load %arg8[%get3A_223] {strides = array<i32>} : memref<128xi32, #tpu.memory_space<vmem>>, vector<16xi32>,
    %get3A_225 = vector.shape_cast %get3A_224 : vector<16xi32> to vector<16xi32>
    %and3A_226 = arith.constant 255 : i32
    %and3A_227 = vector.broadcast %and3A_226 : i32 to vector<16xi32>
    %and3A_228 = arith.andi %get3A_225, %and3A_227 : vector<16xi32>
    %swap3A_229 = arith.constant 2 : i32
    %swap3A_230 = arith.index_cast %swap3A_229 : i32 to index
    %swap3A_231 = arith.constant 0 : index
    %swap3A_232 = tpu.vector_load %arg9[%swap3A_230, %swap3A_231] {strides = array<i32>} : memref<4x128xi32, #tpu.memory_space<vmem>>, vector<1x16xi32>,
    %swap3A_233 = vector.shape_cast %swap3A_232 : vector<1x16xi32> to vector<16xi32>
    %swap3A_234 = vector.shape_cast %and3A_228 : vector<16xi32> to vector<1x16xi32>
    tpu.vector_store %arg9[%swap3A_230, %swap3A_231], %swap3A_234 {strides = array<i32>} : memref<4x128xi32, #tpu.memory_space<vmem>>, vector<1x16xi32>,
    %get3A_235 = arith.constant 16 : index
    %get3A_236 = tpu.vector_load %arg8[%get3A_235] {strides = array<i32>} : memref<128xi32, #tpu.memory_space<vmem>>, vector<16xi32>,
    %get3A_237 = vector.shape_cast %get3A_236 : vector<16xi32> to vector<16xi32>
    %and3A_238 = arith.constant 255 : i32
    %and3A_239 = vector.broadcast %and3A_238 : i32 to vector<16xi32>
    %and3A_240 = arith.andi %get3A_237, %and3A_239 : vector<16xi32>
    %swap3A_241 = arith.constant 2 : i32
    %swap3A_242 = arith.index_cast %swap3A_241 : i32 to index
    %swap3A_243 = arith.constant 16 : index
    %swap3A_244 = tpu.vector_load %arg9[%swap3A_242, %swap3A_243] {strides = array<i32>} : memref<4x128xi32, #tpu.memory_space<vmem>>, vector<1x16xi32>,
    %swap3A_245 = vector.shape_cast %swap3A_244 : vector<1x16xi32> to vector<16xi32>
    %swap3A_246 = vector.shape_cast %and3A_240 : vector<16xi32> to vector<1x16xi32>
    tpu.vector_store %arg9[%swap3A_242, %swap3A_243], %swap3A_246 {strides = array<i32>} : memref<4x128xi32, #tpu.memory_space<vmem>>, vector<1x16xi32>,
    %get3A_247 = arith.constant 32 : index
    %get3A_248 = tpu.vector_load %arg8[%get3A_247] {strides = array<i32>} : memref<128xi32, #tpu.memory_space<vmem>>, vector<16xi32>,
    %get3A_249 = vector.shape_cast %get3A_248 : vector<16xi32> to vector<16xi32>
    %and3A_250 = arith.constant 255 : i32
    %and3A_251 = vector.broadcast %and3A_250 : i32 to vector<16xi32>
    %and3A_252 = arith.andi %get3A_249, %and3A_251 : vector<16xi32>
    %swap3A_253 = arith.constant 2 : i32
    %swap3A_254 = arith.index_cast %swap3A_253 : i32 to index
    %swap3A_255 = arith.constant 32 : index
    %swap3A_256 = tpu.vector_load %arg9[%swap3A_254, %swap3A_255] {strides = array<i32>} : memref<4x128xi32, #tpu.memory_space<vmem>>, vector<1x16xi32>,
    %swap3A_257 = vector.shape_cast %swap3A_256 : vector<1x16xi32> to vector<16xi32>
    %swap3A_258 = vector.shape_cast %and3A_252 : vector<16xi32> to vector<1x16xi32>
    tpu.vector_store %arg9[%swap3A_254, %swap3A_255], %swap3A_258 {strides = array<i32>} : memref<4x128xi32, #tpu.memory_space<vmem>>, vector<1x16xi32>,
    %get3A_259 = arith.constant 48 : index
    %get3A_260 = tpu.vector_load %arg8[%get3A_259] {strides = array<i32>} : memref<128xi32, #tpu.memory_space<vmem>>, vector<16xi32>,
    %get3A_261 = vector.shape_cast %get3A_260 : vector<16xi32> to vector<16xi32>
    %and3A_262 = arith.constant 255 : i32
    %and3A_263 = vector.broadcast %and3A_262 : i32 to vector<16xi32>
    %and3A_264 = arith.andi %get3A_261, %and3A_263 : vector<16xi32>
    %swap3A_265 = arith.constant 2 : i32
    %swap3A_266 = arith.index_cast %swap3A_265 : i32 to index
    %swap3A_267 = arith.constant 48 : index
    %swap3A_268 = tpu.vector_load %arg9[%swap3A_266, %swap3A_267] {strides = array<i32>} : memref<4x128xi32, #tpu.memory_space<vmem>>, vector<1x16xi32>,
    %swap3A_269 = vector.shape_cast %swap3A_268 : vector<1x16xi32> to vector<16xi32>
    %swap3A_270 = vector.shape_cast %and3A_264 : vector<16xi32> to vector<1x16xi32>
    tpu.vector_store %arg9[%swap3A_266, %swap3A_267], %swap3A_270 {strides = array<i32>} : memref<4x128xi32, #tpu.memory_space<vmem>>, vector<1x16xi32>,
    %get3A_271 = arith.constant 64 : index
    %get3A_272 = tpu.vector_load %arg8[%get3A_271] {strides = array<i32>} : memref<128xi32, #tpu.memory_space<vmem>>, vector<16xi32>,
    %get3A_273 = vector.shape_cast %get3A_272 : vector<16xi32> to vector<16xi32>
    %and3A_274 = arith.constant 255 : i32
    %and3A_275 = vector.broadcast %and3A_274 : i32 to vector<16xi32>
    %and3A_276 = arith.andi %get3A_273, %and3A_275 : vector<16xi32>
    %swap3A_277 = arith.constant 2 : i32
    %swap3A_278 = arith.index_cast %swap3A_277 : i32 to index
    %swap3A_279 = arith.constant 64 : index
    %swap3A_280 = tpu.vector_load %arg9[%swap3A_278, %swap3A_279] {strides = array<i32>} : memref<4x128xi32, #tpu.memory_space<vmem>>, vector<1x16xi32>,
    %swap3A_281 = vector.shape_cast %swap3A_280 : vector<1x16xi32> to vector<16xi32>
    %swap3A_282 = vector.shape_cast %and3A_276 : vector<16xi32> to vector<1x16xi32>
    tpu.vector_store %arg9[%swap3A_278, %swap3A_279], %swap3A_282 {strides = array<i32>} : memref<4x128xi32, #tpu.memory_space<vmem>>, vector<1x16xi32>,
    %get3A_283 = arith.constant 80 : index
    %get3A_284 = tpu.vector_load %arg8[%get3A_283] {strides = array<i32>} : memref<128xi32, #tpu.memory_space<vmem>>, vector<16xi32>,
    %get3A_285 = vector.shape_cast %get3A_284 : vector<16xi32> to vector<16xi32>
    %and3A_286 = arith.constant 255 : i32
    %and3A_287 = vector.broadcast %and3A_286 : i32 to vector<16xi32>
    %and3A_288 = arith.andi %get3A_285, %and3A_287 : vector<16xi32>
    %swap3A_289 = arith.constant 2 : i32
    %swap3A_290 = arith.index_cast %swap3A_289 : i32 to index
    %swap3A_291 = arith.constant 80 : index
    %swap3A_292 = tpu.vector_load %arg9[%swap3A_290, %swap3A_291] {strides = array<i32>} : memref<4x128xi32, #tpu.memory_space<vmem>>, vector<1x16xi32>,
    %swap3A_293 = vector.shape_cast %swap3A_292 : vector<1x16xi32> to vector<16xi32>
    %swap3A_294 = vector.shape_cast %and3A_288 : vector<16xi32> to vector<1x16xi32>
    tpu.vector_store %arg9[%swap3A_290, %swap3A_291], %swap3A_294 {strides = array<i32>} : memref<4x128xi32, #tpu.memory_space<vmem>>, vector<1x16xi32>,
    %get3A_295 = arith.constant 96 : index
    %get3A_296 = tpu.vector_load %arg8[%get3A_295] {strides = array<i32>} : memref<128xi32, #tpu.memory_space<vmem>>, vector<16xi32>,
    %get3A_297 = vector.shape_cast %get3A_296 : vector<16xi32> to vector<16xi32>
    %and3A_298 = arith.constant 255 : i32
    %and3A_299 = vector.broadcast %and3A_298 : i32 to vector<16xi32>
    %and3A_300 = arith.andi %get3A_297, %and3A_299 : vector<16xi32>
    %swap3A_301 = arith.constant 2 : i32
    %swap3A_302 = arith.index_cast %swap3A_301 : i32 to index
    %swap3A_303 = arith.constant 96 : index
    %swap3A_304 = tpu.vector_load %arg9[%swap3A_302, %swap3A_303] {strides = array<i32>} : memref<4x128xi32, #tpu.memory_space<vmem>>, vector<1x16xi32>,
    %swap3A_305 = vector.shape_cast %swap3A_304 : vector<1x16xi32> to vector<16xi32>
    %swap3A_306 = vector.shape_cast %and3A_300 : vector<16xi32> to vector<1x16xi32>
    tpu.vector_store %arg9[%swap3A_302, %swap3A_303], %swap3A_306 {strides = array<i32>} : memref<4x128xi32, #tpu.memory_space<vmem>>, vector<1x16xi32>,
    %get3A_307 = arith.constant 112 : index
    %get3A_308 = tpu.vector_load %arg8[%get3A_307] {strides = array<i32>} : memref<128xi32, #tpu.memory_space<vmem>>, vector<16xi32>,
    %get3A_309 = vector.shape_cast %get3A_308 : vector<16xi32> to vector<16xi32>
    %and3A_310 = arith.constant 255 : i32
    %and3A_311 = vector.broadcast %and3A_310 : i32 to vector<16xi32>
    %and3A_312 = arith.andi %get3A_309, %and3A_311 : vector<16xi32>
    %swap3A_313 = arith.constant 2 : i32
    %swap3A_314 = arith.index_cast %swap3A_313 : i32 to index
    %swap3A_315 = arith.constant 112 : index
    %swap3A_316 = tpu.vector_load %arg9[%swap3A_314, %swap3A_315] {strides = array<i32>} : memref<4x128xi32, #tpu.memory_space<vmem>>, vector<1x16xi32>,
    %swap3A_317 = vector.shape_cast %swap3A_316 : vector<1x16xi32> to vector<16xi32>
    %swap3A_318 = vector.shape_cast %and3A_312 : vector<16xi32> to vector<1x16xi32>
    tpu.vector_store %arg9[%swap3A_314, %swap3A_315], %swap3A_318 {strides = array<i32>} : memref<4x128xi32, #tpu.memory_space<vmem>>, vector<1x16xi32>,
    %dma_start3A_319 = arith.constant 2 : i32
    %dma_start3A_320 = arith.constant 256 : i32
    %dma_start3A_321 = arith.constant 0 : i32
    %dma_start3A_322 = tpu.memref_slice %arg10[%dma_start3A_320, %dma_start3A_321] : memref<512x128xf32, #tpu.memory_space<vmem>> -> memref<128x128xf32, #tpu.memory_space<vmem>>
    %dma_start3A_323 = arith.constant 0 : i32
    %dma_start3A_324 = tpu.memref_slice %arg9[%dma_start3A_319, %dma_start3A_323] : memref<4x128xi32, #tpu.memory_space<vmem>> -> memref<1x128xi32, #tpu.memory_space<vmem>>
    %dma_start3A_325 = tpu.memref_squeeze %dma_start3A_324 : memref<1x128xi32, #tpu.memory_space<vmem>> -> memref<128xi32, #tpu.memory_space<vmem>>
    %dma_start3A_326 = arith.constant 0 : i32
    %dma_start3A_327 = arith.constant 0 : i32
    %dma_start3A_328 = tpu.memref_slice %arg4[%dma_start3A_326, %dma_start3A_327] : memref<256x128xf32, #tpu.memory_space<hbm>> -> memref<256x128xf32, #tpu.memory_space<hbm>>
    tpu.enqueue_indirect_dma source(%dma_start3A_328 : memref<256x128xf32, #tpu.memory_space<hbm>>) target(%dma_start3A_322 : memref<128x128xf32, #tpu.memory_space<vmem>>) offsets(%dma_start3A_325 : memref<128xi32, #tpu.memory_space<vmem>>) semaphore(%arg11 : memref<!tpu.dma_semaphore, #tpu.memory_space<semaphore_mem>>)
    %mul3A_329 = arith.constant 4 : i32
    %mul3A_330 = arith.muli %add3A, %mul3A_329 : i32
    %add3A_331 = arith.constant 3 : i32
    %add3A_332 = arith.addi %mul3A_330, %add3A_331 : i32
    "tpu.region"() ({
      %run_scoped3A = tpu.sem_alloc : memref<!tpu.dma_semaphore, #tpu.memory_space<semaphore_mem>>
      %dma_start3A_974 = arith.constant 0 : i32
      %dma_start3A_975 = tpu.memref_slice %arg2[%add3A_332, %dma_start3A_974] : memref<128x128xi32, #tpu.memory_space<hbm>> -> memref<1x128xi32, #tpu.memory_space<hbm>>
      %dma_start3A_976 = tpu.memref_squeeze %dma_start3A_975 : memref<1x128xi32, #tpu.memory_space<hbm>> -> memref<128xi32, #tpu.memory_space<hbm>>
      %dma_start3A_977 = arith.constant 0 : i32
      %dma_start3A_978 = tpu.memref_slice %arg2[%add3A_332, %dma_start3A_977] : memref<128x128xi32, #tpu.memory_space<hbm>> -> memref<1x128xi32, #tpu.memory_space<hbm>>
      %dma_start3A_979 = tpu.memref_squeeze %dma_start3A_978 : memref<1x128xi32, #tpu.memory_space<hbm>> -> memref<128xi32, #tpu.memory_space<hbm>>
      tpu.enqueue_dma source(%dma_start3A_979 : memref<128xi32, #tpu.memory_space<hbm>>) target(%arg8 : memref<128xi32, #tpu.memory_space<vmem>>) target_semaphore(%run_scoped3A : memref<!tpu.dma_semaphore, #tpu.memory_space<semaphore_mem>>)
      %dma_wait3A_980 = arith.constant 0 : i32
      %dma_wait3A_981 = tpu.memref_slice %arg2[%add3A_332, %dma_wait3A_980] : memref<128x128xi32, #tpu.memory_space<hbm>> -> memref<1x128xi32, #tpu.memory_space<hbm>>
      %dma_wait3A_982 = tpu.memref_squeeze %dma_wait3A_981 : memref<1x128xi32, #tpu.memory_space<hbm>> -> memref<128xi32, #tpu.memory_space<hbm>>
      %dma_wait3A_983 = arith.constant 0 : i32
      %dma_wait3A_984 = tpu.memref_slice %arg2[%add3A_332, %dma_wait3A_983] : memref<128x128xi32, #tpu.memory_space<hbm>> -> memref<1x128xi32, #tpu.memory_space<hbm>>
      %dma_wait3A_985 = tpu.memref_squeeze %dma_wait3A_984 : memref<1x128xi32, #tpu.memory_space<hbm>> -> memref<128xi32, #tpu.memory_space<hbm>>
      tpu.wait_dma2 semaphore(%run_scoped3A : memref<!tpu.dma_semaphore, #tpu.memory_space<semaphore_mem>>) src(%dma_wait3A_985 : memref<128xi32, #tpu.memory_space<hbm>>) dst(%arg8 : memref<128xi32, #tpu.memory_space<vmem>>)
      tpu.yield
    }) : () -> ()
    %get3A_333 = arith.constant 0 : index
    %get3A_334 = tpu.vector_load %arg8[%get3A_333] {strides = array<i32>} : memref<128xi32, #tpu.memory_space<vmem>>, vector<16xi32>,
    %get3A_335 = vector.shape_cast %get3A_334 : vector<16xi32> to vector<16xi32>
    %and3A_336 = arith.constant 255 : i32
    %and3A_337 = vector.broadcast %and3A_336 : i32 to vector<16xi32>
    %and3A_338 = arith.andi %get3A_335, %and3A_337 : vector<16xi32>
    %swap3A_339 = arith.constant 3 : i32
    %swap3A_340 = arith.index_cast %swap3A_339 : i32 to index
    %swap3A_341 = arith.constant 0 : index
    %swap3A_342 = tpu.vector_load %arg9[%swap3A_340, %swap3A_341] {strides = array<i32>} : memref<4x128xi32, #tpu.memory_space<vmem>>, vector<1x16xi32>,
    %swap3A_343 = vector.shape_cast %swap3A_342 : vector<1x16xi32> to vector<16xi32>
    %swap3A_344 = vector.shape_cast %and3A_338 : vector<16xi32> to vector<1x16xi32>
    tpu.vector_store %arg9[%swap3A_340, %swap3A_341], %swap3A_344 {strides = array<i32>} : memref<4x128xi32, #tpu.memory_space<vmem>>, vector<1x16xi32>,
    %get3A_345 = arith.constant 16 : index
    %get3A_346 = tpu.vector_load %arg8[%get3A_345] {strides = array<i32>} : memref<128xi32, #tpu.memory_space<vmem>>, vector<16xi32>,
    %get3A_347 = vector.shape_cast %get3A_346 : vector<16xi32> to vector<16xi32>
    %and3A_348 = arith.constant 255 : i32
    %and3A_349 = vector.broadcast %and3A_348 : i32 to vector<16xi32>
    %and3A_350 = arith.andi %get3A_347, %and3A_349 : vector<16xi32>
    %swap3A_351 = arith.constant 3 : i32
    %swap3A_352 = arith.index_cast %swap3A_351 : i32 to index
    %swap3A_353 = arith.constant 16 : index
    %swap3A_354 = tpu.vector_load %arg9[%swap3A_352, %swap3A_353] {strides = array<i32>} : memref<4x128xi32, #tpu.memory_space<vmem>>, vector<1x16xi32>,
    %swap3A_355 = vector.shape_cast %swap3A_354 : vector<1x16xi32> to vector<16xi32>
    %swap3A_356 = vector.shape_cast %and3A_350 : vector<16xi32> to vector<1x16xi32>
    tpu.vector_store %arg9[%swap3A_352, %swap3A_353], %swap3A_356 {strides = array<i32>} : memref<4x128xi32, #tpu.memory_space<vmem>>, vector<1x16xi32>,
    %get3A_357 = arith.constant 32 : index
    %get3A_358 = tpu.vector_load %arg8[%get3A_357] {strides = array<i32>} : memref<128xi32, #tpu.memory_space<vmem>>, vector<16xi32>,
    %get3A_359 = vector.shape_cast %get3A_358 : vector<16xi32> to vector<16xi32>
    %and3A_360 = arith.constant 255 : i32
    %and3A_361 = vector.broadcast %and3A_360 : i32 to vector<16xi32>
    %and3A_362 = arith.andi %get3A_359, %and3A_361 : vector<16xi32>
    %swap3A_363 = arith.constant 3 : i32
    %swap3A_364 = arith.index_cast %swap3A_363 : i32 to index
    %swap3A_365 = arith.constant 32 : index
    %swap3A_366 = tpu.vector_load %arg9[%swap3A_364, %swap3A_365] {strides = array<i32>} : memref<4x128xi32, #tpu.memory_space<vmem>>, vector<1x16xi32>,
    %swap3A_367 = vector.shape_cast %swap3A_366 : vector<1x16xi32> to vector<16xi32>
    %swap3A_368 = vector.shape_cast %and3A_362 : vector<16xi32> to vector<1x16xi32>
    tpu.vector_store %arg9[%swap3A_364, %swap3A_365], %swap3A_368 {strides = array<i32>} : memref<4x128xi32, #tpu.memory_space<vmem>>, vector<1x16xi32>,
    %get3A_369 = arith.constant 48 : index
    %get3A_370 = tpu.vector_load %arg8[%get3A_369] {strides = array<i32>} : memref<128xi32, #tpu.memory_space<vmem>>, vector<16xi32>,
    %get3A_371 = vector.shape_cast %get3A_370 : vector<16xi32> to vector<16xi32>
    %and3A_372 = arith.constant 255 : i32
    %and3A_373 = vector.broadcast %and3A_372 : i32 to vector<16xi32>
    %and3A_374 = arith.andi %get3A_371, %and3A_373 : vector<16xi32>
    %swap3A_375 = arith.constant 3 : i32
    %swap3A_376 = arith.index_cast %swap3A_375 : i32 to index
    %swap3A_377 = arith.constant 48 : index
    %swap3A_378 = tpu.vector_load %arg9[%swap3A_376, %swap3A_377] {strides = array<i32>} : memref<4x128xi32, #tpu.memory_space<vmem>>, vector<1x16xi32>,
    %swap3A_379 = vector.shape_cast %swap3A_378 : vector<1x16xi32> to vector<16xi32>
    %swap3A_380 = vector.shape_cast %and3A_374 : vector<16xi32> to vector<1x16xi32>
    tpu.vector_store %arg9[%swap3A_376, %swap3A_377], %swap3A_380 {strides = array<i32>} : memref<4x128xi32, #tpu.memory_space<vmem>>, vector<1x16xi32>,
    %get3A_381 = arith.constant 64 : index
    %get3A_382 = tpu.vector_load %arg8[%get3A_381] {strides = array<i32>} : memref<128xi32, #tpu.memory_space<vmem>>, vector<16xi32>,
    %get3A_383 = vector.shape_cast %get3A_382 : vector<16xi32> to vector<16xi32>
    %and3A_384 = arith.constant 255 : i32
    %and3A_385 = vector.broadcast %and3A_384 : i32 to vector<16xi32>
    %and3A_386 = arith.andi %get3A_383, %and3A_385 : vector<16xi32>
    %swap3A_387 = arith.constant 3 : i32
    %swap3A_388 = arith.index_cast %swap3A_387 : i32 to index
    %swap3A_389 = arith.constant 64 : index
    %swap3A_390 = tpu.vector_load %arg9[%swap3A_388, %swap3A_389] {strides = array<i32>} : memref<4x128xi32, #tpu.memory_space<vmem>>, vector<1x16xi32>,
    %swap3A_391 = vector.shape_cast %swap3A_390 : vector<1x16xi32> to vector<16xi32>
    %swap3A_392 = vector.shape_cast %and3A_386 : vector<16xi32> to vector<1x16xi32>
    tpu.vector_store %arg9[%swap3A_388, %swap3A_389], %swap3A_392 {strides = array<i32>} : memref<4x128xi32, #tpu.memory_space<vmem>>, vector<1x16xi32>,
    %get3A_393 = arith.constant 80 : index
    %get3A_394 = tpu.vector_load %arg8[%get3A_393] {strides = array<i32>} : memref<128xi32, #tpu.memory_space<vmem>>, vector<16xi32>,
    %get3A_395 = vector.shape_cast %get3A_394 : vector<16xi32> to vector<16xi32>
    %and3A_396 = arith.constant 255 : i32
    %and3A_397 = vector.broadcast %and3A_396 : i32 to vector<16xi32>
    %and3A_398 = arith.andi %get3A_395, %and3A_397 : vector<16xi32>
    %swap3A_399 = arith.constant 3 : i32
    %swap3A_400 = arith.index_cast %swap3A_399 : i32 to index
    %swap3A_401 = arith.constant 80 : index
    %swap3A_402 = tpu.vector_load %arg9[%swap3A_400, %swap3A_401] {strides = array<i32>} : memref<4x128xi32, #tpu.memory_space<vmem>>, vector<1x16xi32>,
    %swap3A_403 = vector.shape_cast %swap3A_402 : vector<1x16xi32> to vector<16xi32>
    %swap3A_404 = vector.shape_cast %and3A_398 : vector<16xi32> to vector<1x16xi32>
    tpu.vector_store %arg9[%swap3A_400, %swap3A_401], %swap3A_404 {strides = array<i32>} : memref<4x128xi32, #tpu.memory_space<vmem>>, vector<1x16xi32>,
    %get3A_405 = arith.constant 96 : index
    %get3A_406 = tpu.vector_load %arg8[%get3A_405] {strides = array<i32>} : memref<128xi32, #tpu.memory_space<vmem>>, vector<16xi32>,
    %get3A_407 = vector.shape_cast %get3A_406 : vector<16xi32> to vector<16xi32>
    %and3A_408 = arith.constant 255 : i32
    %and3A_409 = vector.broadcast %and3A_408 : i32 to vector<16xi32>
    %and3A_410 = arith.andi %get3A_407, %and3A_409 : vector<16xi32>
    %swap3A_411 = arith.constant 3 : i32
    %swap3A_412 = arith.index_cast %swap3A_411 : i32 to index
    %swap3A_413 = arith.constant 96 : index
    %swap3A_414 = tpu.vector_load %arg9[%swap3A_412, %swap3A_413] {strides = array<i32>} : memref<4x128xi32, #tpu.memory_space<vmem>>, vector<1x16xi32>,
    %swap3A_415 = vector.shape_cast %swap3A_414 : vector<1x16xi32> to vector<16xi32>
    %swap3A_416 = vector.shape_cast %and3A_410 : vector<16xi32> to vector<1x16xi32>
    tpu.vector_store %arg9[%swap3A_412, %swap3A_413], %swap3A_416 {strides = array<i32>} : memref<4x128xi32, #tpu.memory_space<vmem>>, vector<1x16xi32>,
    %get3A_417 = arith.constant 112 : index
    %get3A_418 = tpu.vector_load %arg8[%get3A_417] {strides = array<i32>} : memref<128xi32, #tpu.memory_space<vmem>>, vector<16xi32>,
    %get3A_419 = vector.shape_cast %get3A_418 : vector<16xi32> to vector<16xi32>
    %and3A_420 = arith.constant 255 : i32
    %and3A_421 = vector.broadcast %and3A_420 : i32 to vector<16xi32>
    %and3A_422 = arith.andi %get3A_419, %and3A_421 : vector<16xi32>
    %swap3A_423 = arith.constant 3 : i32
    %swap3A_424 = arith.index_cast %swap3A_423 : i32 to index
    %swap3A_425 = arith.constant 112 : index
    %swap3A_426 = tpu.vector_load %arg9[%swap3A_424, %swap3A_425] {strides = array<i32>} : memref<4x128xi32, #tpu.memory_space<vmem>>, vector<1x16xi32>,
    %swap3A_427 = vector.shape_cast %swap3A_426 : vector<1x16xi32> to vector<16xi32>
    %swap3A_428 = vector.shape_cast %and3A_422 : vector<16xi32> to vector<1x16xi32>
    tpu.vector_store %arg9[%swap3A_424, %swap3A_425], %swap3A_428 {strides = array<i32>} : memref<4x128xi32, #tpu.memory_space<vmem>>, vector<1x16xi32>,
    %dma_start3A_429 = arith.constant 3 : i32
    %dma_start3A_430 = arith.constant 384 : i32
    %dma_start3A_431 = arith.constant 0 : i32
    %dma_start3A_432 = tpu.memref_slice %arg10[%dma_start3A_430, %dma_start3A_431] : memref<512x128xf32, #tpu.memory_space<vmem>> -> memref<128x128xf32, #tpu.memory_space<vmem>>
    %dma_start3A_433 = arith.constant 0 : i32
    %dma_start3A_434 = tpu.memref_slice %arg9[%dma_start3A_429, %dma_start3A_433] : memref<4x128xi32, #tpu.memory_space<vmem>> -> memref<1x128xi32, #tpu.memory_space<vmem>>
    %dma_start3A_435 = tpu.memref_squeeze %dma_start3A_434 : memref<1x128xi32, #tpu.memory_space<vmem>> -> memref<128xi32, #tpu.memory_space<vmem>>
    %dma_start3A_436 = arith.constant 0 : i32
    %dma_start3A_437 = arith.constant 0 : i32
    %dma_start3A_438 = tpu.memref_slice %arg4[%dma_start3A_436, %dma_start3A_437] : memref<256x128xf32, #tpu.memory_space<hbm>> -> memref<256x128xf32, #tpu.memory_space<hbm>>
    tpu.enqueue_indirect_dma source(%dma_start3A_438 : memref<256x128xf32, #tpu.memory_space<hbm>>) target(%dma_start3A_432 : memref<128x128xf32, #tpu.memory_space<vmem>>) offsets(%dma_start3A_435 : memref<128xi32, #tpu.memory_space<vmem>>) semaphore(%arg11 : memref<!tpu.dma_semaphore, #tpu.memory_space<semaphore_mem>>)
    %dma_wait3A = arith.constant 0 : i32
    %dma_wait3A_439 = arith.constant 0 : i32
    %dma_wait3A_440 = arith.constant 0 : i32
    %dma_wait3A_441 = tpu.memref_slice %arg10[%dma_wait3A_439, %dma_wait3A_440] : memref<512x128xf32, #tpu.memory_space<vmem>> -> memref<128x128xf32, #tpu.memory_space<vmem>>
    %dma_wait3A_442 = arith.constant 0 : i32
    %dma_wait3A_443 = tpu.memref_slice %arg9[%dma_wait3A, %dma_wait3A_442] : memref<4x128xi32, #tpu.memory_space<vmem>> -> memref<1x128xi32, #tpu.memory_space<vmem>>
    %dma_wait3A_444 = tpu.memref_squeeze %dma_wait3A_443 : memref<1x128xi32, #tpu.memory_space<vmem>> -> memref<128xi32, #tpu.memory_space<vmem>>
    %dma_wait3A_445 = arith.constant 0 : i32
    %dma_wait3A_446 = arith.constant 0 : i32
    %dma_wait3A_447 = tpu.memref_slice %arg4[%dma_wait3A_445, %dma_wait3A_446] : memref<256x128xf32, #tpu.memory_space<hbm>> -> memref<256x128xf32, #tpu.memory_space<hbm>>
    tpu.wait_indirect_dma semaphore(%arg11 : memref<!tpu.dma_semaphore, #tpu.memory_space<semaphore_mem>>) src(%dma_wait3A_447 : memref<256x128xf32, #tpu.memory_space<hbm>>) dst(%dma_wait3A_441 : memref<128x128xf32, #tpu.memory_space<vmem>>)
    %dma_wait3A_448 = arith.constant 1 : i32
    %dma_wait3A_449 = arith.constant 128 : i32
    %dma_wait3A_450 = arith.constant 0 : i32
    %dma_wait3A_451 = tpu.memref_slice %arg10[%dma_wait3A_449, %dma_wait3A_450] : memref<512x128xf32, #tpu.memory_space<vmem>> -> memref<128x128xf32, #tpu.memory_space<vmem>>
    %dma_wait3A_452 = arith.constant 0 : i32
    %dma_wait3A_453 = tpu.memref_slice %arg9[%dma_wait3A_448, %dma_wait3A_452] : memref<4x128xi32, #tpu.memory_space<vmem>> -> memref<1x128xi32, #tpu.memory_space<vmem>>
    %dma_wait3A_454 = tpu.memref_squeeze %dma_wait3A_453 : memref<1x128xi32, #tpu.memory_space<vmem>> -> memref<128xi32, #tpu.memory_space<vmem>>
    %dma_wait3A_455 = arith.constant 0 : i32
    %dma_wait3A_456 = arith.constant 0 : i32
    %dma_wait3A_457 = tpu.memref_slice %arg4[%dma_wait3A_455, %dma_wait3A_456] : memref<256x128xf32, #tpu.memory_space<hbm>> -> memref<256x128xf32, #tpu.memory_space<hbm>>
    tpu.wait_indirect_dma semaphore(%arg11 : memref<!tpu.dma_semaphore, #tpu.memory_space<semaphore_mem>>) src(%dma_wait3A_457 : memref<256x128xf32, #tpu.memory_space<hbm>>) dst(%dma_wait3A_451 : memref<128x128xf32, #tpu.memory_space<vmem>>)
    %dma_wait3A_458 = arith.constant 2 : i32
    %dma_wait3A_459 = arith.constant 256 : i32
    %dma_wait3A_460 = arith.constant 0 : i32
    %dma_wait3A_461 = tpu.memref_slice %arg10[%dma_wait3A_459, %dma_wait3A_460] : memref<512x128xf32, #tpu.memory_space<vmem>> -> memref<128x128xf32, #tpu.memory_space<vmem>>
    %dma_wait3A_462 = arith.constant 0 : i32
    %dma_wait3A_463 = tpu.memref_slice %arg9[%dma_wait3A_458, %dma_wait3A_462] : memref<4x128xi32, #tpu.memory_space<vmem>> -> memref<1x128xi32, #tpu.memory_space<vmem>>
    %dma_wait3A_464 = tpu.memref_squeeze %dma_wait3A_463 : memref<1x128xi32, #tpu.memory_space<vmem>> -> memref<128xi32, #tpu.memory_space<vmem>>
    %dma_wait3A_465 = arith.constant 0 : i32
    %dma_wait3A_466 = arith.constant 0 : i32
    %dma_wait3A_467 = tpu.memref_slice %arg4[%dma_wait3A_465, %dma_wait3A_466] : memref<256x128xf32, #tpu.memory_space<hbm>> -> memref<256x128xf32, #tpu.memory_space<hbm>>
    tpu.wait_indirect_dma semaphore(%arg11 : memref<!tpu.dma_semaphore, #tpu.memory_space<semaphore_mem>>) src(%dma_wait3A_467 : memref<256x128xf32, #tpu.memory_space<hbm>>) dst(%dma_wait3A_461 : memref<128x128xf32, #tpu.memory_space<vmem>>)
    %dma_wait3A_468 = arith.constant 3 : i32
    %dma_wait3A_469 = arith.constant 384 : i32
    %dma_wait3A_470 = arith.constant 0 : i32
    %dma_wait3A_471 = tpu.memref_slice %arg10[%dma_wait3A_469, %dma_wait3A_470] : memref<512x128xf32, #tpu.memory_space<vmem>> -> memref<128x128xf32, #tpu.memory_space<vmem>>
    %dma_wait3A_472 = arith.constant 0 : i32
    %dma_wait3A_473 = tpu.memref_slice %arg9[%dma_wait3A_468, %dma_wait3A_472] : memref<4x128xi32, #tpu.memory_space<vmem>> -> memref<1x128xi32, #tpu.memory_space<vmem>>
    %dma_wait3A_474 = tpu.memref_squeeze %dma_wait3A_473 : memref<1x128xi32, #tpu.memory_space<vmem>> -> memref<128xi32, #tpu.memory_space<vmem>>
    %dma_wait3A_475 = arith.constant 0 : i32
    %dma_wait3A_476 = arith.constant 0 : i32
    %dma_wait3A_477 = tpu.memref_slice %arg4[%dma_wait3A_475, %dma_wait3A_476] : memref<256x128xf32, #tpu.memory_space<hbm>> -> memref<256x128xf32, #tpu.memory_space<hbm>>
    tpu.wait_indirect_dma semaphore(%arg11 : memref<!tpu.dma_semaphore, #tpu.memory_space<semaphore_mem>>) src(%dma_wait3A_477 : memref<256x128xf32, #tpu.memory_space<hbm>>) dst(%dma_wait3A_471 : memref<128x128xf32, #tpu.memory_space<vmem>>)
    %dma_start3A_478 = arith.constant 0 : i32
    %dma_start3A_479 = tpu.memref_slice %arg6[%mul3A_2, %dma_start3A_478] : memref<16384x128xf32, #tpu.memory_space<hbm>> -> memref<512x128xf32, #tpu.memory_space<hbm>>
    %dma_start3A_480 = arith.constant 0 : i32
    %dma_start3A_481 = tpu.memref_slice %arg6[%mul3A_2, %dma_start3A_480] : memref<16384x128xf32, #tpu.memory_space<hbm>> -> memref<512x128xf32, #tpu.memory_space<hbm>>
    tpu.enqueue_dma source(%arg10 : memref<512x128xf32, #tpu.memory_space<vmem>>) target(%dma_start3A_481 : memref<512x128xf32, #tpu.memory_space<hbm>>) target_semaphore(%arg12 : memref<!tpu.dma_semaphore, #tpu.memory_space<semaphore_mem>>)
    %dma_wait3A_482 = arith.constant 0 : i32
    %dma_wait3A_483 = tpu.memref_slice %arg6[%mul3A_2, %dma_wait3A_482] : memref<16384x128xf32, #tpu.memory_space<hbm>> -> memref<512x128xf32, #tpu.memory_space<hbm>>
    %dma_wait3A_484 = arith.constant 0 : i32
    %dma_wait3A_485 = tpu.memref_slice %arg6[%mul3A_2, %dma_wait3A_484] : memref<16384x128xf32, #tpu.memory_space<hbm>> -> memref<512x128xf32, #tpu.memory_space<hbm>>
    tpu.wait_dma2 semaphore(%arg12 : memref<!tpu.dma_semaphore, #tpu.memory_space<semaphore_mem>>) src(%arg10 : memref<512x128xf32, #tpu.memory_space<vmem>>) dst(%dma_wait3A_485 : memref<512x128xf32, #tpu.memory_space<hbm>>)
    %mul3A_486 = arith.constant 4 : i32
    %mul3A_487 = arith.muli %add3A, %mul3A_486 : i32
    %add3A_488 = arith.constant 0 : i32
    %add3A_489 = arith.addi %mul3A_487, %add3A_488 : i32
    "tpu.region"() ({
      %run_scoped3A = tpu.sem_alloc : memref<!tpu.dma_semaphore, #tpu.memory_space<semaphore_mem>>
      %dma_start3A_974 = arith.constant 0 : i32
      %dma_start3A_975 = tpu.memref_slice %arg3[%add3A_489, %dma_start3A_974] : memref<128x128xi32, #tpu.memory_space<hbm>> -> memref<1x128xi32, #tpu.memory_space<hbm>>
      %dma_start3A_976 = tpu.memref_squeeze %dma_start3A_975 : memref<1x128xi32, #tpu.memory_space<hbm>> -> memref<128xi32, #tpu.memory_space<hbm>>
      %dma_start3A_977 = arith.constant 0 : i32
      %dma_start3A_978 = tpu.memref_slice %arg3[%add3A_489, %dma_start3A_977] : memref<128x128xi32, #tpu.memory_space<hbm>> -> memref<1x128xi32, #tpu.memory_space<hbm>>
      %dma_start3A_979 = tpu.memref_squeeze %dma_start3A_978 : memref<1x128xi32, #tpu.memory_space<hbm>> -> memref<128xi32, #tpu.memory_space<hbm>>
      tpu.enqueue_dma source(%dma_start3A_979 : memref<128xi32, #tpu.memory_space<hbm>>) target(%arg8 : memref<128xi32, #tpu.memory_space<vmem>>) target_semaphore(%run_scoped3A : memref<!tpu.dma_semaphore, #tpu.memory_space<semaphore_mem>>)
      %dma_wait3A_980 = arith.constant 0 : i32
      %dma_wait3A_981 = tpu.memref_slice %arg3[%add3A_489, %dma_wait3A_980] : memref<128x128xi32, #tpu.memory_space<hbm>> -> memref<1x128xi32, #tpu.memory_space<hbm>>
      %dma_wait3A_982 = tpu.memref_squeeze %dma_wait3A_981 : memref<1x128xi32, #tpu.memory_space<hbm>> -> memref<128xi32, #tpu.memory_space<hbm>>
      %dma_wait3A_983 = arith.constant 0 : i32
      %dma_wait3A_984 = tpu.memref_slice %arg3[%add3A_489, %dma_wait3A_983] : memref<128x128xi32, #tpu.memory_space<hbm>> -> memref<1x128xi32, #tpu.memory_space<hbm>>
      %dma_wait3A_985 = tpu.memref_squeeze %dma_wait3A_984 : memref<1x128xi32, #tpu.memory_space<hbm>> -> memref<128xi32, #tpu.memory_space<hbm>>
      tpu.wait_dma2 semaphore(%run_scoped3A : memref<!tpu.dma_semaphore, #tpu.memory_space<semaphore_mem>>) src(%dma_wait3A_985 : memref<128xi32, #tpu.memory_space<hbm>>) dst(%arg8 : memref<128xi32, #tpu.memory_space<vmem>>)
      tpu.yield
    }) : () -> ()
    %get3A_490 = arith.constant 0 : index
    %get3A_491 = tpu.vector_load %arg8[%get3A_490] {strides = array<i32>} : memref<128xi32, #tpu.memory_space<vmem>>, vector<16xi32>,
    %get3A_492 = vector.shape_cast %get3A_491 : vector<16xi32> to vector<16xi32>
    %and3A_493 = arith.constant 262143 : i32
    %and3A_494 = vector.broadcast %and3A_493 : i32 to vector<16xi32>
    %and3A_495 = arith.andi %get3A_492, %and3A_494 : vector<16xi32>
    %swap3A_496 = arith.constant 0 : i32
    %swap3A_497 = arith.index_cast %swap3A_496 : i32 to index
    %swap3A_498 = arith.constant 0 : index
    %swap3A_499 = tpu.vector_load %arg9[%swap3A_497, %swap3A_498] {strides = array<i32>} : memref<4x128xi32, #tpu.memory_space<vmem>>, vector<1x16xi32>,
    %swap3A_500 = vector.shape_cast %swap3A_499 : vector<1x16xi32> to vector<16xi32>
    %swap3A_501 = vector.shape_cast %and3A_495 : vector<16xi32> to vector<1x16xi32>
    tpu.vector_store %arg9[%swap3A_497, %swap3A_498], %swap3A_501 {strides = array<i32>} : memref<4x128xi32, #tpu.memory_space<vmem>>, vector<1x16xi32>,
    %get3A_502 = arith.constant 16 : index
    %get3A_503 = tpu.vector_load %arg8[%get3A_502] {strides = array<i32>} : memref<128xi32, #tpu.memory_space<vmem>>, vector<16xi32>,
    %get3A_504 = vector.shape_cast %get3A_503 : vector<16xi32> to vector<16xi32>
    %and3A_505 = arith.constant 262143 : i32
    %and3A_506 = vector.broadcast %and3A_505 : i32 to vector<16xi32>
    %and3A_507 = arith.andi %get3A_504, %and3A_506 : vector<16xi32>
    %swap3A_508 = arith.constant 0 : i32
    %swap3A_509 = arith.index_cast %swap3A_508 : i32 to index
    %swap3A_510 = arith.constant 16 : index
    %swap3A_511 = tpu.vector_load %arg9[%swap3A_509, %swap3A_510] {strides = array<i32>} : memref<4x128xi32, #tpu.memory_space<vmem>>, vector<1x16xi32>,
    %swap3A_512 = vector.shape_cast %swap3A_511 : vector<1x16xi32> to vector<16xi32>
    %swap3A_513 = vector.shape_cast %and3A_507 : vector<16xi32> to vector<1x16xi32>
    tpu.vector_store %arg9[%swap3A_509, %swap3A_510], %swap3A_513 {strides = array<i32>} : memref<4x128xi32, #tpu.memory_space<vmem>>, vector<1x16xi32>,
    %get3A_514 = arith.constant 32 : index
    %get3A_515 = tpu.vector_load %arg8[%get3A_514] {strides = array<i32>} : memref<128xi32, #tpu.memory_space<vmem>>, vector<16xi32>,
    %get3A_516 = vector.shape_cast %get3A_515 : vector<16xi32> to vector<16xi32>
    %and3A_517 = arith.constant 262143 : i32
    %and3A_518 = vector.broadcast %and3A_517 : i32 to vector<16xi32>
    %and3A_519 = arith.andi %get3A_516, %and3A_518 : vector<16xi32>
    %swap3A_520 = arith.constant 0 : i32
    %swap3A_521 = arith.index_cast %swap3A_520 : i32 to index
    %swap3A_522 = arith.constant 32 : index
    %swap3A_523 = tpu.vector_load %arg9[%swap3A_521, %swap3A_522] {strides = array<i32>} : memref<4x128xi32, #tpu.memory_space<vmem>>, vector<1x16xi32>,
    %swap3A_524 = vector.shape_cast %swap3A_523 : vector<1x16xi32> to vector<16xi32>
    %swap3A_525 = vector.shape_cast %and3A_519 : vector<16xi32> to vector<1x16xi32>
    tpu.vector_store %arg9[%swap3A_521, %swap3A_522], %swap3A_525 {strides = array<i32>} : memref<4x128xi32, #tpu.memory_space<vmem>>, vector<1x16xi32>,
    %get3A_526 = arith.constant 48 : index
    %get3A_527 = tpu.vector_load %arg8[%get3A_526] {strides = array<i32>} : memref<128xi32, #tpu.memory_space<vmem>>, vector<16xi32>,
    %get3A_528 = vector.shape_cast %get3A_527 : vector<16xi32> to vector<16xi32>
    %and3A_529 = arith.constant 262143 : i32
    %and3A_530 = vector.broadcast %and3A_529 : i32 to vector<16xi32>
    %and3A_531 = arith.andi %get3A_528, %and3A_530 : vector<16xi32>
    %swap3A_532 = arith.constant 0 : i32
    %swap3A_533 = arith.index_cast %swap3A_532 : i32 to index
    %swap3A_534 = arith.constant 48 : index
    %swap3A_535 = tpu.vector_load %arg9[%swap3A_533, %swap3A_534] {strides = array<i32>} : memref<4x128xi32, #tpu.memory_space<vmem>>, vector<1x16xi32>,
    %swap3A_536 = vector.shape_cast %swap3A_535 : vector<1x16xi32> to vector<16xi32>
    %swap3A_537 = vector.shape_cast %and3A_531 : vector<16xi32> to vector<1x16xi32>
    tpu.vector_store %arg9[%swap3A_533, %swap3A_534], %swap3A_537 {strides = array<i32>} : memref<4x128xi32, #tpu.memory_space<vmem>>, vector<1x16xi32>,
    %get3A_538 = arith.constant 64 : index
    %get3A_539 = tpu.vector_load %arg8[%get3A_538] {strides = array<i32>} : memref<128xi32, #tpu.memory_space<vmem>>, vector<16xi32>,
    %get3A_540 = vector.shape_cast %get3A_539 : vector<16xi32> to vector<16xi32>
    %and3A_541 = arith.constant 262143 : i32
    %and3A_542 = vector.broadcast %and3A_541 : i32 to vector<16xi32>
    %and3A_543 = arith.andi %get3A_540, %and3A_542 : vector<16xi32>
    %swap3A_544 = arith.constant 0 : i32
    %swap3A_545 = arith.index_cast %swap3A_544 : i32 to index
    %swap3A_546 = arith.constant 64 : index
    %swap3A_547 = tpu.vector_load %arg9[%swap3A_545, %swap3A_546] {strides = array<i32>} : memref<4x128xi32, #tpu.memory_space<vmem>>, vector<1x16xi32>,
    %swap3A_548 = vector.shape_cast %swap3A_547 : vector<1x16xi32> to vector<16xi32>
    %swap3A_549 = vector.shape_cast %and3A_543 : vector<16xi32> to vector<1x16xi32>
    tpu.vector_store %arg9[%swap3A_545, %swap3A_546], %swap3A_549 {strides = array<i32>} : memref<4x128xi32, #tpu.memory_space<vmem>>, vector<1x16xi32>,
    %get3A_550 = arith.constant 80 : index
    %get3A_551 = tpu.vector_load %arg8[%get3A_550] {strides = array<i32>} : memref<128xi32, #tpu.memory_space<vmem>>, vector<16xi32>,
    %get3A_552 = vector.shape_cast %get3A_551 : vector<16xi32> to vector<16xi32>
    %and3A_553 = arith.constant 262143 : i32
    %and3A_554 = vector.broadcast %and3A_553 : i32 to vector<16xi32>
    %and3A_555 = arith.andi %get3A_552, %and3A_554 : vector<16xi32>
    %swap3A_556 = arith.constant 0 : i32
    %swap3A_557 = arith.index_cast %swap3A_556 : i32 to index
    %swap3A_558 = arith.constant 80 : index
    %swap3A_559 = tpu.vector_load %arg9[%swap3A_557, %swap3A_558] {strides = array<i32>} : memref<4x128xi32, #tpu.memory_space<vmem>>, vector<1x16xi32>,
    %swap3A_560 = vector.shape_cast %swap3A_559 : vector<1x16xi32> to vector<16xi32>
    %swap3A_561 = vector.shape_cast %and3A_555 : vector<16xi32> to vector<1x16xi32>
    tpu.vector_store %arg9[%swap3A_557, %swap3A_558], %swap3A_561 {strides = array<i32>} : memref<4x128xi32, #tpu.memory_space<vmem>>, vector<1x16xi32>,
    %get3A_562 = arith.constant 96 : index
    %get3A_563 = tpu.vector_load %arg8[%get3A_562] {strides = array<i32>} : memref<128xi32, #tpu.memory_space<vmem>>, vector<16xi32>,
    %get3A_564 = vector.shape_cast %get3A_563 : vector<16xi32> to vector<16xi32>
    %and3A_565 = arith.constant 262143 : i32
    %and3A_566 = vector.broadcast %and3A_565 : i32 to vector<16xi32>
    %and3A_567 = arith.andi %get3A_564, %and3A_566 : vector<16xi32>
    %swap3A_568 = arith.constant 0 : i32
    %swap3A_569 = arith.index_cast %swap3A_568 : i32 to index
    %swap3A_570 = arith.constant 96 : index
    %swap3A_571 = tpu.vector_load %arg9[%swap3A_569, %swap3A_570] {strides = array<i32>} : memref<4x128xi32, #tpu.memory_space<vmem>>, vector<1x16xi32>,
    %swap3A_572 = vector.shape_cast %swap3A_571 : vector<1x16xi32> to vector<16xi32>
    %swap3A_573 = vector.shape_cast %and3A_567 : vector<16xi32> to vector<1x16xi32>
    tpu.vector_store %arg9[%swap3A_569, %swap3A_570], %swap3A_573 {strides = array<i32>} : memref<4x128xi32, #tpu.memory_space<vmem>>, vector<1x16xi32>,
    %get3A_574 = arith.constant 112 : index
    %get3A_575 = tpu.vector_load %arg8[%get3A_574] {strides = array<i32>} : memref<128xi32, #tpu.memory_space<vmem>>, vector<16xi32>,
    %get3A_576 = vector.shape_cast %get3A_575 : vector<16xi32> to vector<16xi32>
    %and3A_577 = arith.constant 262143 : i32
    %and3A_578 = vector.broadcast %and3A_577 : i32 to vector<16xi32>
    %and3A_579 = arith.andi %get3A_576, %and3A_578 : vector<16xi32>
    %swap3A_580 = arith.constant 0 : i32
    %swap3A_581 = arith.index_cast %swap3A_580 : i32 to index
    %swap3A_582 = arith.constant 112 : index
    %swap3A_583 = tpu.vector_load %arg9[%swap3A_581, %swap3A_582] {strides = array<i32>} : memref<4x128xi32, #tpu.memory_space<vmem>>, vector<1x16xi32>,
    %swap3A_584 = vector.shape_cast %swap3A_583 : vector<1x16xi32> to vector<16xi32>
    %swap3A_585 = vector.shape_cast %and3A_579 : vector<16xi32> to vector<1x16xi32>
    tpu.vector_store %arg9[%swap3A_581, %swap3A_582], %swap3A_585 {strides = array<i32>} : memref<4x128xi32, #tpu.memory_space<vmem>>, vector<1x16xi32>,
    %dma_start3A_586 = arith.constant 0 : i32
    %dma_start3A_587 = arith.constant 0 : i32
    %dma_start3A_588 = arith.constant 0 : i32
    %dma_start3A_589 = tpu.memref_slice %arg10[%dma_start3A_587, %dma_start3A_588] : memref<512x128xf32, #tpu.memory_space<vmem>> -> memref<128x128xf32, #tpu.memory_space<vmem>>
    %dma_start3A_590 = arith.constant 0 : i32
    %dma_start3A_591 = tpu.memref_slice %arg9[%dma_start3A_586, %dma_start3A_590] : memref<4x128xi32, #tpu.memory_space<vmem>> -> memref<1x128xi32, #tpu.memory_space<vmem>>
    %dma_start3A_592 = tpu.memref_squeeze %dma_start3A_591 : memref<1x128xi32, #tpu.memory_space<vmem>> -> memref<128xi32, #tpu.memory_space<vmem>>
    %dma_start3A_593 = arith.constant 0 : i32
    %dma_start3A_594 = arith.constant 0 : i32
    %dma_start3A_595 = tpu.memref_slice %arg5[%dma_start3A_593, %dma_start3A_594] : memref<262144x128xf32, #tpu.memory_space<hbm>> -> memref<262144x128xf32, #tpu.memory_space<hbm>>
    tpu.enqueue_indirect_dma source(%dma_start3A_595 : memref<262144x128xf32, #tpu.memory_space<hbm>>) target(%dma_start3A_589 : memref<128x128xf32, #tpu.memory_space<vmem>>) offsets(%dma_start3A_592 : memref<128xi32, #tpu.memory_space<vmem>>) semaphore(%arg11 : memref<!tpu.dma_semaphore, #tpu.memory_space<semaphore_mem>>)
    %mul3A_596 = arith.constant 4 : i32
    %mul3A_597 = arith.muli %add3A, %mul3A_596 : i32
    %add3A_598 = arith.constant 1 : i32
    %add3A_599 = arith.addi %mul3A_597, %add3A_598 : i32
    "tpu.region"() ({
      %run_scoped3A = tpu.sem_alloc : memref<!tpu.dma_semaphore, #tpu.memory_space<semaphore_mem>>
      %dma_start3A_974 = arith.constant 0 : i32
      %dma_start3A_975 = tpu.memref_slice %arg3[%add3A_599, %dma_start3A_974] : memref<128x128xi32, #tpu.memory_space<hbm>> -> memref<1x128xi32, #tpu.memory_space<hbm>>
      %dma_start3A_976 = tpu.memref_squeeze %dma_start3A_975 : memref<1x128xi32, #tpu.memory_space<hbm>> -> memref<128xi32, #tpu.memory_space<hbm>>
      %dma_start3A_977 = arith.constant 0 : i32
      %dma_start3A_978 = tpu.memref_slice %arg3[%add3A_599, %dma_start3A_977] : memref<128x128xi32, #tpu.memory_space<hbm>> -> memref<1x128xi32, #tpu.memory_space<hbm>>
      %dma_start3A_979 = tpu.memref_squeeze %dma_start3A_978 : memref<1x128xi32, #tpu.memory_space<hbm>> -> memref<128xi32, #tpu.memory_space<hbm>>
      tpu.enqueue_dma source(%dma_start3A_979 : memref<128xi32, #tpu.memory_space<hbm>>) target(%arg8 : memref<128xi32, #tpu.memory_space<vmem>>) target_semaphore(%run_scoped3A : memref<!tpu.dma_semaphore, #tpu.memory_space<semaphore_mem>>)
      %dma_wait3A_980 = arith.constant 0 : i32
      %dma_wait3A_981 = tpu.memref_slice %arg3[%add3A_599, %dma_wait3A_980] : memref<128x128xi32, #tpu.memory_space<hbm>> -> memref<1x128xi32, #tpu.memory_space<hbm>>
      %dma_wait3A_982 = tpu.memref_squeeze %dma_wait3A_981 : memref<1x128xi32, #tpu.memory_space<hbm>> -> memref<128xi32, #tpu.memory_space<hbm>>
      %dma_wait3A_983 = arith.constant 0 : i32
      %dma_wait3A_984 = tpu.memref_slice %arg3[%add3A_599, %dma_wait3A_983] : memref<128x128xi32, #tpu.memory_space<hbm>> -> memref<1x128xi32, #tpu.memory_space<hbm>>
      %dma_wait3A_985 = tpu.memref_squeeze %dma_wait3A_984 : memref<1x128xi32, #tpu.memory_space<hbm>> -> memref<128xi32, #tpu.memory_space<hbm>>
      tpu.wait_dma2 semaphore(%run_scoped3A : memref<!tpu.dma_semaphore, #tpu.memory_space<semaphore_mem>>) src(%dma_wait3A_985 : memref<128xi32, #tpu.memory_space<hbm>>) dst(%arg8 : memref<128xi32, #tpu.memory_space<vmem>>)
      tpu.yield
    }) : () -> ()
    %get3A_600 = arith.constant 0 : index
    %get3A_601 = tpu.vector_load %arg8[%get3A_600] {strides = array<i32>} : memref<128xi32, #tpu.memory_space<vmem>>, vector<16xi32>,
    %get3A_602 = vector.shape_cast %get3A_601 : vector<16xi32> to vector<16xi32>
    %and3A_603 = arith.constant 262143 : i32
    %and3A_604 = vector.broadcast %and3A_603 : i32 to vector<16xi32>
    %and3A_605 = arith.andi %get3A_602, %and3A_604 : vector<16xi32>
    %swap3A_606 = arith.constant 1 : i32
    %swap3A_607 = arith.index_cast %swap3A_606 : i32 to index
    %swap3A_608 = arith.constant 0 : index
    %swap3A_609 = tpu.vector_load %arg9[%swap3A_607, %swap3A_608] {strides = array<i32>} : memref<4x128xi32, #tpu.memory_space<vmem>>, vector<1x16xi32>,
    %swap3A_610 = vector.shape_cast %swap3A_609 : vector<1x16xi32> to vector<16xi32>
    %swap3A_611 = vector.shape_cast %and3A_605 : vector<16xi32> to vector<1x16xi32>
    tpu.vector_store %arg9[%swap3A_607, %swap3A_608], %swap3A_611 {strides = array<i32>} : memref<4x128xi32, #tpu.memory_space<vmem>>, vector<1x16xi32>,
    %get3A_612 = arith.constant 16 : index
    %get3A_613 = tpu.vector_load %arg8[%get3A_612] {strides = array<i32>} : memref<128xi32, #tpu.memory_space<vmem>>, vector<16xi32>,
    %get3A_614 = vector.shape_cast %get3A_613 : vector<16xi32> to vector<16xi32>
    %and3A_615 = arith.constant 262143 : i32
    %and3A_616 = vector.broadcast %and3A_615 : i32 to vector<16xi32>
    %and3A_617 = arith.andi %get3A_614, %and3A_616 : vector<16xi32>
    %swap3A_618 = arith.constant 1 : i32
    %swap3A_619 = arith.index_cast %swap3A_618 : i32 to index
    %swap3A_620 = arith.constant 16 : index
    %swap3A_621 = tpu.vector_load %arg9[%swap3A_619, %swap3A_620] {strides = array<i32>} : memref<4x128xi32, #tpu.memory_space<vmem>>, vector<1x16xi32>,
    %swap3A_622 = vector.shape_cast %swap3A_621 : vector<1x16xi32> to vector<16xi32>
    %swap3A_623 = vector.shape_cast %and3A_617 : vector<16xi32> to vector<1x16xi32>
    tpu.vector_store %arg9[%swap3A_619, %swap3A_620], %swap3A_623 {strides = array<i32>} : memref<4x128xi32, #tpu.memory_space<vmem>>, vector<1x16xi32>,
    %get3A_624 = arith.constant 32 : index
    %get3A_625 = tpu.vector_load %arg8[%get3A_624] {strides = array<i32>} : memref<128xi32, #tpu.memory_space<vmem>>, vector<16xi32>,
    %get3A_626 = vector.shape_cast %get3A_625 : vector<16xi32> to vector<16xi32>
    %and3A_627 = arith.constant 262143 : i32
    %and3A_628 = vector.broadcast %and3A_627 : i32 to vector<16xi32>
    %and3A_629 = arith.andi %get3A_626, %and3A_628 : vector<16xi32>
    %swap3A_630 = arith.constant 1 : i32
    %swap3A_631 = arith.index_cast %swap3A_630 : i32 to index
    %swap3A_632 = arith.constant 32 : index
    %swap3A_633 = tpu.vector_load %arg9[%swap3A_631, %swap3A_632] {strides = array<i32>} : memref<4x128xi32, #tpu.memory_space<vmem>>, vector<1x16xi32>,
    %swap3A_634 = vector.shape_cast %swap3A_633 : vector<1x16xi32> to vector<16xi32>
    %swap3A_635 = vector.shape_cast %and3A_629 : vector<16xi32> to vector<1x16xi32>
    tpu.vector_store %arg9[%swap3A_631, %swap3A_632], %swap3A_635 {strides = array<i32>} : memref<4x128xi32, #tpu.memory_space<vmem>>, vector<1x16xi32>,
    %get3A_636 = arith.constant 48 : index
    %get3A_637 = tpu.vector_load %arg8[%get3A_636] {strides = array<i32>} : memref<128xi32, #tpu.memory_space<vmem>>, vector<16xi32>,
    %get3A_638 = vector.shape_cast %get3A_637 : vector<16xi32> to vector<16xi32>
    %and3A_639 = arith.constant 262143 : i32
    %and3A_640 = vector.broadcast %and3A_639 : i32 to vector<16xi32>
    %and3A_641 = arith.andi %get3A_638, %and3A_640 : vector<16xi32>
    %swap3A_642 = arith.constant 1 : i32
    %swap3A_643 = arith.index_cast %swap3A_642 : i32 to index
    %swap3A_644 = arith.constant 48 : index
    %swap3A_645 = tpu.vector_load %arg9[%swap3A_643, %swap3A_644] {strides = array<i32>} : memref<4x128xi32, #tpu.memory_space<vmem>>, vector<1x16xi32>,
    %swap3A_646 = vector.shape_cast %swap3A_645 : vector<1x16xi32> to vector<16xi32>
    %swap3A_647 = vector.shape_cast %and3A_641 : vector<16xi32> to vector<1x16xi32>
    tpu.vector_store %arg9[%swap3A_643, %swap3A_644], %swap3A_647 {strides = array<i32>} : memref<4x128xi32, #tpu.memory_space<vmem>>, vector<1x16xi32>,
    %get3A_648 = arith.constant 64 : index
    %get3A_649 = tpu.vector_load %arg8[%get3A_648] {strides = array<i32>} : memref<128xi32, #tpu.memory_space<vmem>>, vector<16xi32>,
    %get3A_650 = vector.shape_cast %get3A_649 : vector<16xi32> to vector<16xi32>
    %and3A_651 = arith.constant 262143 : i32
    %and3A_652 = vector.broadcast %and3A_651 : i32 to vector<16xi32>
    %and3A_653 = arith.andi %get3A_650, %and3A_652 : vector<16xi32>
    %swap3A_654 = arith.constant 1 : i32
    %swap3A_655 = arith.index_cast %swap3A_654 : i32 to index
    %swap3A_656 = arith.constant 64 : index
    %swap3A_657 = tpu.vector_load %arg9[%swap3A_655, %swap3A_656] {strides = array<i32>} : memref<4x128xi32, #tpu.memory_space<vmem>>, vector<1x16xi32>,
    %swap3A_658 = vector.shape_cast %swap3A_657 : vector<1x16xi32> to vector<16xi32>
    %swap3A_659 = vector.shape_cast %and3A_653 : vector<16xi32> to vector<1x16xi32>
    tpu.vector_store %arg9[%swap3A_655, %swap3A_656], %swap3A_659 {strides = array<i32>} : memref<4x128xi32, #tpu.memory_space<vmem>>, vector<1x16xi32>,
    %get3A_660 = arith.constant 80 : index
    %get3A_661 = tpu.vector_load %arg8[%get3A_660] {strides = array<i32>} : memref<128xi32, #tpu.memory_space<vmem>>, vector<16xi32>,
    %get3A_662 = vector.shape_cast %get3A_661 : vector<16xi32> to vector<16xi32>
    %and3A_663 = arith.constant 262143 : i32
    %and3A_664 = vector.broadcast %and3A_663 : i32 to vector<16xi32>
    %and3A_665 = arith.andi %get3A_662, %and3A_664 : vector<16xi32>
    %swap3A_666 = arith.constant 1 : i32
    %swap3A_667 = arith.index_cast %swap3A_666 : i32 to index
    %swap3A_668 = arith.constant 80 : index
    %swap3A_669 = tpu.vector_load %arg9[%swap3A_667, %swap3A_668] {strides = array<i32>} : memref<4x128xi32, #tpu.memory_space<vmem>>, vector<1x16xi32>,
    %swap3A_670 = vector.shape_cast %swap3A_669 : vector<1x16xi32> to vector<16xi32>
    %swap3A_671 = vector.shape_cast %and3A_665 : vector<16xi32> to vector<1x16xi32>
    tpu.vector_store %arg9[%swap3A_667, %swap3A_668], %swap3A_671 {strides = array<i32>} : memref<4x128xi32, #tpu.memory_space<vmem>>, vector<1x16xi32>,
    %get3A_672 = arith.constant 96 : index
    %get3A_673 = tpu.vector_load %arg8[%get3A_672] {strides = array<i32>} : memref<128xi32, #tpu.memory_space<vmem>>, vector<16xi32>,
    %get3A_674 = vector.shape_cast %get3A_673 : vector<16xi32> to vector<16xi32>
    %and3A_675 = arith.constant 262143 : i32
    %and3A_676 = vector.broadcast %and3A_675 : i32 to vector<16xi32>
    %and3A_677 = arith.andi %get3A_674, %and3A_676 : vector<16xi32>
    %swap3A_678 = arith.constant 1 : i32
    %swap3A_679 = arith.index_cast %swap3A_678 : i32 to index
    %swap3A_680 = arith.constant 96 : index
    %swap3A_681 = tpu.vector_load %arg9[%swap3A_679, %swap3A_680] {strides = array<i32>} : memref<4x128xi32, #tpu.memory_space<vmem>>, vector<1x16xi32>,
    %swap3A_682 = vector.shape_cast %swap3A_681 : vector<1x16xi32> to vector<16xi32>
    %swap3A_683 = vector.shape_cast %and3A_677 : vector<16xi32> to vector<1x16xi32>
    tpu.vector_store %arg9[%swap3A_679, %swap3A_680], %swap3A_683 {strides = array<i32>} : memref<4x128xi32, #tpu.memory_space<vmem>>, vector<1x16xi32>,
    %get3A_684 = arith.constant 112 : index
    %get3A_685 = tpu.vector_load %arg8[%get3A_684] {strides = array<i32>} : memref<128xi32, #tpu.memory_space<vmem>>, vector<16xi32>,
    %get3A_686 = vector.shape_cast %get3A_685 : vector<16xi32> to vector<16xi32>
    %and3A_687 = arith.constant 262143 : i32
    %and3A_688 = vector.broadcast %and3A_687 : i32 to vector<16xi32>
    %and3A_689 = arith.andi %get3A_686, %and3A_688 : vector<16xi32>
    %swap3A_690 = arith.constant 1 : i32
    %swap3A_691 = arith.index_cast %swap3A_690 : i32 to index
    %swap3A_692 = arith.constant 112 : index
    %swap3A_693 = tpu.vector_load %arg9[%swap3A_691, %swap3A_692] {strides = array<i32>} : memref<4x128xi32, #tpu.memory_space<vmem>>, vector<1x16xi32>,
    %swap3A_694 = vector.shape_cast %swap3A_693 : vector<1x16xi32> to vector<16xi32>
    %swap3A_695 = vector.shape_cast %and3A_689 : vector<16xi32> to vector<1x16xi32>
    tpu.vector_store %arg9[%swap3A_691, %swap3A_692], %swap3A_695 {strides = array<i32>} : memref<4x128xi32, #tpu.memory_space<vmem>>, vector<1x16xi32>,
    %dma_start3A_696 = arith.constant 1 : i32
    %dma_start3A_697 = arith.constant 128 : i32
    %dma_start3A_698 = arith.constant 0 : i32
    %dma_start3A_699 = tpu.memref_slice %arg10[%dma_start3A_697, %dma_start3A_698] : memref<512x128xf32, #tpu.memory_space<vmem>> -> memref<128x128xf32, #tpu.memory_space<vmem>>
    %dma_start3A_700 = arith.constant 0 : i32
    %dma_start3A_701 = tpu.memref_slice %arg9[%dma_start3A_696, %dma_start3A_700] : memref<4x128xi32, #tpu.memory_space<vmem>> -> memref<1x128xi32, #tpu.memory_space<vmem>>
    %dma_start3A_702 = tpu.memref_squeeze %dma_start3A_701 : memref<1x128xi32, #tpu.memory_space<vmem>> -> memref<128xi32, #tpu.memory_space<vmem>>
    %dma_start3A_703 = arith.constant 0 : i32
    %dma_start3A_704 = arith.constant 0 : i32
    %dma_start3A_705 = tpu.memref_slice %arg5[%dma_start3A_703, %dma_start3A_704] : memref<262144x128xf32, #tpu.memory_space<hbm>> -> memref<262144x128xf32, #tpu.memory_space<hbm>>
    tpu.enqueue_indirect_dma source(%dma_start3A_705 : memref<262144x128xf32, #tpu.memory_space<hbm>>) target(%dma_start3A_699 : memref<128x128xf32, #tpu.memory_space<vmem>>) offsets(%dma_start3A_702 : memref<128xi32, #tpu.memory_space<vmem>>) semaphore(%arg11 : memref<!tpu.dma_semaphore, #tpu.memory_space<semaphore_mem>>)
    %mul3A_706 = arith.constant 4 : i32
    %mul3A_707 = arith.muli %add3A, %mul3A_706 : i32
    %add3A_708 = arith.constant 2 : i32
    %add3A_709 = arith.addi %mul3A_707, %add3A_708 : i32
    "tpu.region"() ({
      %run_scoped3A = tpu.sem_alloc : memref<!tpu.dma_semaphore, #tpu.memory_space<semaphore_mem>>
      %dma_start3A_974 = arith.constant 0 : i32
      %dma_start3A_975 = tpu.memref_slice %arg3[%add3A_709, %dma_start3A_974] : memref<128x128xi32, #tpu.memory_space<hbm>> -> memref<1x128xi32, #tpu.memory_space<hbm>>
      %dma_start3A_976 = tpu.memref_squeeze %dma_start3A_975 : memref<1x128xi32, #tpu.memory_space<hbm>> -> memref<128xi32, #tpu.memory_space<hbm>>
      %dma_start3A_977 = arith.constant 0 : i32
      %dma_start3A_978 = tpu.memref_slice %arg3[%add3A_709, %dma_start3A_977] : memref<128x128xi32, #tpu.memory_space<hbm>> -> memref<1x128xi32, #tpu.memory_space<hbm>>
      %dma_start3A_979 = tpu.memref_squeeze %dma_start3A_978 : memref<1x128xi32, #tpu.memory_space<hbm>> -> memref<128xi32, #tpu.memory_space<hbm>>
      tpu.enqueue_dma source(%dma_start3A_979 : memref<128xi32, #tpu.memory_space<hbm>>) target(%arg8 : memref<128xi32, #tpu.memory_space<vmem>>) target_semaphore(%run_scoped3A : memref<!tpu.dma_semaphore, #tpu.memory_space<semaphore_mem>>)
      %dma_wait3A_980 = arith.constant 0 : i32
      %dma_wait3A_981 = tpu.memref_slice %arg3[%add3A_709, %dma_wait3A_980] : memref<128x128xi32, #tpu.memory_space<hbm>> -> memref<1x128xi32, #tpu.memory_space<hbm>>
      %dma_wait3A_982 = tpu.memref_squeeze %dma_wait3A_981 : memref<1x128xi32, #tpu.memory_space<hbm>> -> memref<128xi32, #tpu.memory_space<hbm>>
      %dma_wait3A_983 = arith.constant 0 : i32
      %dma_wait3A_984 = tpu.memref_slice %arg3[%add3A_709, %dma_wait3A_983] : memref<128x128xi32, #tpu.memory_space<hbm>> -> memref<1x128xi32, #tpu.memory_space<hbm>>
      %dma_wait3A_985 = tpu.memref_squeeze %dma_wait3A_984 : memref<1x128xi32, #tpu.memory_space<hbm>> -> memref<128xi32, #tpu.memory_space<hbm>>
      tpu.wait_dma2 semaphore(%run_scoped3A : memref<!tpu.dma_semaphore, #tpu.memory_space<semaphore_mem>>) src(%dma_wait3A_985 : memref<128xi32, #tpu.memory_space<hbm>>) dst(%arg8 : memref<128xi32, #tpu.memory_space<vmem>>)
      tpu.yield
    }) : () -> ()
    %get3A_710 = arith.constant 0 : index
    %get3A_711 = tpu.vector_load %arg8[%get3A_710] {strides = array<i32>} : memref<128xi32, #tpu.memory_space<vmem>>, vector<16xi32>,
    %get3A_712 = vector.shape_cast %get3A_711 : vector<16xi32> to vector<16xi32>
    %and3A_713 = arith.constant 262143 : i32
    %and3A_714 = vector.broadcast %and3A_713 : i32 to vector<16xi32>
    %and3A_715 = arith.andi %get3A_712, %and3A_714 : vector<16xi32>
    %swap3A_716 = arith.constant 2 : i32
    %swap3A_717 = arith.index_cast %swap3A_716 : i32 to index
    %swap3A_718 = arith.constant 0 : index
    %swap3A_719 = tpu.vector_load %arg9[%swap3A_717, %swap3A_718] {strides = array<i32>} : memref<4x128xi32, #tpu.memory_space<vmem>>, vector<1x16xi32>,
    %swap3A_720 = vector.shape_cast %swap3A_719 : vector<1x16xi32> to vector<16xi32>
    %swap3A_721 = vector.shape_cast %and3A_715 : vector<16xi32> to vector<1x16xi32>
    tpu.vector_store %arg9[%swap3A_717, %swap3A_718], %swap3A_721 {strides = array<i32>} : memref<4x128xi32, #tpu.memory_space<vmem>>, vector<1x16xi32>,
    %get3A_722 = arith.constant 16 : index
    %get3A_723 = tpu.vector_load %arg8[%get3A_722] {strides = array<i32>} : memref<128xi32, #tpu.memory_space<vmem>>, vector<16xi32>,
    %get3A_724 = vector.shape_cast %get3A_723 : vector<16xi32> to vector<16xi32>
    %and3A_725 = arith.constant 262143 : i32
    %and3A_726 = vector.broadcast %and3A_725 : i32 to vector<16xi32>
    %and3A_727 = arith.andi %get3A_724, %and3A_726 : vector<16xi32>
    %swap3A_728 = arith.constant 2 : i32
    %swap3A_729 = arith.index_cast %swap3A_728 : i32 to index
    %swap3A_730 = arith.constant 16 : index
    %swap3A_731 = tpu.vector_load %arg9[%swap3A_729, %swap3A_730] {strides = array<i32>} : memref<4x128xi32, #tpu.memory_space<vmem>>, vector<1x16xi32>,
    %swap3A_732 = vector.shape_cast %swap3A_731 : vector<1x16xi32> to vector<16xi32>
    %swap3A_733 = vector.shape_cast %and3A_727 : vector<16xi32> to vector<1x16xi32>
    tpu.vector_store %arg9[%swap3A_729, %swap3A_730], %swap3A_733 {strides = array<i32>} : memref<4x128xi32, #tpu.memory_space<vmem>>, vector<1x16xi32>,
    %get3A_734 = arith.constant 32 : index
    %get3A_735 = tpu.vector_load %arg8[%get3A_734] {strides = array<i32>} : memref<128xi32, #tpu.memory_space<vmem>>, vector<16xi32>,
    %get3A_736 = vector.shape_cast %get3A_735 : vector<16xi32> to vector<16xi32>
    %and3A_737 = arith.constant 262143 : i32
    %and3A_738 = vector.broadcast %and3A_737 : i32 to vector<16xi32>
    %and3A_739 = arith.andi %get3A_736, %and3A_738 : vector<16xi32>
    %swap3A_740 = arith.constant 2 : i32
    %swap3A_741 = arith.index_cast %swap3A_740 : i32 to index
    %swap3A_742 = arith.constant 32 : index
    %swap3A_743 = tpu.vector_load %arg9[%swap3A_741, %swap3A_742] {strides = array<i32>} : memref<4x128xi32, #tpu.memory_space<vmem>>, vector<1x16xi32>,
    %swap3A_744 = vector.shape_cast %swap3A_743 : vector<1x16xi32> to vector<16xi32>
    %swap3A_745 = vector.shape_cast %and3A_739 : vector<16xi32> to vector<1x16xi32>
    tpu.vector_store %arg9[%swap3A_741, %swap3A_742], %swap3A_745 {strides = array<i32>} : memref<4x128xi32, #tpu.memory_space<vmem>>, vector<1x16xi32>,
    %get3A_746 = arith.constant 48 : index
    %get3A_747 = tpu.vector_load %arg8[%get3A_746] {strides = array<i32>} : memref<128xi32, #tpu.memory_space<vmem>>, vector<16xi32>,
    %get3A_748 = vector.shape_cast %get3A_747 : vector<16xi32> to vector<16xi32>
    %and3A_749 = arith.constant 262143 : i32
    %and3A_750 = vector.broadcast %and3A_749 : i32 to vector<16xi32>
    %and3A_751 = arith.andi %get3A_748, %and3A_750 : vector<16xi32>
    %swap3A_752 = arith.constant 2 : i32
    %swap3A_753 = arith.index_cast %swap3A_752 : i32 to index
    %swap3A_754 = arith.constant 48 : index
    %swap3A_755 = tpu.vector_load %arg9[%swap3A_753, %swap3A_754] {strides = array<i32>} : memref<4x128xi32, #tpu.memory_space<vmem>>, vector<1x16xi32>,
    %swap3A_756 = vector.shape_cast %swap3A_755 : vector<1x16xi32> to vector<16xi32>
    %swap3A_757 = vector.shape_cast %and3A_751 : vector<16xi32> to vector<1x16xi32>
    tpu.vector_store %arg9[%swap3A_753, %swap3A_754], %swap3A_757 {strides = array<i32>} : memref<4x128xi32, #tpu.memory_space<vmem>>, vector<1x16xi32>,
    %get3A_758 = arith.constant 64 : index
    %get3A_759 = tpu.vector_load %arg8[%get3A_758] {strides = array<i32>} : memref<128xi32, #tpu.memory_space<vmem>>, vector<16xi32>,
    %get3A_760 = vector.shape_cast %get3A_759 : vector<16xi32> to vector<16xi32>
    %and3A_761 = arith.constant 262143 : i32
    %and3A_762 = vector.broadcast %and3A_761 : i32 to vector<16xi32>
    %and3A_763 = arith.andi %get3A_760, %and3A_762 : vector<16xi32>
    %swap3A_764 = arith.constant 2 : i32
    %swap3A_765 = arith.index_cast %swap3A_764 : i32 to index
    %swap3A_766 = arith.constant 64 : index
    %swap3A_767 = tpu.vector_load %arg9[%swap3A_765, %swap3A_766] {strides = array<i32>} : memref<4x128xi32, #tpu.memory_space<vmem>>, vector<1x16xi32>,
    %swap3A_768 = vector.shape_cast %swap3A_767 : vector<1x16xi32> to vector<16xi32>
    %swap3A_769 = vector.shape_cast %and3A_763 : vector<16xi32> to vector<1x16xi32>
    tpu.vector_store %arg9[%swap3A_765, %swap3A_766], %swap3A_769 {strides = array<i32>} : memref<4x128xi32, #tpu.memory_space<vmem>>, vector<1x16xi32>,
    %get3A_770 = arith.constant 80 : index
    %get3A_771 = tpu.vector_load %arg8[%get3A_770] {strides = array<i32>} : memref<128xi32, #tpu.memory_space<vmem>>, vector<16xi32>,
    %get3A_772 = vector.shape_cast %get3A_771 : vector<16xi32> to vector<16xi32>
    %and3A_773 = arith.constant 262143 : i32
    %and3A_774 = vector.broadcast %and3A_773 : i32 to vector<16xi32>
    %and3A_775 = arith.andi %get3A_772, %and3A_774 : vector<16xi32>
    %swap3A_776 = arith.constant 2 : i32
    %swap3A_777 = arith.index_cast %swap3A_776 : i32 to index
    %swap3A_778 = arith.constant 80 : index
    %swap3A_779 = tpu.vector_load %arg9[%swap3A_777, %swap3A_778] {strides = array<i32>} : memref<4x128xi32, #tpu.memory_space<vmem>>, vector<1x16xi32>,
    %swap3A_780 = vector.shape_cast %swap3A_779 : vector<1x16xi32> to vector<16xi32>
    %swap3A_781 = vector.shape_cast %and3A_775 : vector<16xi32> to vector<1x16xi32>
    tpu.vector_store %arg9[%swap3A_777, %swap3A_778], %swap3A_781 {strides = array<i32>} : memref<4x128xi32, #tpu.memory_space<vmem>>, vector<1x16xi32>,
    %get3A_782 = arith.constant 96 : index
    %get3A_783 = tpu.vector_load %arg8[%get3A_782] {strides = array<i32>} : memref<128xi32, #tpu.memory_space<vmem>>, vector<16xi32>,
    %get3A_784 = vector.shape_cast %get3A_783 : vector<16xi32> to vector<16xi32>
    %and3A_785 = arith.constant 262143 : i32
    %and3A_786 = vector.broadcast %and3A_785 : i32 to vector<16xi32>
    %and3A_787 = arith.andi %get3A_784, %and3A_786 : vector<16xi32>
    %swap3A_788 = arith.constant 2 : i32
    %swap3A_789 = arith.index_cast %swap3A_788 : i32 to index
    %swap3A_790 = arith.constant 96 : index
    %swap3A_791 = tpu.vector_load %arg9[%swap3A_789, %swap3A_790] {strides = array<i32>} : memref<4x128xi32, #tpu.memory_space<vmem>>, vector<1x16xi32>,
    %swap3A_792 = vector.shape_cast %swap3A_791 : vector<1x16xi32> to vector<16xi32>
    %swap3A_793 = vector.shape_cast %and3A_787 : vector<16xi32> to vector<1x16xi32>
    tpu.vector_store %arg9[%swap3A_789, %swap3A_790], %swap3A_793 {strides = array<i32>} : memref<4x128xi32, #tpu.memory_space<vmem>>, vector<1x16xi32>,
    %get3A_794 = arith.constant 112 : index
    %get3A_795 = tpu.vector_load %arg8[%get3A_794] {strides = array<i32>} : memref<128xi32, #tpu.memory_space<vmem>>, vector<16xi32>,
    %get3A_796 = vector.shape_cast %get3A_795 : vector<16xi32> to vector<16xi32>
    %and3A_797 = arith.constant 262143 : i32
    %and3A_798 = vector.broadcast %and3A_797 : i32 to vector<16xi32>
    %and3A_799 = arith.andi %get3A_796, %and3A_798 : vector<16xi32>
    %swap3A_800 = arith.constant 2 : i32
    %swap3A_801 = arith.index_cast %swap3A_800 : i32 to index
    %swap3A_802 = arith.constant 112 : index
    %swap3A_803 = tpu.vector_load %arg9[%swap3A_801, %swap3A_802] {strides = array<i32>} : memref<4x128xi32, #tpu.memory_space<vmem>>, vector<1x16xi32>,
    %swap3A_804 = vector.shape_cast %swap3A_803 : vector<1x16xi32> to vector<16xi32>
    %swap3A_805 = vector.shape_cast %and3A_799 : vector<16xi32> to vector<1x16xi32>
    tpu.vector_store %arg9[%swap3A_801, %swap3A_802], %swap3A_805 {strides = array<i32>} : memref<4x128xi32, #tpu.memory_space<vmem>>, vector<1x16xi32>,
    %dma_start3A_806 = arith.constant 2 : i32
    %dma_start3A_807 = arith.constant 256 : i32
    %dma_start3A_808 = arith.constant 0 : i32
    %dma_start3A_809 = tpu.memref_slice %arg10[%dma_start3A_807, %dma_start3A_808] : memref<512x128xf32, #tpu.memory_space<vmem>> -> memref<128x128xf32, #tpu.memory_space<vmem>>
    %dma_start3A_810 = arith.constant 0 : i32
    %dma_start3A_811 = tpu.memref_slice %arg9[%dma_start3A_806, %dma_start3A_810] : memref<4x128xi32, #tpu.memory_space<vmem>> -> memref<1x128xi32, #tpu.memory_space<vmem>>
    %dma_start3A_812 = tpu.memref_squeeze %dma_start3A_811 : memref<1x128xi32, #tpu.memory_space<vmem>> -> memref<128xi32, #tpu.memory_space<vmem>>
    %dma_start3A_813 = arith.constant 0 : i32
    %dma_start3A_814 = arith.constant 0 : i32
    %dma_start3A_815 = tpu.memref_slice %arg5[%dma_start3A_813, %dma_start3A_814] : memref<262144x128xf32, #tpu.memory_space<hbm>> -> memref<262144x128xf32, #tpu.memory_space<hbm>>
    tpu.enqueue_indirect_dma source(%dma_start3A_815 : memref<262144x128xf32, #tpu.memory_space<hbm>>) target(%dma_start3A_809 : memref<128x128xf32, #tpu.memory_space<vmem>>) offsets(%dma_start3A_812 : memref<128xi32, #tpu.memory_space<vmem>>) semaphore(%arg11 : memref<!tpu.dma_semaphore, #tpu.memory_space<semaphore_mem>>)
    %mul3A_816 = arith.constant 4 : i32
    %mul3A_817 = arith.muli %add3A, %mul3A_816 : i32
    %add3A_818 = arith.constant 3 : i32
    %add3A_819 = arith.addi %mul3A_817, %add3A_818 : i32
    "tpu.region"() ({
      %run_scoped3A = tpu.sem_alloc : memref<!tpu.dma_semaphore, #tpu.memory_space<semaphore_mem>>
      %dma_start3A_974 = arith.constant 0 : i32
      %dma_start3A_975 = tpu.memref_slice %arg3[%add3A_819, %dma_start3A_974] : memref<128x128xi32, #tpu.memory_space<hbm>> -> memref<1x128xi32, #tpu.memory_space<hbm>>
      %dma_start3A_976 = tpu.memref_squeeze %dma_start3A_975 : memref<1x128xi32, #tpu.memory_space<hbm>> -> memref<128xi32, #tpu.memory_space<hbm>>
      %dma_start3A_977 = arith.constant 0 : i32
      %dma_start3A_978 = tpu.memref_slice %arg3[%add3A_819, %dma_start3A_977] : memref<128x128xi32, #tpu.memory_space<hbm>> -> memref<1x128xi32, #tpu.memory_space<hbm>>
      %dma_start3A_979 = tpu.memref_squeeze %dma_start3A_978 : memref<1x128xi32, #tpu.memory_space<hbm>> -> memref<128xi32, #tpu.memory_space<hbm>>
      tpu.enqueue_dma source(%dma_start3A_979 : memref<128xi32, #tpu.memory_space<hbm>>) target(%arg8 : memref<128xi32, #tpu.memory_space<vmem>>) target_semaphore(%run_scoped3A : memref<!tpu.dma_semaphore, #tpu.memory_space<semaphore_mem>>)
      %dma_wait3A_980 = arith.constant 0 : i32
      %dma_wait3A_981 = tpu.memref_slice %arg3[%add3A_819, %dma_wait3A_980] : memref<128x128xi32, #tpu.memory_space<hbm>> -> memref<1x128xi32, #tpu.memory_space<hbm>>
      %dma_wait3A_982 = tpu.memref_squeeze %dma_wait3A_981 : memref<1x128xi32, #tpu.memory_space<hbm>> -> memref<128xi32, #tpu.memory_space<hbm>>
      %dma_wait3A_983 = arith.constant 0 : i32
      %dma_wait3A_984 = tpu.memref_slice %arg3[%add3A_819, %dma_wait3A_983] : memref<128x128xi32, #tpu.memory_space<hbm>> -> memref<1x128xi32, #tpu.memory_space<hbm>>
      %dma_wait3A_985 = tpu.memref_squeeze %dma_wait3A_984 : memref<1x128xi32, #tpu.memory_space<hbm>> -> memref<128xi32, #tpu.memory_space<hbm>>
      tpu.wait_dma2 semaphore(%run_scoped3A : memref<!tpu.dma_semaphore, #tpu.memory_space<semaphore_mem>>) src(%dma_wait3A_985 : memref<128xi32, #tpu.memory_space<hbm>>) dst(%arg8 : memref<128xi32, #tpu.memory_space<vmem>>)
      tpu.yield
    }) : () -> ()
    %get3A_820 = arith.constant 0 : index
    %get3A_821 = tpu.vector_load %arg8[%get3A_820] {strides = array<i32>} : memref<128xi32, #tpu.memory_space<vmem>>, vector<16xi32>,
    %get3A_822 = vector.shape_cast %get3A_821 : vector<16xi32> to vector<16xi32>
    %and3A_823 = arith.constant 262143 : i32
    %and3A_824 = vector.broadcast %and3A_823 : i32 to vector<16xi32>
    %and3A_825 = arith.andi %get3A_822, %and3A_824 : vector<16xi32>
    %swap3A_826 = arith.constant 3 : i32
    %swap3A_827 = arith.index_cast %swap3A_826 : i32 to index
    %swap3A_828 = arith.constant 0 : index
    %swap3A_829 = tpu.vector_load %arg9[%swap3A_827, %swap3A_828] {strides = array<i32>} : memref<4x128xi32, #tpu.memory_space<vmem>>, vector<1x16xi32>,
    %swap3A_830 = vector.shape_cast %swap3A_829 : vector<1x16xi32> to vector<16xi32>
    %swap3A_831 = vector.shape_cast %and3A_825 : vector<16xi32> to vector<1x16xi32>
    tpu.vector_store %arg9[%swap3A_827, %swap3A_828], %swap3A_831 {strides = array<i32>} : memref<4x128xi32, #tpu.memory_space<vmem>>, vector<1x16xi32>,
    %get3A_832 = arith.constant 16 : index
    %get3A_833 = tpu.vector_load %arg8[%get3A_832] {strides = array<i32>} : memref<128xi32, #tpu.memory_space<vmem>>, vector<16xi32>,
    %get3A_834 = vector.shape_cast %get3A_833 : vector<16xi32> to vector<16xi32>
    %and3A_835 = arith.constant 262143 : i32
    %and3A_836 = vector.broadcast %and3A_835 : i32 to vector<16xi32>
    %and3A_837 = arith.andi %get3A_834, %and3A_836 : vector<16xi32>
    %swap3A_838 = arith.constant 3 : i32
    %swap3A_839 = arith.index_cast %swap3A_838 : i32 to index
    %swap3A_840 = arith.constant 16 : index
    %swap3A_841 = tpu.vector_load %arg9[%swap3A_839, %swap3A_840] {strides = array<i32>} : memref<4x128xi32, #tpu.memory_space<vmem>>, vector<1x16xi32>,
    %swap3A_842 = vector.shape_cast %swap3A_841 : vector<1x16xi32> to vector<16xi32>
    %swap3A_843 = vector.shape_cast %and3A_837 : vector<16xi32> to vector<1x16xi32>
    tpu.vector_store %arg9[%swap3A_839, %swap3A_840], %swap3A_843 {strides = array<i32>} : memref<4x128xi32, #tpu.memory_space<vmem>>, vector<1x16xi32>,
    %get3A_844 = arith.constant 32 : index
    %get3A_845 = tpu.vector_load %arg8[%get3A_844] {strides = array<i32>} : memref<128xi32, #tpu.memory_space<vmem>>, vector<16xi32>,
    %get3A_846 = vector.shape_cast %get3A_845 : vector<16xi32> to vector<16xi32>
    %and3A_847 = arith.constant 262143 : i32
    %and3A_848 = vector.broadcast %and3A_847 : i32 to vector<16xi32>
    %and3A_849 = arith.andi %get3A_846, %and3A_848 : vector<16xi32>
    %swap3A_850 = arith.constant 3 : i32
    %swap3A_851 = arith.index_cast %swap3A_850 : i32 to index
    %swap3A_852 = arith.constant 32 : index
    %swap3A_853 = tpu.vector_load %arg9[%swap3A_851, %swap3A_852] {strides = array<i32>} : memref<4x128xi32, #tpu.memory_space<vmem>>, vector<1x16xi32>,
    %swap3A_854 = vector.shape_cast %swap3A_853 : vector<1x16xi32> to vector<16xi32>
    %swap3A_855 = vector.shape_cast %and3A_849 : vector<16xi32> to vector<1x16xi32>
    tpu.vector_store %arg9[%swap3A_851, %swap3A_852], %swap3A_855 {strides = array<i32>} : memref<4x128xi32, #tpu.memory_space<vmem>>, vector<1x16xi32>,
    %get3A_856 = arith.constant 48 : index
    %get3A_857 = tpu.vector_load %arg8[%get3A_856] {strides = array<i32>} : memref<128xi32, #tpu.memory_space<vmem>>, vector<16xi32>,
    %get3A_858 = vector.shape_cast %get3A_857 : vector<16xi32> to vector<16xi32>
    %and3A_859 = arith.constant 262143 : i32
    %and3A_860 = vector.broadcast %and3A_859 : i32 to vector<16xi32>
    %and3A_861 = arith.andi %get3A_858, %and3A_860 : vector<16xi32>
    %swap3A_862 = arith.constant 3 : i32
    %swap3A_863 = arith.index_cast %swap3A_862 : i32 to index
    %swap3A_864 = arith.constant 48 : index
    %swap3A_865 = tpu.vector_load %arg9[%swap3A_863, %swap3A_864] {strides = array<i32>} : memref<4x128xi32, #tpu.memory_space<vmem>>, vector<1x16xi32>,
    %swap3A_866 = vector.shape_cast %swap3A_865 : vector<1x16xi32> to vector<16xi32>
    %swap3A_867 = vector.shape_cast %and3A_861 : vector<16xi32> to vector<1x16xi32>
    tpu.vector_store %arg9[%swap3A_863, %swap3A_864], %swap3A_867 {strides = array<i32>} : memref<4x128xi32, #tpu.memory_space<vmem>>, vector<1x16xi32>,
    %get3A_868 = arith.constant 64 : index
    %get3A_869 = tpu.vector_load %arg8[%get3A_868] {strides = array<i32>} : memref<128xi32, #tpu.memory_space<vmem>>, vector<16xi32>,
    %get3A_870 = vector.shape_cast %get3A_869 : vector<16xi32> to vector<16xi32>
    %and3A_871 = arith.constant 262143 : i32
    %and3A_872 = vector.broadcast %and3A_871 : i32 to vector<16xi32>
    %and3A_873 = arith.andi %get3A_870, %and3A_872 : vector<16xi32>
    %swap3A_874 = arith.constant 3 : i32
    %swap3A_875 = arith.index_cast %swap3A_874 : i32 to index
    %swap3A_876 = arith.constant 64 : index
    %swap3A_877 = tpu.vector_load %arg9[%swap3A_875, %swap3A_876] {strides = array<i32>} : memref<4x128xi32, #tpu.memory_space<vmem>>, vector<1x16xi32>,
    %swap3A_878 = vector.shape_cast %swap3A_877 : vector<1x16xi32> to vector<16xi32>
    %swap3A_879 = vector.shape_cast %and3A_873 : vector<16xi32> to vector<1x16xi32>
    tpu.vector_store %arg9[%swap3A_875, %swap3A_876], %swap3A_879 {strides = array<i32>} : memref<4x128xi32, #tpu.memory_space<vmem>>, vector<1x16xi32>,
    %get3A_880 = arith.constant 80 : index
    %get3A_881 = tpu.vector_load %arg8[%get3A_880] {strides = array<i32>} : memref<128xi32, #tpu.memory_space<vmem>>, vector<16xi32>,
    %get3A_882 = vector.shape_cast %get3A_881 : vector<16xi32> to vector<16xi32>
    %and3A_883 = arith.constant 262143 : i32
    %and3A_884 = vector.broadcast %and3A_883 : i32 to vector<16xi32>
    %and3A_885 = arith.andi %get3A_882, %and3A_884 : vector<16xi32>
    %swap3A_886 = arith.constant 3 : i32
    %swap3A_887 = arith.index_cast %swap3A_886 : i32 to index
    %swap3A_888 = arith.constant 80 : index
    %swap3A_889 = tpu.vector_load %arg9[%swap3A_887, %swap3A_888] {strides = array<i32>} : memref<4x128xi32, #tpu.memory_space<vmem>>, vector<1x16xi32>,
    %swap3A_890 = vector.shape_cast %swap3A_889 : vector<1x16xi32> to vector<16xi32>
    %swap3A_891 = vector.shape_cast %and3A_885 : vector<16xi32> to vector<1x16xi32>
    tpu.vector_store %arg9[%swap3A_887, %swap3A_888], %swap3A_891 {strides = array<i32>} : memref<4x128xi32, #tpu.memory_space<vmem>>, vector<1x16xi32>,
    %get3A_892 = arith.constant 96 : index
    %get3A_893 = tpu.vector_load %arg8[%get3A_892] {strides = array<i32>} : memref<128xi32, #tpu.memory_space<vmem>>, vector<16xi32>,
    %get3A_894 = vector.shape_cast %get3A_893 : vector<16xi32> to vector<16xi32>
    %and3A_895 = arith.constant 262143 : i32
    %and3A_896 = vector.broadcast %and3A_895 : i32 to vector<16xi32>
    %and3A_897 = arith.andi %get3A_894, %and3A_896 : vector<16xi32>
    %swap3A_898 = arith.constant 3 : i32
    %swap3A_899 = arith.index_cast %swap3A_898 : i32 to index
    %swap3A_900 = arith.constant 96 : index
    %swap3A_901 = tpu.vector_load %arg9[%swap3A_899, %swap3A_900] {strides = array<i32>} : memref<4x128xi32, #tpu.memory_space<vmem>>, vector<1x16xi32>,
    %swap3A_902 = vector.shape_cast %swap3A_901 : vector<1x16xi32> to vector<16xi32>
    %swap3A_903 = vector.shape_cast %and3A_897 : vector<16xi32> to vector<1x16xi32>
    tpu.vector_store %arg9[%swap3A_899, %swap3A_900], %swap3A_903 {strides = array<i32>} : memref<4x128xi32, #tpu.memory_space<vmem>>, vector<1x16xi32>,
    %get3A_904 = arith.constant 112 : index
    %get3A_905 = tpu.vector_load %arg8[%get3A_904] {strides = array<i32>} : memref<128xi32, #tpu.memory_space<vmem>>, vector<16xi32>,
    %get3A_906 = vector.shape_cast %get3A_905 : vector<16xi32> to vector<16xi32>
    %and3A_907 = arith.constant 262143 : i32
    %and3A_908 = vector.broadcast %and3A_907 : i32 to vector<16xi32>
    %and3A_909 = arith.andi %get3A_906, %and3A_908 : vector<16xi32>
    %swap3A_910 = arith.constant 3 : i32
    %swap3A_911 = arith.index_cast %swap3A_910 : i32 to index
    %swap3A_912 = arith.constant 112 : index
    %swap3A_913 = tpu.vector_load %arg9[%swap3A_911, %swap3A_912] {strides = array<i32>} : memref<4x128xi32, #tpu.memory_space<vmem>>, vector<1x16xi32>,
    %swap3A_914 = vector.shape_cast %swap3A_913 : vector<1x16xi32> to vector<16xi32>
    %swap3A_915 = vector.shape_cast %and3A_909 : vector<16xi32> to vector<1x16xi32>
    tpu.vector_store %arg9[%swap3A_911, %swap3A_912], %swap3A_915 {strides = array<i32>} : memref<4x128xi32, #tpu.memory_space<vmem>>, vector<1x16xi32>,
    %dma_start3A_916 = arith.constant 3 : i32
    %dma_start3A_917 = arith.constant 384 : i32
    %dma_start3A_918 = arith.constant 0 : i32
    %dma_start3A_919 = tpu.memref_slice %arg10[%dma_start3A_917, %dma_start3A_918] : memref<512x128xf32, #tpu.memory_space<vmem>> -> memref<128x128xf32, #tpu.memory_space<vmem>>
    %dma_start3A_920 = arith.constant 0 : i32
    %dma_start3A_921 = tpu.memref_slice %arg9[%dma_start3A_916, %dma_start3A_920] : memref<4x128xi32, #tpu.memory_space<vmem>> -> memref<1x128xi32, #tpu.memory_space<vmem>>
    %dma_start3A_922 = tpu.memref_squeeze %dma_start3A_921 : memref<1x128xi32, #tpu.memory_space<vmem>> -> memref<128xi32, #tpu.memory_space<vmem>>
    %dma_start3A_923 = arith.constant 0 : i32
    %dma_start3A_924 = arith.constant 0 : i32
    %dma_start3A_925 = tpu.memref_slice %arg5[%dma_start3A_923, %dma_start3A_924] : memref<262144x128xf32, #tpu.memory_space<hbm>> -> memref<262144x128xf32, #tpu.memory_space<hbm>>
    tpu.enqueue_indirect_dma source(%dma_start3A_925 : memref<262144x128xf32, #tpu.memory_space<hbm>>) target(%dma_start3A_919 : memref<128x128xf32, #tpu.memory_space<vmem>>) offsets(%dma_start3A_922 : memref<128xi32, #tpu.memory_space<vmem>>) semaphore(%arg11 : memref<!tpu.dma_semaphore, #tpu.memory_space<semaphore_mem>>)
    %dma_wait3A_926 = arith.constant 0 : i32
    %dma_wait3A_927 = arith.constant 0 : i32
    %dma_wait3A_928 = arith.constant 0 : i32
    %dma_wait3A_929 = tpu.memref_slice %arg10[%dma_wait3A_927, %dma_wait3A_928] : memref<512x128xf32, #tpu.memory_space<vmem>> -> memref<128x128xf32, #tpu.memory_space<vmem>>
    %dma_wait3A_930 = arith.constant 0 : i32
    %dma_wait3A_931 = tpu.memref_slice %arg9[%dma_wait3A_926, %dma_wait3A_930] : memref<4x128xi32, #tpu.memory_space<vmem>> -> memref<1x128xi32, #tpu.memory_space<vmem>>
    %dma_wait3A_932 = tpu.memref_squeeze %dma_wait3A_931 : memref<1x128xi32, #tpu.memory_space<vmem>> -> memref<128xi32, #tpu.memory_space<vmem>>
    %dma_wait3A_933 = arith.constant 0 : i32
    %dma_wait3A_934 = arith.constant 0 : i32
    %dma_wait3A_935 = tpu.memref_slice %arg5[%dma_wait3A_933, %dma_wait3A_934] : memref<262144x128xf32, #tpu.memory_space<hbm>> -> memref<262144x128xf32, #tpu.memory_space<hbm>>
    tpu.wait_indirect_dma semaphore(%arg11 : memref<!tpu.dma_semaphore, #tpu.memory_space<semaphore_mem>>) src(%dma_wait3A_935 : memref<262144x128xf32, #tpu.memory_space<hbm>>) dst(%dma_wait3A_929 : memref<128x128xf32, #tpu.memory_space<vmem>>)
    %dma_wait3A_936 = arith.constant 1 : i32
    %dma_wait3A_937 = arith.constant 128 : i32
    %dma_wait3A_938 = arith.constant 0 : i32
    %dma_wait3A_939 = tpu.memref_slice %arg10[%dma_wait3A_937, %dma_wait3A_938] : memref<512x128xf32, #tpu.memory_space<vmem>> -> memref<128x128xf32, #tpu.memory_space<vmem>>
    %dma_wait3A_940 = arith.constant 0 : i32
    %dma_wait3A_941 = tpu.memref_slice %arg9[%dma_wait3A_936, %dma_wait3A_940] : memref<4x128xi32, #tpu.memory_space<vmem>> -> memref<1x128xi32, #tpu.memory_space<vmem>>
    %dma_wait3A_942 = tpu.memref_squeeze %dma_wait3A_941 : memref<1x128xi32, #tpu.memory_space<vmem>> -> memref<128xi32, #tpu.memory_space<vmem>>
    %dma_wait3A_943 = arith.constant 0 : i32
    %dma_wait3A_944 = arith.constant 0 : i32
    %dma_wait3A_945 = tpu.memref_slice %arg5[%dma_wait3A_943, %dma_wait3A_944] : memref<262144x128xf32, #tpu.memory_space<hbm>> -> memref<262144x128xf32, #tpu.memory_space<hbm>>
    tpu.wait_indirect_dma semaphore(%arg11 : memref<!tpu.dma_semaphore, #tpu.memory_space<semaphore_mem>>) src(%dma_wait3A_945 : memref<262144x128xf32, #tpu.memory_space<hbm>>) dst(%dma_wait3A_939 : memref<128x128xf32, #tpu.memory_space<vmem>>)
    %dma_wait3A_946 = arith.constant 2 : i32
    %dma_wait3A_947 = arith.constant 256 : i32
    %dma_wait3A_948 = arith.constant 0 : i32
    %dma_wait3A_949 = tpu.memref_slice %arg10[%dma_wait3A_947, %dma_wait3A_948] : memref<512x128xf32, #tpu.memory_space<vmem>> -> memref<128x128xf32, #tpu.memory_space<vmem>>
    %dma_wait3A_950 = arith.constant 0 : i32
    %dma_wait3A_951 = tpu.memref_slice %arg9[%dma_wait3A_946, %dma_wait3A_950] : memref<4x128xi32, #tpu.memory_space<vmem>> -> memref<1x128xi32, #tpu.memory_space<vmem>>
    %dma_wait3A_952 = tpu.memref_squeeze %dma_wait3A_951 : memref<1x128xi32, #tpu.memory_space<vmem>> -> memref<128xi32, #tpu.memory_space<vmem>>
    %dma_wait3A_953 = arith.constant 0 : i32
    %dma_wait3A_954 = arith.constant 0 : i32
    %dma_wait3A_955 = tpu.memref_slice %arg5[%dma_wait3A_953, %dma_wait3A_954] : memref<262144x128xf32, #tpu.memory_space<hbm>> -> memref<262144x128xf32, #tpu.memory_space<hbm>>
    tpu.wait_indirect_dma semaphore(%arg11 : memref<!tpu.dma_semaphore, #tpu.memory_space<semaphore_mem>>) src(%dma_wait3A_955 : memref<262144x128xf32, #tpu.memory_space<hbm>>) dst(%dma_wait3A_949 : memref<128x128xf32, #tpu.memory_space<vmem>>)
    %dma_wait3A_956 = arith.constant 3 : i32
    %dma_wait3A_957 = arith.constant 384 : i32
    %dma_wait3A_958 = arith.constant 0 : i32
    %dma_wait3A_959 = tpu.memref_slice %arg10[%dma_wait3A_957, %dma_wait3A_958] : memref<512x128xf32, #tpu.memory_space<vmem>> -> memref<128x128xf32, #tpu.memory_space<vmem>>
    %dma_wait3A_960 = arith.constant 0 : i32
    %dma_wait3A_961 = tpu.memref_slice %arg9[%dma_wait3A_956, %dma_wait3A_960] : memref<4x128xi32, #tpu.memory_space<vmem>> -> memref<1x128xi32, #tpu.memory_space<vmem>>
    %dma_wait3A_962 = tpu.memref_squeeze %dma_wait3A_961 : memref<1x128xi32, #tpu.memory_space<vmem>> -> memref<128xi32, #tpu.memory_space<vmem>>
    %dma_wait3A_963 = arith.constant 0 : i32
    %dma_wait3A_964 = arith.constant 0 : i32
    %dma_wait3A_965 = tpu.memref_slice %arg5[%dma_wait3A_963, %dma_wait3A_964] : memref<262144x128xf32, #tpu.memory_space<hbm>> -> memref<262144x128xf32, #tpu.memory_space<hbm>>
    tpu.wait_indirect_dma semaphore(%arg11 : memref<!tpu.dma_semaphore, #tpu.memory_space<semaphore_mem>>) src(%dma_wait3A_965 : memref<262144x128xf32, #tpu.memory_space<hbm>>) dst(%dma_wait3A_959 : memref<128x128xf32, #tpu.memory_space<vmem>>)
    %dma_start3A_966 = arith.constant 0 : i32
    %dma_start3A_967 = tpu.memref_slice %arg7[%mul3A_2, %dma_start3A_966] : memref<16384x128xf32, #tpu.memory_space<hbm>> -> memref<512x128xf32, #tpu.memory_space<hbm>>
    %dma_start3A_968 = arith.constant 0 : i32
    %dma_start3A_969 = tpu.memref_slice %arg7[%mul3A_2, %dma_start3A_968] : memref<16384x128xf32, #tpu.memory_space<hbm>> -> memref<512x128xf32, #tpu.memory_space<hbm>>
    tpu.enqueue_dma source(%arg10 : memref<512x128xf32, #tpu.memory_space<vmem>>) target(%dma_start3A_969 : memref<512x128xf32, #tpu.memory_space<hbm>>) target_semaphore(%arg12 : memref<!tpu.dma_semaphore, #tpu.memory_space<semaphore_mem>>)
    %dma_wait3A_970 = arith.constant 0 : i32
    %dma_wait3A_971 = tpu.memref_slice %arg7[%mul3A_2, %dma_wait3A_970] : memref<16384x128xf32, #tpu.memory_space<hbm>> -> memref<512x128xf32, #tpu.memory_space<hbm>>
    %dma_wait3A_972 = arith.constant 0 : i32
    %dma_wait3A_973 = tpu.memref_slice %arg7[%mul3A_2, %dma_wait3A_972] : memref<16384x128xf32, #tpu.memory_space<hbm>> -> memref<512x128xf32, #tpu.memory_space<hbm>>
    tpu.wait_dma2 semaphore(%arg12 : memref<!tpu.dma_semaphore, #tpu.memory_space<semaphore_mem>>) src(%arg10 : memref<512x128xf32, #tpu.memory_space<vmem>>) dst(%dma_wait3A_973 : memref<512x128xf32, #tpu.memory_space<hbm>>)
    return
  }
}

#map = affine_map<(d0, d1) -> (0, 0)>
module attributes {stable_mosaic.version = 14 : i64} {
  func.func @_sc_gather_body(%arg0: i32, %arg1: i32, %arg2: memref<128x128xi32, #tpu.memory_space<hbm>>, %arg3: memref<262144x128xf32, #tpu.memory_space<hbm>>, %arg4: memref<16384x128xf32, #tpu.memory_space<hbm>>, %arg5: memref<128xi32, #tpu.memory_space<vmem>>, %arg6: memref<4x128xi32, #tpu.memory_space<vmem>>, %arg7: memref<512x128xf32, #tpu.memory_space<vmem>>, %arg8: memref<!tpu.dma_semaphore, #tpu.memory_space<semaphore_mem>>, %arg9: memref<!tpu.dma_semaphore, #tpu.memory_space<semaphore_mem>>) attributes {dimension_semantics = [#tpu.dimension_semantics<core_parallel>, #tpu.dimension_semantics<subcore_parallel>], iteration_bounds = array<i64: 2, 16>, scalar_prefetch = 0 : i64, scratch_operands = 5 : i64, tpu.core_type = #tpu.core_type<sc_vector_subcore>, window_params = [{transform_indices = #map}, {transform_indices = #map}, {transform_indices = #map}]} {
    %mul3A = arith.constant 2 : i32
    %mul3A_0 = arith.muli %arg1, %mul3A : i32
    %add3A = arith.addi %mul3A_0, %arg0 : i32
    %mul3A_1 = arith.constant 512 : i32
    %mul3A_2 = arith.muli %add3A, %mul3A_1 : i32
    %mul3A_3 = arith.constant 4 : i32
    %mul3A_4 = arith.muli %add3A, %mul3A_3 : i32
    %add3A_5 = arith.constant 0 : i32
    %add3A_6 = arith.addi %mul3A_4, %add3A_5 : i32
    "tpu.region"() ({
      %run_scoped3A = tpu.sem_alloc : memref<!tpu.dma_semaphore, #tpu.memory_space<semaphore_mem>>
      %dma_start3A_486 = arith.constant 0 : i32
      %dma_start3A_487 = tpu.memref_slice %arg2[%add3A_6, %dma_start3A_486] : memref<128x128xi32, #tpu.memory_space<hbm>> -> memref<1x128xi32, #tpu.memory_space<hbm>>
      %dma_start3A_488 = tpu.memref_squeeze %dma_start3A_487 : memref<1x128xi32, #tpu.memory_space<hbm>> -> memref<128xi32, #tpu.memory_space<hbm>>
      %dma_start3A_489 = arith.constant 0 : i32
      %dma_start3A_490 = tpu.memref_slice %arg2[%add3A_6, %dma_start3A_489] : memref<128x128xi32, #tpu.memory_space<hbm>> -> memref<1x128xi32, #tpu.memory_space<hbm>>
      %dma_start3A_491 = tpu.memref_squeeze %dma_start3A_490 : memref<1x128xi32, #tpu.memory_space<hbm>> -> memref<128xi32, #tpu.memory_space<hbm>>
      tpu.enqueue_dma source(%dma_start3A_491 : memref<128xi32, #tpu.memory_space<hbm>>) target(%arg5 : memref<128xi32, #tpu.memory_space<vmem>>) target_semaphore(%run_scoped3A : memref<!tpu.dma_semaphore, #tpu.memory_space<semaphore_mem>>)
      %dma_wait3A_492 = arith.constant 0 : i32
      %dma_wait3A_493 = tpu.memref_slice %arg2[%add3A_6, %dma_wait3A_492] : memref<128x128xi32, #tpu.memory_space<hbm>> -> memref<1x128xi32, #tpu.memory_space<hbm>>
      %dma_wait3A_494 = tpu.memref_squeeze %dma_wait3A_493 : memref<1x128xi32, #tpu.memory_space<hbm>> -> memref<128xi32, #tpu.memory_space<hbm>>
      %dma_wait3A_495 = arith.constant 0 : i32
      %dma_wait3A_496 = tpu.memref_slice %arg2[%add3A_6, %dma_wait3A_495] : memref<128x128xi32, #tpu.memory_space<hbm>> -> memref<1x128xi32, #tpu.memory_space<hbm>>
      %dma_wait3A_497 = tpu.memref_squeeze %dma_wait3A_496 : memref<1x128xi32, #tpu.memory_space<hbm>> -> memref<128xi32, #tpu.memory_space<hbm>>
      tpu.wait_dma2 semaphore(%run_scoped3A : memref<!tpu.dma_semaphore, #tpu.memory_space<semaphore_mem>>) src(%dma_wait3A_497 : memref<128xi32, #tpu.memory_space<hbm>>) dst(%arg5 : memref<128xi32, #tpu.memory_space<vmem>>)
      tpu.yield
    }) : () -> ()
    %get3A = arith.constant 0 : index
    %get3A_7 = tpu.vector_load %arg5[%get3A] {strides = array<i32>} : memref<128xi32, #tpu.memory_space<vmem>>, vector<16xi32>,
    %get3A_8 = vector.shape_cast %get3A_7 : vector<16xi32> to vector<16xi32>
    %and3A = arith.constant 262143 : i32
    %and3A_9 = vector.broadcast %and3A : i32 to vector<16xi32>
    %and3A_10 = arith.andi %get3A_8, %and3A_9 : vector<16xi32>
    %swap3A = arith.constant 0 : i32
    %swap3A_11 = arith.index_cast %swap3A : i32 to index
    %swap3A_12 = arith.constant 0 : index
    %swap3A_13 = tpu.vector_load %arg6[%swap3A_11, %swap3A_12] {strides = array<i32>} : memref<4x128xi32, #tpu.memory_space<vmem>>, vector<1x16xi32>,
    %swap3A_14 = vector.shape_cast %swap3A_13 : vector<1x16xi32> to vector<16xi32>
    %swap3A_15 = vector.shape_cast %and3A_10 : vector<16xi32> to vector<1x16xi32>
    tpu.vector_store %arg6[%swap3A_11, %swap3A_12], %swap3A_15 {strides = array<i32>} : memref<4x128xi32, #tpu.memory_space<vmem>>, vector<1x16xi32>,
    %get3A_16 = arith.constant 16 : index
    %get3A_17 = tpu.vector_load %arg5[%get3A_16] {strides = array<i32>} : memref<128xi32, #tpu.memory_space<vmem>>, vector<16xi32>,
    %get3A_18 = vector.shape_cast %get3A_17 : vector<16xi32> to vector<16xi32>
    %and3A_19 = arith.constant 262143 : i32
    %and3A_20 = vector.broadcast %and3A_19 : i32 to vector<16xi32>
    %and3A_21 = arith.andi %get3A_18, %and3A_20 : vector<16xi32>
    %swap3A_22 = arith.constant 0 : i32
    %swap3A_23 = arith.index_cast %swap3A_22 : i32 to index
    %swap3A_24 = arith.constant 16 : index
    %swap3A_25 = tpu.vector_load %arg6[%swap3A_23, %swap3A_24] {strides = array<i32>} : memref<4x128xi32, #tpu.memory_space<vmem>>, vector<1x16xi32>,
    %swap3A_26 = vector.shape_cast %swap3A_25 : vector<1x16xi32> to vector<16xi32>
    %swap3A_27 = vector.shape_cast %and3A_21 : vector<16xi32> to vector<1x16xi32>
    tpu.vector_store %arg6[%swap3A_23, %swap3A_24], %swap3A_27 {strides = array<i32>} : memref<4x128xi32, #tpu.memory_space<vmem>>, vector<1x16xi32>,
    %get3A_28 = arith.constant 32 : index
    %get3A_29 = tpu.vector_load %arg5[%get3A_28] {strides = array<i32>} : memref<128xi32, #tpu.memory_space<vmem>>, vector<16xi32>,
    %get3A_30 = vector.shape_cast %get3A_29 : vector<16xi32> to vector<16xi32>
    %and3A_31 = arith.constant 262143 : i32
    %and3A_32 = vector.broadcast %and3A_31 : i32 to vector<16xi32>
    %and3A_33 = arith.andi %get3A_30, %and3A_32 : vector<16xi32>
    %swap3A_34 = arith.constant 0 : i32
    %swap3A_35 = arith.index_cast %swap3A_34 : i32 to index
    %swap3A_36 = arith.constant 32 : index
    %swap3A_37 = tpu.vector_load %arg6[%swap3A_35, %swap3A_36] {strides = array<i32>} : memref<4x128xi32, #tpu.memory_space<vmem>>, vector<1x16xi32>,
    %swap3A_38 = vector.shape_cast %swap3A_37 : vector<1x16xi32> to vector<16xi32>
    %swap3A_39 = vector.shape_cast %and3A_33 : vector<16xi32> to vector<1x16xi32>
    tpu.vector_store %arg6[%swap3A_35, %swap3A_36], %swap3A_39 {strides = array<i32>} : memref<4x128xi32, #tpu.memory_space<vmem>>, vector<1x16xi32>,
    %get3A_40 = arith.constant 48 : index
    %get3A_41 = tpu.vector_load %arg5[%get3A_40] {strides = array<i32>} : memref<128xi32, #tpu.memory_space<vmem>>, vector<16xi32>,
    %get3A_42 = vector.shape_cast %get3A_41 : vector<16xi32> to vector<16xi32>
    %and3A_43 = arith.constant 262143 : i32
    %and3A_44 = vector.broadcast %and3A_43 : i32 to vector<16xi32>
    %and3A_45 = arith.andi %get3A_42, %and3A_44 : vector<16xi32>
    %swap3A_46 = arith.constant 0 : i32
    %swap3A_47 = arith.index_cast %swap3A_46 : i32 to index
    %swap3A_48 = arith.constant 48 : index
    %swap3A_49 = tpu.vector_load %arg6[%swap3A_47, %swap3A_48] {strides = array<i32>} : memref<4x128xi32, #tpu.memory_space<vmem>>, vector<1x16xi32>,
    %swap3A_50 = vector.shape_cast %swap3A_49 : vector<1x16xi32> to vector<16xi32>
    %swap3A_51 = vector.shape_cast %and3A_45 : vector<16xi32> to vector<1x16xi32>
    tpu.vector_store %arg6[%swap3A_47, %swap3A_48], %swap3A_51 {strides = array<i32>} : memref<4x128xi32, #tpu.memory_space<vmem>>, vector<1x16xi32>,
    %get3A_52 = arith.constant 64 : index
    %get3A_53 = tpu.vector_load %arg5[%get3A_52] {strides = array<i32>} : memref<128xi32, #tpu.memory_space<vmem>>, vector<16xi32>,
    %get3A_54 = vector.shape_cast %get3A_53 : vector<16xi32> to vector<16xi32>
    %and3A_55 = arith.constant 262143 : i32
    %and3A_56 = vector.broadcast %and3A_55 : i32 to vector<16xi32>
    %and3A_57 = arith.andi %get3A_54, %and3A_56 : vector<16xi32>
    %swap3A_58 = arith.constant 0 : i32
    %swap3A_59 = arith.index_cast %swap3A_58 : i32 to index
    %swap3A_60 = arith.constant 64 : index
    %swap3A_61 = tpu.vector_load %arg6[%swap3A_59, %swap3A_60] {strides = array<i32>} : memref<4x128xi32, #tpu.memory_space<vmem>>, vector<1x16xi32>,
    %swap3A_62 = vector.shape_cast %swap3A_61 : vector<1x16xi32> to vector<16xi32>
    %swap3A_63 = vector.shape_cast %and3A_57 : vector<16xi32> to vector<1x16xi32>
    tpu.vector_store %arg6[%swap3A_59, %swap3A_60], %swap3A_63 {strides = array<i32>} : memref<4x128xi32, #tpu.memory_space<vmem>>, vector<1x16xi32>,
    %get3A_64 = arith.constant 80 : index
    %get3A_65 = tpu.vector_load %arg5[%get3A_64] {strides = array<i32>} : memref<128xi32, #tpu.memory_space<vmem>>, vector<16xi32>,
    %get3A_66 = vector.shape_cast %get3A_65 : vector<16xi32> to vector<16xi32>
    %and3A_67 = arith.constant 262143 : i32
    %and3A_68 = vector.broadcast %and3A_67 : i32 to vector<16xi32>
    %and3A_69 = arith.andi %get3A_66, %and3A_68 : vector<16xi32>
    %swap3A_70 = arith.constant 0 : i32
    %swap3A_71 = arith.index_cast %swap3A_70 : i32 to index
    %swap3A_72 = arith.constant 80 : index
    %swap3A_73 = tpu.vector_load %arg6[%swap3A_71, %swap3A_72] {strides = array<i32>} : memref<4x128xi32, #tpu.memory_space<vmem>>, vector<1x16xi32>,
    %swap3A_74 = vector.shape_cast %swap3A_73 : vector<1x16xi32> to vector<16xi32>
    %swap3A_75 = vector.shape_cast %and3A_69 : vector<16xi32> to vector<1x16xi32>
    tpu.vector_store %arg6[%swap3A_71, %swap3A_72], %swap3A_75 {strides = array<i32>} : memref<4x128xi32, #tpu.memory_space<vmem>>, vector<1x16xi32>,
    %get3A_76 = arith.constant 96 : index
    %get3A_77 = tpu.vector_load %arg5[%get3A_76] {strides = array<i32>} : memref<128xi32, #tpu.memory_space<vmem>>, vector<16xi32>,
    %get3A_78 = vector.shape_cast %get3A_77 : vector<16xi32> to vector<16xi32>
    %and3A_79 = arith.constant 262143 : i32
    %and3A_80 = vector.broadcast %and3A_79 : i32 to vector<16xi32>
    %and3A_81 = arith.andi %get3A_78, %and3A_80 : vector<16xi32>
    %swap3A_82 = arith.constant 0 : i32
    %swap3A_83 = arith.index_cast %swap3A_82 : i32 to index
    %swap3A_84 = arith.constant 96 : index
    %swap3A_85 = tpu.vector_load %arg6[%swap3A_83, %swap3A_84] {strides = array<i32>} : memref<4x128xi32, #tpu.memory_space<vmem>>, vector<1x16xi32>,
    %swap3A_86 = vector.shape_cast %swap3A_85 : vector<1x16xi32> to vector<16xi32>
    %swap3A_87 = vector.shape_cast %and3A_81 : vector<16xi32> to vector<1x16xi32>
    tpu.vector_store %arg6[%swap3A_83, %swap3A_84], %swap3A_87 {strides = array<i32>} : memref<4x128xi32, #tpu.memory_space<vmem>>, vector<1x16xi32>,
    %get3A_88 = arith.constant 112 : index
    %get3A_89 = tpu.vector_load %arg5[%get3A_88] {strides = array<i32>} : memref<128xi32, #tpu.memory_space<vmem>>, vector<16xi32>,
    %get3A_90 = vector.shape_cast %get3A_89 : vector<16xi32> to vector<16xi32>
    %and3A_91 = arith.constant 262143 : i32
    %and3A_92 = vector.broadcast %and3A_91 : i32 to vector<16xi32>
    %and3A_93 = arith.andi %get3A_90, %and3A_92 : vector<16xi32>
    %swap3A_94 = arith.constant 0 : i32
    %swap3A_95 = arith.index_cast %swap3A_94 : i32 to index
    %swap3A_96 = arith.constant 112 : index
    %swap3A_97 = tpu.vector_load %arg6[%swap3A_95, %swap3A_96] {strides = array<i32>} : memref<4x128xi32, #tpu.memory_space<vmem>>, vector<1x16xi32>,
    %swap3A_98 = vector.shape_cast %swap3A_97 : vector<1x16xi32> to vector<16xi32>
    %swap3A_99 = vector.shape_cast %and3A_93 : vector<16xi32> to vector<1x16xi32>
    tpu.vector_store %arg6[%swap3A_95, %swap3A_96], %swap3A_99 {strides = array<i32>} : memref<4x128xi32, #tpu.memory_space<vmem>>, vector<1x16xi32>,
    %dma_start3A = arith.constant 0 : i32
    %dma_start3A_100 = arith.constant 0 : i32
    %dma_start3A_101 = arith.constant 0 : i32
    %dma_start3A_102 = tpu.memref_slice %arg7[%dma_start3A_100, %dma_start3A_101] : memref<512x128xf32, #tpu.memory_space<vmem>> -> memref<128x128xf32, #tpu.memory_space<vmem>>
    %dma_start3A_103 = arith.constant 0 : i32
    %dma_start3A_104 = tpu.memref_slice %arg6[%dma_start3A, %dma_start3A_103] : memref<4x128xi32, #tpu.memory_space<vmem>> -> memref<1x128xi32, #tpu.memory_space<vmem>>
    %dma_start3A_105 = tpu.memref_squeeze %dma_start3A_104 : memref<1x128xi32, #tpu.memory_space<vmem>> -> memref<128xi32, #tpu.memory_space<vmem>>
    %dma_start3A_106 = arith.constant 0 : i32
    %dma_start3A_107 = arith.constant 0 : i32
    %dma_start3A_108 = tpu.memref_slice %arg3[%dma_start3A_106, %dma_start3A_107] : memref<262144x128xf32, #tpu.memory_space<hbm>> -> memref<262144x128xf32, #tpu.memory_space<hbm>>
    tpu.enqueue_indirect_dma source(%dma_start3A_108 : memref<262144x128xf32, #tpu.memory_space<hbm>>) target(%dma_start3A_102 : memref<128x128xf32, #tpu.memory_space<vmem>>) offsets(%dma_start3A_105 : memref<128xi32, #tpu.memory_space<vmem>>) semaphore(%arg8 : memref<!tpu.dma_semaphore, #tpu.memory_space<semaphore_mem>>)
    %mul3A_109 = arith.constant 4 : i32
    %mul3A_110 = arith.muli %add3A, %mul3A_109 : i32
    %add3A_111 = arith.constant 1 : i32
    %add3A_112 = arith.addi %mul3A_110, %add3A_111 : i32
    "tpu.region"() ({
      %run_scoped3A = tpu.sem_alloc : memref<!tpu.dma_semaphore, #tpu.memory_space<semaphore_mem>>
      %dma_start3A_486 = arith.constant 0 : i32
      %dma_start3A_487 = tpu.memref_slice %arg2[%add3A_112, %dma_start3A_486] : memref<128x128xi32, #tpu.memory_space<hbm>> -> memref<1x128xi32, #tpu.memory_space<hbm>>
      %dma_start3A_488 = tpu.memref_squeeze %dma_start3A_487 : memref<1x128xi32, #tpu.memory_space<hbm>> -> memref<128xi32, #tpu.memory_space<hbm>>
      %dma_start3A_489 = arith.constant 0 : i32
      %dma_start3A_490 = tpu.memref_slice %arg2[%add3A_112, %dma_start3A_489] : memref<128x128xi32, #tpu.memory_space<hbm>> -> memref<1x128xi32, #tpu.memory_space<hbm>>
      %dma_start3A_491 = tpu.memref_squeeze %dma_start3A_490 : memref<1x128xi32, #tpu.memory_space<hbm>> -> memref<128xi32, #tpu.memory_space<hbm>>
      tpu.enqueue_dma source(%dma_start3A_491 : memref<128xi32, #tpu.memory_space<hbm>>) target(%arg5 : memref<128xi32, #tpu.memory_space<vmem>>) target_semaphore(%run_scoped3A : memref<!tpu.dma_semaphore, #tpu.memory_space<semaphore_mem>>)
      %dma_wait3A_492 = arith.constant 0 : i32
      %dma_wait3A_493 = tpu.memref_slice %arg2[%add3A_112, %dma_wait3A_492] : memref<128x128xi32, #tpu.memory_space<hbm>> -> memref<1x128xi32, #tpu.memory_space<hbm>>
      %dma_wait3A_494 = tpu.memref_squeeze %dma_wait3A_493 : memref<1x128xi32, #tpu.memory_space<hbm>> -> memref<128xi32, #tpu.memory_space<hbm>>
      %dma_wait3A_495 = arith.constant 0 : i32
      %dma_wait3A_496 = tpu.memref_slice %arg2[%add3A_112, %dma_wait3A_495] : memref<128x128xi32, #tpu.memory_space<hbm>> -> memref<1x128xi32, #tpu.memory_space<hbm>>
      %dma_wait3A_497 = tpu.memref_squeeze %dma_wait3A_496 : memref<1x128xi32, #tpu.memory_space<hbm>> -> memref<128xi32, #tpu.memory_space<hbm>>
      tpu.wait_dma2 semaphore(%run_scoped3A : memref<!tpu.dma_semaphore, #tpu.memory_space<semaphore_mem>>) src(%dma_wait3A_497 : memref<128xi32, #tpu.memory_space<hbm>>) dst(%arg5 : memref<128xi32, #tpu.memory_space<vmem>>)
      tpu.yield
    }) : () -> ()
    %get3A_113 = arith.constant 0 : index
    %get3A_114 = tpu.vector_load %arg5[%get3A_113] {strides = array<i32>} : memref<128xi32, #tpu.memory_space<vmem>>, vector<16xi32>,
    %get3A_115 = vector.shape_cast %get3A_114 : vector<16xi32> to vector<16xi32>
    %and3A_116 = arith.constant 262143 : i32
    %and3A_117 = vector.broadcast %and3A_116 : i32 to vector<16xi32>
    %and3A_118 = arith.andi %get3A_115, %and3A_117 : vector<16xi32>
    %swap3A_119 = arith.constant 1 : i32
    %swap3A_120 = arith.index_cast %swap3A_119 : i32 to index
    %swap3A_121 = arith.constant 0 : index
    %swap3A_122 = tpu.vector_load %arg6[%swap3A_120, %swap3A_121] {strides = array<i32>} : memref<4x128xi32, #tpu.memory_space<vmem>>, vector<1x16xi32>,
    %swap3A_123 = vector.shape_cast %swap3A_122 : vector<1x16xi32> to vector<16xi32>
    %swap3A_124 = vector.shape_cast %and3A_118 : vector<16xi32> to vector<1x16xi32>
    tpu.vector_store %arg6[%swap3A_120, %swap3A_121], %swap3A_124 {strides = array<i32>} : memref<4x128xi32, #tpu.memory_space<vmem>>, vector<1x16xi32>,
    %get3A_125 = arith.constant 16 : index
    %get3A_126 = tpu.vector_load %arg5[%get3A_125] {strides = array<i32>} : memref<128xi32, #tpu.memory_space<vmem>>, vector<16xi32>,
    %get3A_127 = vector.shape_cast %get3A_126 : vector<16xi32> to vector<16xi32>
    %and3A_128 = arith.constant 262143 : i32
    %and3A_129 = vector.broadcast %and3A_128 : i32 to vector<16xi32>
    %and3A_130 = arith.andi %get3A_127, %and3A_129 : vector<16xi32>
    %swap3A_131 = arith.constant 1 : i32
    %swap3A_132 = arith.index_cast %swap3A_131 : i32 to index
    %swap3A_133 = arith.constant 16 : index
    %swap3A_134 = tpu.vector_load %arg6[%swap3A_132, %swap3A_133] {strides = array<i32>} : memref<4x128xi32, #tpu.memory_space<vmem>>, vector<1x16xi32>,
    %swap3A_135 = vector.shape_cast %swap3A_134 : vector<1x16xi32> to vector<16xi32>
    %swap3A_136 = vector.shape_cast %and3A_130 : vector<16xi32> to vector<1x16xi32>
    tpu.vector_store %arg6[%swap3A_132, %swap3A_133], %swap3A_136 {strides = array<i32>} : memref<4x128xi32, #tpu.memory_space<vmem>>, vector<1x16xi32>,
    %get3A_137 = arith.constant 32 : index
    %get3A_138 = tpu.vector_load %arg5[%get3A_137] {strides = array<i32>} : memref<128xi32, #tpu.memory_space<vmem>>, vector<16xi32>,
    %get3A_139 = vector.shape_cast %get3A_138 : vector<16xi32> to vector<16xi32>
    %and3A_140 = arith.constant 262143 : i32
    %and3A_141 = vector.broadcast %and3A_140 : i32 to vector<16xi32>
    %and3A_142 = arith.andi %get3A_139, %and3A_141 : vector<16xi32>
    %swap3A_143 = arith.constant 1 : i32
    %swap3A_144 = arith.index_cast %swap3A_143 : i32 to index
    %swap3A_145 = arith.constant 32 : index
    %swap3A_146 = tpu.vector_load %arg6[%swap3A_144, %swap3A_145] {strides = array<i32>} : memref<4x128xi32, #tpu.memory_space<vmem>>, vector<1x16xi32>,
    %swap3A_147 = vector.shape_cast %swap3A_146 : vector<1x16xi32> to vector<16xi32>
    %swap3A_148 = vector.shape_cast %and3A_142 : vector<16xi32> to vector<1x16xi32>
    tpu.vector_store %arg6[%swap3A_144, %swap3A_145], %swap3A_148 {strides = array<i32>} : memref<4x128xi32, #tpu.memory_space<vmem>>, vector<1x16xi32>,
    %get3A_149 = arith.constant 48 : index
    %get3A_150 = tpu.vector_load %arg5[%get3A_149] {strides = array<i32>} : memref<128xi32, #tpu.memory_space<vmem>>, vector<16xi32>,
    %get3A_151 = vector.shape_cast %get3A_150 : vector<16xi32> to vector<16xi32>
    %and3A_152 = arith.constant 262143 : i32
    %and3A_153 = vector.broadcast %and3A_152 : i32 to vector<16xi32>
    %and3A_154 = arith.andi %get3A_151, %and3A_153 : vector<16xi32>
    %swap3A_155 = arith.constant 1 : i32
    %swap3A_156 = arith.index_cast %swap3A_155 : i32 to index
    %swap3A_157 = arith.constant 48 : index
    %swap3A_158 = tpu.vector_load %arg6[%swap3A_156, %swap3A_157] {strides = array<i32>} : memref<4x128xi32, #tpu.memory_space<vmem>>, vector<1x16xi32>,
    %swap3A_159 = vector.shape_cast %swap3A_158 : vector<1x16xi32> to vector<16xi32>
    %swap3A_160 = vector.shape_cast %and3A_154 : vector<16xi32> to vector<1x16xi32>
    tpu.vector_store %arg6[%swap3A_156, %swap3A_157], %swap3A_160 {strides = array<i32>} : memref<4x128xi32, #tpu.memory_space<vmem>>, vector<1x16xi32>,
    %get3A_161 = arith.constant 64 : index
    %get3A_162 = tpu.vector_load %arg5[%get3A_161] {strides = array<i32>} : memref<128xi32, #tpu.memory_space<vmem>>, vector<16xi32>,
    %get3A_163 = vector.shape_cast %get3A_162 : vector<16xi32> to vector<16xi32>
    %and3A_164 = arith.constant 262143 : i32
    %and3A_165 = vector.broadcast %and3A_164 : i32 to vector<16xi32>
    %and3A_166 = arith.andi %get3A_163, %and3A_165 : vector<16xi32>
    %swap3A_167 = arith.constant 1 : i32
    %swap3A_168 = arith.index_cast %swap3A_167 : i32 to index
    %swap3A_169 = arith.constant 64 : index
    %swap3A_170 = tpu.vector_load %arg6[%swap3A_168, %swap3A_169] {strides = array<i32>} : memref<4x128xi32, #tpu.memory_space<vmem>>, vector<1x16xi32>,
    %swap3A_171 = vector.shape_cast %swap3A_170 : vector<1x16xi32> to vector<16xi32>
    %swap3A_172 = vector.shape_cast %and3A_166 : vector<16xi32> to vector<1x16xi32>
    tpu.vector_store %arg6[%swap3A_168, %swap3A_169], %swap3A_172 {strides = array<i32>} : memref<4x128xi32, #tpu.memory_space<vmem>>, vector<1x16xi32>,
    %get3A_173 = arith.constant 80 : index
    %get3A_174 = tpu.vector_load %arg5[%get3A_173] {strides = array<i32>} : memref<128xi32, #tpu.memory_space<vmem>>, vector<16xi32>,
    %get3A_175 = vector.shape_cast %get3A_174 : vector<16xi32> to vector<16xi32>
    %and3A_176 = arith.constant 262143 : i32
    %and3A_177 = vector.broadcast %and3A_176 : i32 to vector<16xi32>
    %and3A_178 = arith.andi %get3A_175, %and3A_177 : vector<16xi32>
    %swap3A_179 = arith.constant 1 : i32
    %swap3A_180 = arith.index_cast %swap3A_179 : i32 to index
    %swap3A_181 = arith.constant 80 : index
    %swap3A_182 = tpu.vector_load %arg6[%swap3A_180, %swap3A_181] {strides = array<i32>} : memref<4x128xi32, #tpu.memory_space<vmem>>, vector<1x16xi32>,
    %swap3A_183 = vector.shape_cast %swap3A_182 : vector<1x16xi32> to vector<16xi32>
    %swap3A_184 = vector.shape_cast %and3A_178 : vector<16xi32> to vector<1x16xi32>
    tpu.vector_store %arg6[%swap3A_180, %swap3A_181], %swap3A_184 {strides = array<i32>} : memref<4x128xi32, #tpu.memory_space<vmem>>, vector<1x16xi32>,
    %get3A_185 = arith.constant 96 : index
    %get3A_186 = tpu.vector_load %arg5[%get3A_185] {strides = array<i32>} : memref<128xi32, #tpu.memory_space<vmem>>, vector<16xi32>,
    %get3A_187 = vector.shape_cast %get3A_186 : vector<16xi32> to vector<16xi32>
    %and3A_188 = arith.constant 262143 : i32
    %and3A_189 = vector.broadcast %and3A_188 : i32 to vector<16xi32>
    %and3A_190 = arith.andi %get3A_187, %and3A_189 : vector<16xi32>
    %swap3A_191 = arith.constant 1 : i32
    %swap3A_192 = arith.index_cast %swap3A_191 : i32 to index
    %swap3A_193 = arith.constant 96 : index
    %swap3A_194 = tpu.vector_load %arg6[%swap3A_192, %swap3A_193] {strides = array<i32>} : memref<4x128xi32, #tpu.memory_space<vmem>>, vector<1x16xi32>,
    %swap3A_195 = vector.shape_cast %swap3A_194 : vector<1x16xi32> to vector<16xi32>
    %swap3A_196 = vector.shape_cast %and3A_190 : vector<16xi32> to vector<1x16xi32>
    tpu.vector_store %arg6[%swap3A_192, %swap3A_193], %swap3A_196 {strides = array<i32>} : memref<4x128xi32, #tpu.memory_space<vmem>>, vector<1x16xi32>,
    %get3A_197 = arith.constant 112 : index
    %get3A_198 = tpu.vector_load %arg5[%get3A_197] {strides = array<i32>} : memref<128xi32, #tpu.memory_space<vmem>>, vector<16xi32>,
    %get3A_199 = vector.shape_cast %get3A_198 : vector<16xi32> to vector<16xi32>
    %and3A_200 = arith.constant 262143 : i32
    %and3A_201 = vector.broadcast %and3A_200 : i32 to vector<16xi32>
    %and3A_202 = arith.andi %get3A_199, %and3A_201 : vector<16xi32>
    %swap3A_203 = arith.constant 1 : i32
    %swap3A_204 = arith.index_cast %swap3A_203 : i32 to index
    %swap3A_205 = arith.constant 112 : index
    %swap3A_206 = tpu.vector_load %arg6[%swap3A_204, %swap3A_205] {strides = array<i32>} : memref<4x128xi32, #tpu.memory_space<vmem>>, vector<1x16xi32>,
    %swap3A_207 = vector.shape_cast %swap3A_206 : vector<1x16xi32> to vector<16xi32>
    %swap3A_208 = vector.shape_cast %and3A_202 : vector<16xi32> to vector<1x16xi32>
    tpu.vector_store %arg6[%swap3A_204, %swap3A_205], %swap3A_208 {strides = array<i32>} : memref<4x128xi32, #tpu.memory_space<vmem>>, vector<1x16xi32>,
    %dma_start3A_209 = arith.constant 1 : i32
    %dma_start3A_210 = arith.constant 128 : i32
    %dma_start3A_211 = arith.constant 0 : i32
    %dma_start3A_212 = tpu.memref_slice %arg7[%dma_start3A_210, %dma_start3A_211] : memref<512x128xf32, #tpu.memory_space<vmem>> -> memref<128x128xf32, #tpu.memory_space<vmem>>
    %dma_start3A_213 = arith.constant 0 : i32
    %dma_start3A_214 = tpu.memref_slice %arg6[%dma_start3A_209, %dma_start3A_213] : memref<4x128xi32, #tpu.memory_space<vmem>> -> memref<1x128xi32, #tpu.memory_space<vmem>>
    %dma_start3A_215 = tpu.memref_squeeze %dma_start3A_214 : memref<1x128xi32, #tpu.memory_space<vmem>> -> memref<128xi32, #tpu.memory_space<vmem>>
    %dma_start3A_216 = arith.constant 0 : i32
    %dma_start3A_217 = arith.constant 0 : i32
    %dma_start3A_218 = tpu.memref_slice %arg3[%dma_start3A_216, %dma_start3A_217] : memref<262144x128xf32, #tpu.memory_space<hbm>> -> memref<262144x128xf32, #tpu.memory_space<hbm>>
    tpu.enqueue_indirect_dma source(%dma_start3A_218 : memref<262144x128xf32, #tpu.memory_space<hbm>>) target(%dma_start3A_212 : memref<128x128xf32, #tpu.memory_space<vmem>>) offsets(%dma_start3A_215 : memref<128xi32, #tpu.memory_space<vmem>>) semaphore(%arg8 : memref<!tpu.dma_semaphore, #tpu.memory_space<semaphore_mem>>)
    %mul3A_219 = arith.constant 4 : i32
    %mul3A_220 = arith.muli %add3A, %mul3A_219 : i32
    %add3A_221 = arith.constant 2 : i32
    %add3A_222 = arith.addi %mul3A_220, %add3A_221 : i32
    "tpu.region"() ({
      %run_scoped3A = tpu.sem_alloc : memref<!tpu.dma_semaphore, #tpu.memory_space<semaphore_mem>>
      %dma_start3A_486 = arith.constant 0 : i32
      %dma_start3A_487 = tpu.memref_slice %arg2[%add3A_222, %dma_start3A_486] : memref<128x128xi32, #tpu.memory_space<hbm>> -> memref<1x128xi32, #tpu.memory_space<hbm>>
      %dma_start3A_488 = tpu.memref_squeeze %dma_start3A_487 : memref<1x128xi32, #tpu.memory_space<hbm>> -> memref<128xi32, #tpu.memory_space<hbm>>
      %dma_start3A_489 = arith.constant 0 : i32
      %dma_start3A_490 = tpu.memref_slice %arg2[%add3A_222, %dma_start3A_489] : memref<128x128xi32, #tpu.memory_space<hbm>> -> memref<1x128xi32, #tpu.memory_space<hbm>>
      %dma_start3A_491 = tpu.memref_squeeze %dma_start3A_490 : memref<1x128xi32, #tpu.memory_space<hbm>> -> memref<128xi32, #tpu.memory_space<hbm>>
      tpu.enqueue_dma source(%dma_start3A_491 : memref<128xi32, #tpu.memory_space<hbm>>) target(%arg5 : memref<128xi32, #tpu.memory_space<vmem>>) target_semaphore(%run_scoped3A : memref<!tpu.dma_semaphore, #tpu.memory_space<semaphore_mem>>)
      %dma_wait3A_492 = arith.constant 0 : i32
      %dma_wait3A_493 = tpu.memref_slice %arg2[%add3A_222, %dma_wait3A_492] : memref<128x128xi32, #tpu.memory_space<hbm>> -> memref<1x128xi32, #tpu.memory_space<hbm>>
      %dma_wait3A_494 = tpu.memref_squeeze %dma_wait3A_493 : memref<1x128xi32, #tpu.memory_space<hbm>> -> memref<128xi32, #tpu.memory_space<hbm>>
      %dma_wait3A_495 = arith.constant 0 : i32
      %dma_wait3A_496 = tpu.memref_slice %arg2[%add3A_222, %dma_wait3A_495] : memref<128x128xi32, #tpu.memory_space<hbm>> -> memref<1x128xi32, #tpu.memory_space<hbm>>
      %dma_wait3A_497 = tpu.memref_squeeze %dma_wait3A_496 : memref<1x128xi32, #tpu.memory_space<hbm>> -> memref<128xi32, #tpu.memory_space<hbm>>
      tpu.wait_dma2 semaphore(%run_scoped3A : memref<!tpu.dma_semaphore, #tpu.memory_space<semaphore_mem>>) src(%dma_wait3A_497 : memref<128xi32, #tpu.memory_space<hbm>>) dst(%arg5 : memref<128xi32, #tpu.memory_space<vmem>>)
      tpu.yield
    }) : () -> ()
    %get3A_223 = arith.constant 0 : index
    %get3A_224 = tpu.vector_load %arg5[%get3A_223] {strides = array<i32>} : memref<128xi32, #tpu.memory_space<vmem>>, vector<16xi32>,
    %get3A_225 = vector.shape_cast %get3A_224 : vector<16xi32> to vector<16xi32>
    %and3A_226 = arith.constant 262143 : i32
    %and3A_227 = vector.broadcast %and3A_226 : i32 to vector<16xi32>
    %and3A_228 = arith.andi %get3A_225, %and3A_227 : vector<16xi32>
    %swap3A_229 = arith.constant 2 : i32
    %swap3A_230 = arith.index_cast %swap3A_229 : i32 to index
    %swap3A_231 = arith.constant 0 : index
    %swap3A_232 = tpu.vector_load %arg6[%swap3A_230, %swap3A_231] {strides = array<i32>} : memref<4x128xi32, #tpu.memory_space<vmem>>, vector<1x16xi32>,
    %swap3A_233 = vector.shape_cast %swap3A_232 : vector<1x16xi32> to vector<16xi32>
    %swap3A_234 = vector.shape_cast %and3A_228 : vector<16xi32> to vector<1x16xi32>
    tpu.vector_store %arg6[%swap3A_230, %swap3A_231], %swap3A_234 {strides = array<i32>} : memref<4x128xi32, #tpu.memory_space<vmem>>, vector<1x16xi32>,
    %get3A_235 = arith.constant 16 : index
    %get3A_236 = tpu.vector_load %arg5[%get3A_235] {strides = array<i32>} : memref<128xi32, #tpu.memory_space<vmem>>, vector<16xi32>,
    %get3A_237 = vector.shape_cast %get3A_236 : vector<16xi32> to vector<16xi32>
    %and3A_238 = arith.constant 262143 : i32
    %and3A_239 = vector.broadcast %and3A_238 : i32 to vector<16xi32>
    %and3A_240 = arith.andi %get3A_237, %and3A_239 : vector<16xi32>
    %swap3A_241 = arith.constant 2 : i32
    %swap3A_242 = arith.index_cast %swap3A_241 : i32 to index
    %swap3A_243 = arith.constant 16 : index
    %swap3A_244 = tpu.vector_load %arg6[%swap3A_242, %swap3A_243] {strides = array<i32>} : memref<4x128xi32, #tpu.memory_space<vmem>>, vector<1x16xi32>,
    %swap3A_245 = vector.shape_cast %swap3A_244 : vector<1x16xi32> to vector<16xi32>
    %swap3A_246 = vector.shape_cast %and3A_240 : vector<16xi32> to vector<1x16xi32>
    tpu.vector_store %arg6[%swap3A_242, %swap3A_243], %swap3A_246 {strides = array<i32>} : memref<4x128xi32, #tpu.memory_space<vmem>>, vector<1x16xi32>,
    %get3A_247 = arith.constant 32 : index
    %get3A_248 = tpu.vector_load %arg5[%get3A_247] {strides = array<i32>} : memref<128xi32, #tpu.memory_space<vmem>>, vector<16xi32>,
    %get3A_249 = vector.shape_cast %get3A_248 : vector<16xi32> to vector<16xi32>
    %and3A_250 = arith.constant 262143 : i32
    %and3A_251 = vector.broadcast %and3A_250 : i32 to vector<16xi32>
    %and3A_252 = arith.andi %get3A_249, %and3A_251 : vector<16xi32>
    %swap3A_253 = arith.constant 2 : i32
    %swap3A_254 = arith.index_cast %swap3A_253 : i32 to index
    %swap3A_255 = arith.constant 32 : index
    %swap3A_256 = tpu.vector_load %arg6[%swap3A_254, %swap3A_255] {strides = array<i32>} : memref<4x128xi32, #tpu.memory_space<vmem>>, vector<1x16xi32>,
    %swap3A_257 = vector.shape_cast %swap3A_256 : vector<1x16xi32> to vector<16xi32>
    %swap3A_258 = vector.shape_cast %and3A_252 : vector<16xi32> to vector<1x16xi32>
    tpu.vector_store %arg6[%swap3A_254, %swap3A_255], %swap3A_258 {strides = array<i32>} : memref<4x128xi32, #tpu.memory_space<vmem>>, vector<1x16xi32>,
    %get3A_259 = arith.constant 48 : index
    %get3A_260 = tpu.vector_load %arg5[%get3A_259] {strides = array<i32>} : memref<128xi32, #tpu.memory_space<vmem>>, vector<16xi32>,
    %get3A_261 = vector.shape_cast %get3A_260 : vector<16xi32> to vector<16xi32>
    %and3A_262 = arith.constant 262143 : i32
    %and3A_263 = vector.broadcast %and3A_262 : i32 to vector<16xi32>
    %and3A_264 = arith.andi %get3A_261, %and3A_263 : vector<16xi32>
    %swap3A_265 = arith.constant 2 : i32
    %swap3A_266 = arith.index_cast %swap3A_265 : i32 to index
    %swap3A_267 = arith.constant 48 : index
    %swap3A_268 = tpu.vector_load %arg6[%swap3A_266, %swap3A_267] {strides = array<i32>} : memref<4x128xi32, #tpu.memory_space<vmem>>, vector<1x16xi32>,
    %swap3A_269 = vector.shape_cast %swap3A_268 : vector<1x16xi32> to vector<16xi32>
    %swap3A_270 = vector.shape_cast %and3A_264 : vector<16xi32> to vector<1x16xi32>
    tpu.vector_store %arg6[%swap3A_266, %swap3A_267], %swap3A_270 {strides = array<i32>} : memref<4x128xi32, #tpu.memory_space<vmem>>, vector<1x16xi32>,
    %get3A_271 = arith.constant 64 : index
    %get3A_272 = tpu.vector_load %arg5[%get3A_271] {strides = array<i32>} : memref<128xi32, #tpu.memory_space<vmem>>, vector<16xi32>,
    %get3A_273 = vector.shape_cast %get3A_272 : vector<16xi32> to vector<16xi32>
    %and3A_274 = arith.constant 262143 : i32
    %and3A_275 = vector.broadcast %and3A_274 : i32 to vector<16xi32>
    %and3A_276 = arith.andi %get3A_273, %and3A_275 : vector<16xi32>
    %swap3A_277 = arith.constant 2 : i32
    %swap3A_278 = arith.index_cast %swap3A_277 : i32 to index
    %swap3A_279 = arith.constant 64 : index
    %swap3A_280 = tpu.vector_load %arg6[%swap3A_278, %swap3A_279] {strides = array<i32>} : memref<4x128xi32, #tpu.memory_space<vmem>>, vector<1x16xi32>,
    %swap3A_281 = vector.shape_cast %swap3A_280 : vector<1x16xi32> to vector<16xi32>
    %swap3A_282 = vector.shape_cast %and3A_276 : vector<16xi32> to vector<1x16xi32>
    tpu.vector_store %arg6[%swap3A_278, %swap3A_279], %swap3A_282 {strides = array<i32>} : memref<4x128xi32, #tpu.memory_space<vmem>>, vector<1x16xi32>,
    %get3A_283 = arith.constant 80 : index
    %get3A_284 = tpu.vector_load %arg5[%get3A_283] {strides = array<i32>} : memref<128xi32, #tpu.memory_space<vmem>>, vector<16xi32>,
    %get3A_285 = vector.shape_cast %get3A_284 : vector<16xi32> to vector<16xi32>
    %and3A_286 = arith.constant 262143 : i32
    %and3A_287 = vector.broadcast %and3A_286 : i32 to vector<16xi32>
    %and3A_288 = arith.andi %get3A_285, %and3A_287 : vector<16xi32>
    %swap3A_289 = arith.constant 2 : i32
    %swap3A_290 = arith.index_cast %swap3A_289 : i32 to index
    %swap3A_291 = arith.constant 80 : index
    %swap3A_292 = tpu.vector_load %arg6[%swap3A_290, %swap3A_291] {strides = array<i32>} : memref<4x128xi32, #tpu.memory_space<vmem>>, vector<1x16xi32>,
    %swap3A_293 = vector.shape_cast %swap3A_292 : vector<1x16xi32> to vector<16xi32>
    %swap3A_294 = vector.shape_cast %and3A_288 : vector<16xi32> to vector<1x16xi32>
    tpu.vector_store %arg6[%swap3A_290, %swap3A_291], %swap3A_294 {strides = array<i32>} : memref<4x128xi32, #tpu.memory_space<vmem>>, vector<1x16xi32>,
    %get3A_295 = arith.constant 96 : index
    %get3A_296 = tpu.vector_load %arg5[%get3A_295] {strides = array<i32>} : memref<128xi32, #tpu.memory_space<vmem>>, vector<16xi32>,
    %get3A_297 = vector.shape_cast %get3A_296 : vector<16xi32> to vector<16xi32>
    %and3A_298 = arith.constant 262143 : i32
    %and3A_299 = vector.broadcast %and3A_298 : i32 to vector<16xi32>
    %and3A_300 = arith.andi %get3A_297, %and3A_299 : vector<16xi32>
    %swap3A_301 = arith.constant 2 : i32
    %swap3A_302 = arith.index_cast %swap3A_301 : i32 to index
    %swap3A_303 = arith.constant 96 : index
    %swap3A_304 = tpu.vector_load %arg6[%swap3A_302, %swap3A_303] {strides = array<i32>} : memref<4x128xi32, #tpu.memory_space<vmem>>, vector<1x16xi32>,
    %swap3A_305 = vector.shape_cast %swap3A_304 : vector<1x16xi32> to vector<16xi32>
    %swap3A_306 = vector.shape_cast %and3A_300 : vector<16xi32> to vector<1x16xi32>
    tpu.vector_store %arg6[%swap3A_302, %swap3A_303], %swap3A_306 {strides = array<i32>} : memref<4x128xi32, #tpu.memory_space<vmem>>, vector<1x16xi32>,
    %get3A_307 = arith.constant 112 : index
    %get3A_308 = tpu.vector_load %arg5[%get3A_307] {strides = array<i32>} : memref<128xi32, #tpu.memory_space<vmem>>, vector<16xi32>,
    %get3A_309 = vector.shape_cast %get3A_308 : vector<16xi32> to vector<16xi32>
    %and3A_310 = arith.constant 262143 : i32
    %and3A_311 = vector.broadcast %and3A_310 : i32 to vector<16xi32>
    %and3A_312 = arith.andi %get3A_309, %and3A_311 : vector<16xi32>
    %swap3A_313 = arith.constant 2 : i32
    %swap3A_314 = arith.index_cast %swap3A_313 : i32 to index
    %swap3A_315 = arith.constant 112 : index
    %swap3A_316 = tpu.vector_load %arg6[%swap3A_314, %swap3A_315] {strides = array<i32>} : memref<4x128xi32, #tpu.memory_space<vmem>>, vector<1x16xi32>,
    %swap3A_317 = vector.shape_cast %swap3A_316 : vector<1x16xi32> to vector<16xi32>
    %swap3A_318 = vector.shape_cast %and3A_312 : vector<16xi32> to vector<1x16xi32>
    tpu.vector_store %arg6[%swap3A_314, %swap3A_315], %swap3A_318 {strides = array<i32>} : memref<4x128xi32, #tpu.memory_space<vmem>>, vector<1x16xi32>,
    %dma_start3A_319 = arith.constant 2 : i32
    %dma_start3A_320 = arith.constant 256 : i32
    %dma_start3A_321 = arith.constant 0 : i32
    %dma_start3A_322 = tpu.memref_slice %arg7[%dma_start3A_320, %dma_start3A_321] : memref<512x128xf32, #tpu.memory_space<vmem>> -> memref<128x128xf32, #tpu.memory_space<vmem>>
    %dma_start3A_323 = arith.constant 0 : i32
    %dma_start3A_324 = tpu.memref_slice %arg6[%dma_start3A_319, %dma_start3A_323] : memref<4x128xi32, #tpu.memory_space<vmem>> -> memref<1x128xi32, #tpu.memory_space<vmem>>
    %dma_start3A_325 = tpu.memref_squeeze %dma_start3A_324 : memref<1x128xi32, #tpu.memory_space<vmem>> -> memref<128xi32, #tpu.memory_space<vmem>>
    %dma_start3A_326 = arith.constant 0 : i32
    %dma_start3A_327 = arith.constant 0 : i32
    %dma_start3A_328 = tpu.memref_slice %arg3[%dma_start3A_326, %dma_start3A_327] : memref<262144x128xf32, #tpu.memory_space<hbm>> -> memref<262144x128xf32, #tpu.memory_space<hbm>>
    tpu.enqueue_indirect_dma source(%dma_start3A_328 : memref<262144x128xf32, #tpu.memory_space<hbm>>) target(%dma_start3A_322 : memref<128x128xf32, #tpu.memory_space<vmem>>) offsets(%dma_start3A_325 : memref<128xi32, #tpu.memory_space<vmem>>) semaphore(%arg8 : memref<!tpu.dma_semaphore, #tpu.memory_space<semaphore_mem>>)
    %mul3A_329 = arith.constant 4 : i32
    %mul3A_330 = arith.muli %add3A, %mul3A_329 : i32
    %add3A_331 = arith.constant 3 : i32
    %add3A_332 = arith.addi %mul3A_330, %add3A_331 : i32
    "tpu.region"() ({
      %run_scoped3A = tpu.sem_alloc : memref<!tpu.dma_semaphore, #tpu.memory_space<semaphore_mem>>
      %dma_start3A_486 = arith.constant 0 : i32
      %dma_start3A_487 = tpu.memref_slice %arg2[%add3A_332, %dma_start3A_486] : memref<128x128xi32, #tpu.memory_space<hbm>> -> memref<1x128xi32, #tpu.memory_space<hbm>>
      %dma_start3A_488 = tpu.memref_squeeze %dma_start3A_487 : memref<1x128xi32, #tpu.memory_space<hbm>> -> memref<128xi32, #tpu.memory_space<hbm>>
      %dma_start3A_489 = arith.constant 0 : i32
      %dma_start3A_490 = tpu.memref_slice %arg2[%add3A_332, %dma_start3A_489] : memref<128x128xi32, #tpu.memory_space<hbm>> -> memref<1x128xi32, #tpu.memory_space<hbm>>
      %dma_start3A_491 = tpu.memref_squeeze %dma_start3A_490 : memref<1x128xi32, #tpu.memory_space<hbm>> -> memref<128xi32, #tpu.memory_space<hbm>>
      tpu.enqueue_dma source(%dma_start3A_491 : memref<128xi32, #tpu.memory_space<hbm>>) target(%arg5 : memref<128xi32, #tpu.memory_space<vmem>>) target_semaphore(%run_scoped3A : memref<!tpu.dma_semaphore, #tpu.memory_space<semaphore_mem>>)
      %dma_wait3A_492 = arith.constant 0 : i32
      %dma_wait3A_493 = tpu.memref_slice %arg2[%add3A_332, %dma_wait3A_492] : memref<128x128xi32, #tpu.memory_space<hbm>> -> memref<1x128xi32, #tpu.memory_space<hbm>>
      %dma_wait3A_494 = tpu.memref_squeeze %dma_wait3A_493 : memref<1x128xi32, #tpu.memory_space<hbm>> -> memref<128xi32, #tpu.memory_space<hbm>>
      %dma_wait3A_495 = arith.constant 0 : i32
      %dma_wait3A_496 = tpu.memref_slice %arg2[%add3A_332, %dma_wait3A_495] : memref<128x128xi32, #tpu.memory_space<hbm>> -> memref<1x128xi32, #tpu.memory_space<hbm>>
      %dma_wait3A_497 = tpu.memref_squeeze %dma_wait3A_496 : memref<1x128xi32, #tpu.memory_space<hbm>> -> memref<128xi32, #tpu.memory_space<hbm>>
      tpu.wait_dma2 semaphore(%run_scoped3A : memref<!tpu.dma_semaphore, #tpu.memory_space<semaphore_mem>>) src(%dma_wait3A_497 : memref<128xi32, #tpu.memory_space<hbm>>) dst(%arg5 : memref<128xi32, #tpu.memory_space<vmem>>)
      tpu.yield
    }) : () -> ()
    %get3A_333 = arith.constant 0 : index
    %get3A_334 = tpu.vector_load %arg5[%get3A_333] {strides = array<i32>} : memref<128xi32, #tpu.memory_space<vmem>>, vector<16xi32>,
    %get3A_335 = vector.shape_cast %get3A_334 : vector<16xi32> to vector<16xi32>
    %and3A_336 = arith.constant 262143 : i32
    %and3A_337 = vector.broadcast %and3A_336 : i32 to vector<16xi32>
    %and3A_338 = arith.andi %get3A_335, %and3A_337 : vector<16xi32>
    %swap3A_339 = arith.constant 3 : i32
    %swap3A_340 = arith.index_cast %swap3A_339 : i32 to index
    %swap3A_341 = arith.constant 0 : index
    %swap3A_342 = tpu.vector_load %arg6[%swap3A_340, %swap3A_341] {strides = array<i32>} : memref<4x128xi32, #tpu.memory_space<vmem>>, vector<1x16xi32>,
    %swap3A_343 = vector.shape_cast %swap3A_342 : vector<1x16xi32> to vector<16xi32>
    %swap3A_344 = vector.shape_cast %and3A_338 : vector<16xi32> to vector<1x16xi32>
    tpu.vector_store %arg6[%swap3A_340, %swap3A_341], %swap3A_344 {strides = array<i32>} : memref<4x128xi32, #tpu.memory_space<vmem>>, vector<1x16xi32>,
    %get3A_345 = arith.constant 16 : index
    %get3A_346 = tpu.vector_load %arg5[%get3A_345] {strides = array<i32>} : memref<128xi32, #tpu.memory_space<vmem>>, vector<16xi32>,
    %get3A_347 = vector.shape_cast %get3A_346 : vector<16xi32> to vector<16xi32>
    %and3A_348 = arith.constant 262143 : i32
    %and3A_349 = vector.broadcast %and3A_348 : i32 to vector<16xi32>
    %and3A_350 = arith.andi %get3A_347, %and3A_349 : vector<16xi32>
    %swap3A_351 = arith.constant 3 : i32
    %swap3A_352 = arith.index_cast %swap3A_351 : i32 to index
    %swap3A_353 = arith.constant 16 : index
    %swap3A_354 = tpu.vector_load %arg6[%swap3A_352, %swap3A_353] {strides = array<i32>} : memref<4x128xi32, #tpu.memory_space<vmem>>, vector<1x16xi32>,
    %swap3A_355 = vector.shape_cast %swap3A_354 : vector<1x16xi32> to vector<16xi32>
    %swap3A_356 = vector.shape_cast %and3A_350 : vector<16xi32> to vector<1x16xi32>
    tpu.vector_store %arg6[%swap3A_352, %swap3A_353], %swap3A_356 {strides = array<i32>} : memref<4x128xi32, #tpu.memory_space<vmem>>, vector<1x16xi32>,
    %get3A_357 = arith.constant 32 : index
    %get3A_358 = tpu.vector_load %arg5[%get3A_357] {strides = array<i32>} : memref<128xi32, #tpu.memory_space<vmem>>, vector<16xi32>,
    %get3A_359 = vector.shape_cast %get3A_358 : vector<16xi32> to vector<16xi32>
    %and3A_360 = arith.constant 262143 : i32
    %and3A_361 = vector.broadcast %and3A_360 : i32 to vector<16xi32>
    %and3A_362 = arith.andi %get3A_359, %and3A_361 : vector<16xi32>
    %swap3A_363 = arith.constant 3 : i32
    %swap3A_364 = arith.index_cast %swap3A_363 : i32 to index
    %swap3A_365 = arith.constant 32 : index
    %swap3A_366 = tpu.vector_load %arg6[%swap3A_364, %swap3A_365] {strides = array<i32>} : memref<4x128xi32, #tpu.memory_space<vmem>>, vector<1x16xi32>,
    %swap3A_367 = vector.shape_cast %swap3A_366 : vector<1x16xi32> to vector<16xi32>
    %swap3A_368 = vector.shape_cast %and3A_362 : vector<16xi32> to vector<1x16xi32>
    tpu.vector_store %arg6[%swap3A_364, %swap3A_365], %swap3A_368 {strides = array<i32>} : memref<4x128xi32, #tpu.memory_space<vmem>>, vector<1x16xi32>,
    %get3A_369 = arith.constant 48 : index
    %get3A_370 = tpu.vector_load %arg5[%get3A_369] {strides = array<i32>} : memref<128xi32, #tpu.memory_space<vmem>>, vector<16xi32>,
    %get3A_371 = vector.shape_cast %get3A_370 : vector<16xi32> to vector<16xi32>
    %and3A_372 = arith.constant 262143 : i32
    %and3A_373 = vector.broadcast %and3A_372 : i32 to vector<16xi32>
    %and3A_374 = arith.andi %get3A_371, %and3A_373 : vector<16xi32>
    %swap3A_375 = arith.constant 3 : i32
    %swap3A_376 = arith.index_cast %swap3A_375 : i32 to index
    %swap3A_377 = arith.constant 48 : index
    %swap3A_378 = tpu.vector_load %arg6[%swap3A_376, %swap3A_377] {strides = array<i32>} : memref<4x128xi32, #tpu.memory_space<vmem>>, vector<1x16xi32>,
    %swap3A_379 = vector.shape_cast %swap3A_378 : vector<1x16xi32> to vector<16xi32>
    %swap3A_380 = vector.shape_cast %and3A_374 : vector<16xi32> to vector<1x16xi32>
    tpu.vector_store %arg6[%swap3A_376, %swap3A_377], %swap3A_380 {strides = array<i32>} : memref<4x128xi32, #tpu.memory_space<vmem>>, vector<1x16xi32>,
    %get3A_381 = arith.constant 64 : index
    %get3A_382 = tpu.vector_load %arg5[%get3A_381] {strides = array<i32>} : memref<128xi32, #tpu.memory_space<vmem>>, vector<16xi32>,
    %get3A_383 = vector.shape_cast %get3A_382 : vector<16xi32> to vector<16xi32>
    %and3A_384 = arith.constant 262143 : i32
    %and3A_385 = vector.broadcast %and3A_384 : i32 to vector<16xi32>
    %and3A_386 = arith.andi %get3A_383, %and3A_385 : vector<16xi32>
    %swap3A_387 = arith.constant 3 : i32
    %swap3A_388 = arith.index_cast %swap3A_387 : i32 to index
    %swap3A_389 = arith.constant 64 : index
    %swap3A_390 = tpu.vector_load %arg6[%swap3A_388, %swap3A_389] {strides = array<i32>} : memref<4x128xi32, #tpu.memory_space<vmem>>, vector<1x16xi32>,
    %swap3A_391 = vector.shape_cast %swap3A_390 : vector<1x16xi32> to vector<16xi32>
    %swap3A_392 = vector.shape_cast %and3A_386 : vector<16xi32> to vector<1x16xi32>
    tpu.vector_store %arg6[%swap3A_388, %swap3A_389], %swap3A_392 {strides = array<i32>} : memref<4x128xi32, #tpu.memory_space<vmem>>, vector<1x16xi32>,
    %get3A_393 = arith.constant 80 : index
    %get3A_394 = tpu.vector_load %arg5[%get3A_393] {strides = array<i32>} : memref<128xi32, #tpu.memory_space<vmem>>, vector<16xi32>,
    %get3A_395 = vector.shape_cast %get3A_394 : vector<16xi32> to vector<16xi32>
    %and3A_396 = arith.constant 262143 : i32
    %and3A_397 = vector.broadcast %and3A_396 : i32 to vector<16xi32>
    %and3A_398 = arith.andi %get3A_395, %and3A_397 : vector<16xi32>
    %swap3A_399 = arith.constant 3 : i32
    %swap3A_400 = arith.index_cast %swap3A_399 : i32 to index
    %swap3A_401 = arith.constant 80 : index
    %swap3A_402 = tpu.vector_load %arg6[%swap3A_400, %swap3A_401] {strides = array<i32>} : memref<4x128xi32, #tpu.memory_space<vmem>>, vector<1x16xi32>,
    %swap3A_403 = vector.shape_cast %swap3A_402 : vector<1x16xi32> to vector<16xi32>
    %swap3A_404 = vector.shape_cast %and3A_398 : vector<16xi32> to vector<1x16xi32>
    tpu.vector_store %arg6[%swap3A_400, %swap3A_401], %swap3A_404 {strides = array<i32>} : memref<4x128xi32, #tpu.memory_space<vmem>>, vector<1x16xi32>,
    %get3A_405 = arith.constant 96 : index
    %get3A_406 = tpu.vector_load %arg5[%get3A_405] {strides = array<i32>} : memref<128xi32, #tpu.memory_space<vmem>>, vector<16xi32>,
    %get3A_407 = vector.shape_cast %get3A_406 : vector<16xi32> to vector<16xi32>
    %and3A_408 = arith.constant 262143 : i32
    %and3A_409 = vector.broadcast %and3A_408 : i32 to vector<16xi32>
    %and3A_410 = arith.andi %get3A_407, %and3A_409 : vector<16xi32>
    %swap3A_411 = arith.constant 3 : i32
    %swap3A_412 = arith.index_cast %swap3A_411 : i32 to index
    %swap3A_413 = arith.constant 96 : index
    %swap3A_414 = tpu.vector_load %arg6[%swap3A_412, %swap3A_413] {strides = array<i32>} : memref<4x128xi32, #tpu.memory_space<vmem>>, vector<1x16xi32>,
    %swap3A_415 = vector.shape_cast %swap3A_414 : vector<1x16xi32> to vector<16xi32>
    %swap3A_416 = vector.shape_cast %and3A_410 : vector<16xi32> to vector<1x16xi32>
    tpu.vector_store %arg6[%swap3A_412, %swap3A_413], %swap3A_416 {strides = array<i32>} : memref<4x128xi32, #tpu.memory_space<vmem>>, vector<1x16xi32>,
    %get3A_417 = arith.constant 112 : index
    %get3A_418 = tpu.vector_load %arg5[%get3A_417] {strides = array<i32>} : memref<128xi32, #tpu.memory_space<vmem>>, vector<16xi32>,
    %get3A_419 = vector.shape_cast %get3A_418 : vector<16xi32> to vector<16xi32>
    %and3A_420 = arith.constant 262143 : i32
    %and3A_421 = vector.broadcast %and3A_420 : i32 to vector<16xi32>
    %and3A_422 = arith.andi %get3A_419, %and3A_421 : vector<16xi32>
    %swap3A_423 = arith.constant 3 : i32
    %swap3A_424 = arith.index_cast %swap3A_423 : i32 to index
    %swap3A_425 = arith.constant 112 : index
    %swap3A_426 = tpu.vector_load %arg6[%swap3A_424, %swap3A_425] {strides = array<i32>} : memref<4x128xi32, #tpu.memory_space<vmem>>, vector<1x16xi32>,
    %swap3A_427 = vector.shape_cast %swap3A_426 : vector<1x16xi32> to vector<16xi32>
    %swap3A_428 = vector.shape_cast %and3A_422 : vector<16xi32> to vector<1x16xi32>
    tpu.vector_store %arg6[%swap3A_424, %swap3A_425], %swap3A_428 {strides = array<i32>} : memref<4x128xi32, #tpu.memory_space<vmem>>, vector<1x16xi32>,
    %dma_start3A_429 = arith.constant 3 : i32
    %dma_start3A_430 = arith.constant 384 : i32
    %dma_start3A_431 = arith.constant 0 : i32
    %dma_start3A_432 = tpu.memref_slice %arg7[%dma_start3A_430, %dma_start3A_431] : memref<512x128xf32, #tpu.memory_space<vmem>> -> memref<128x128xf32, #tpu.memory_space<vmem>>
    %dma_start3A_433 = arith.constant 0 : i32
    %dma_start3A_434 = tpu.memref_slice %arg6[%dma_start3A_429, %dma_start3A_433] : memref<4x128xi32, #tpu.memory_space<vmem>> -> memref<1x128xi32, #tpu.memory_space<vmem>>
    %dma_start3A_435 = tpu.memref_squeeze %dma_start3A_434 : memref<1x128xi32, #tpu.memory_space<vmem>> -> memref<128xi32, #tpu.memory_space<vmem>>
    %dma_start3A_436 = arith.constant 0 : i32
    %dma_start3A_437 = arith.constant 0 : i32
    %dma_start3A_438 = tpu.memref_slice %arg3[%dma_start3A_436, %dma_start3A_437] : memref<262144x128xf32, #tpu.memory_space<hbm>> -> memref<262144x128xf32, #tpu.memory_space<hbm>>
    tpu.enqueue_indirect_dma source(%dma_start3A_438 : memref<262144x128xf32, #tpu.memory_space<hbm>>) target(%dma_start3A_432 : memref<128x128xf32, #tpu.memory_space<vmem>>) offsets(%dma_start3A_435 : memref<128xi32, #tpu.memory_space<vmem>>) semaphore(%arg8 : memref<!tpu.dma_semaphore, #tpu.memory_space<semaphore_mem>>)
    %dma_wait3A = arith.constant 0 : i32
    %dma_wait3A_439 = arith.constant 0 : i32
    %dma_wait3A_440 = arith.constant 0 : i32
    %dma_wait3A_441 = tpu.memref_slice %arg7[%dma_wait3A_439, %dma_wait3A_440] : memref<512x128xf32, #tpu.memory_space<vmem>> -> memref<128x128xf32, #tpu.memory_space<vmem>>
    %dma_wait3A_442 = arith.constant 0 : i32
    %dma_wait3A_443 = tpu.memref_slice %arg6[%dma_wait3A, %dma_wait3A_442] : memref<4x128xi32, #tpu.memory_space<vmem>> -> memref<1x128xi32, #tpu.memory_space<vmem>>
    %dma_wait3A_444 = tpu.memref_squeeze %dma_wait3A_443 : memref<1x128xi32, #tpu.memory_space<vmem>> -> memref<128xi32, #tpu.memory_space<vmem>>
    %dma_wait3A_445 = arith.constant 0 : i32
    %dma_wait3A_446 = arith.constant 0 : i32
    %dma_wait3A_447 = tpu.memref_slice %arg3[%dma_wait3A_445, %dma_wait3A_446] : memref<262144x128xf32, #tpu.memory_space<hbm>> -> memref<262144x128xf32, #tpu.memory_space<hbm>>
    tpu.wait_indirect_dma semaphore(%arg8 : memref<!tpu.dma_semaphore, #tpu.memory_space<semaphore_mem>>) src(%dma_wait3A_447 : memref<262144x128xf32, #tpu.memory_space<hbm>>) dst(%dma_wait3A_441 : memref<128x128xf32, #tpu.memory_space<vmem>>)
    %dma_wait3A_448 = arith.constant 1 : i32
    %dma_wait3A_449 = arith.constant 128 : i32
    %dma_wait3A_450 = arith.constant 0 : i32
    %dma_wait3A_451 = tpu.memref_slice %arg7[%dma_wait3A_449, %dma_wait3A_450] : memref<512x128xf32, #tpu.memory_space<vmem>> -> memref<128x128xf32, #tpu.memory_space<vmem>>
    %dma_wait3A_452 = arith.constant 0 : i32
    %dma_wait3A_453 = tpu.memref_slice %arg6[%dma_wait3A_448, %dma_wait3A_452] : memref<4x128xi32, #tpu.memory_space<vmem>> -> memref<1x128xi32, #tpu.memory_space<vmem>>
    %dma_wait3A_454 = tpu.memref_squeeze %dma_wait3A_453 : memref<1x128xi32, #tpu.memory_space<vmem>> -> memref<128xi32, #tpu.memory_space<vmem>>
    %dma_wait3A_455 = arith.constant 0 : i32
    %dma_wait3A_456 = arith.constant 0 : i32
    %dma_wait3A_457 = tpu.memref_slice %arg3[%dma_wait3A_455, %dma_wait3A_456] : memref<262144x128xf32, #tpu.memory_space<hbm>> -> memref<262144x128xf32, #tpu.memory_space<hbm>>
    tpu.wait_indirect_dma semaphore(%arg8 : memref<!tpu.dma_semaphore, #tpu.memory_space<semaphore_mem>>) src(%dma_wait3A_457 : memref<262144x128xf32, #tpu.memory_space<hbm>>) dst(%dma_wait3A_451 : memref<128x128xf32, #tpu.memory_space<vmem>>)
    %dma_wait3A_458 = arith.constant 2 : i32
    %dma_wait3A_459 = arith.constant 256 : i32
    %dma_wait3A_460 = arith.constant 0 : i32
    %dma_wait3A_461 = tpu.memref_slice %arg7[%dma_wait3A_459, %dma_wait3A_460] : memref<512x128xf32, #tpu.memory_space<vmem>> -> memref<128x128xf32, #tpu.memory_space<vmem>>
    %dma_wait3A_462 = arith.constant 0 : i32
    %dma_wait3A_463 = tpu.memref_slice %arg6[%dma_wait3A_458, %dma_wait3A_462] : memref<4x128xi32, #tpu.memory_space<vmem>> -> memref<1x128xi32, #tpu.memory_space<vmem>>
    %dma_wait3A_464 = tpu.memref_squeeze %dma_wait3A_463 : memref<1x128xi32, #tpu.memory_space<vmem>> -> memref<128xi32, #tpu.memory_space<vmem>>
    %dma_wait3A_465 = arith.constant 0 : i32
    %dma_wait3A_466 = arith.constant 0 : i32
    %dma_wait3A_467 = tpu.memref_slice %arg3[%dma_wait3A_465, %dma_wait3A_466] : memref<262144x128xf32, #tpu.memory_space<hbm>> -> memref<262144x128xf32, #tpu.memory_space<hbm>>
    tpu.wait_indirect_dma semaphore(%arg8 : memref<!tpu.dma_semaphore, #tpu.memory_space<semaphore_mem>>) src(%dma_wait3A_467 : memref<262144x128xf32, #tpu.memory_space<hbm>>) dst(%dma_wait3A_461 : memref<128x128xf32, #tpu.memory_space<vmem>>)
    %dma_wait3A_468 = arith.constant 3 : i32
    %dma_wait3A_469 = arith.constant 384 : i32
    %dma_wait3A_470 = arith.constant 0 : i32
    %dma_wait3A_471 = tpu.memref_slice %arg7[%dma_wait3A_469, %dma_wait3A_470] : memref<512x128xf32, #tpu.memory_space<vmem>> -> memref<128x128xf32, #tpu.memory_space<vmem>>
    %dma_wait3A_472 = arith.constant 0 : i32
    %dma_wait3A_473 = tpu.memref_slice %arg6[%dma_wait3A_468, %dma_wait3A_472] : memref<4x128xi32, #tpu.memory_space<vmem>> -> memref<1x128xi32, #tpu.memory_space<vmem>>
    %dma_wait3A_474 = tpu.memref_squeeze %dma_wait3A_473 : memref<1x128xi32, #tpu.memory_space<vmem>> -> memref<128xi32, #tpu.memory_space<vmem>>
    %dma_wait3A_475 = arith.constant 0 : i32
    %dma_wait3A_476 = arith.constant 0 : i32
    %dma_wait3A_477 = tpu.memref_slice %arg3[%dma_wait3A_475, %dma_wait3A_476] : memref<262144x128xf32, #tpu.memory_space<hbm>> -> memref<262144x128xf32, #tpu.memory_space<hbm>>
    tpu.wait_indirect_dma semaphore(%arg8 : memref<!tpu.dma_semaphore, #tpu.memory_space<semaphore_mem>>) src(%dma_wait3A_477 : memref<262144x128xf32, #tpu.memory_space<hbm>>) dst(%dma_wait3A_471 : memref<128x128xf32, #tpu.memory_space<vmem>>)
    %dma_start3A_478 = arith.constant 0 : i32
    %dma_start3A_479 = tpu.memref_slice %arg4[%mul3A_2, %dma_start3A_478] : memref<16384x128xf32, #tpu.memory_space<hbm>> -> memref<512x128xf32, #tpu.memory_space<hbm>>
    %dma_start3A_480 = arith.constant 0 : i32
    %dma_start3A_481 = tpu.memref_slice %arg4[%mul3A_2, %dma_start3A_480] : memref<16384x128xf32, #tpu.memory_space<hbm>> -> memref<512x128xf32, #tpu.memory_space<hbm>>
    tpu.enqueue_dma source(%arg7 : memref<512x128xf32, #tpu.memory_space<vmem>>) target(%dma_start3A_481 : memref<512x128xf32, #tpu.memory_space<hbm>>) target_semaphore(%arg9 : memref<!tpu.dma_semaphore, #tpu.memory_space<semaphore_mem>>)
    %dma_wait3A_482 = arith.constant 0 : i32
    %dma_wait3A_483 = tpu.memref_slice %arg4[%mul3A_2, %dma_wait3A_482] : memref<16384x128xf32, #tpu.memory_space<hbm>> -> memref<512x128xf32, #tpu.memory_space<hbm>>
    %dma_wait3A_484 = arith.constant 0 : i32
    %dma_wait3A_485 = tpu.memref_slice %arg4[%mul3A_2, %dma_wait3A_484] : memref<16384x128xf32, #tpu.memory_space<hbm>> -> memref<512x128xf32, #tpu.memory_space<hbm>>
    tpu.wait_dma2 semaphore(%arg9 : memref<!tpu.dma_semaphore, #tpu.memory_space<semaphore_mem>>) src(%arg7 : memref<512x128xf32, #tpu.memory_space<vmem>>) dst(%dma_wait3A_485 : memref<512x128xf32, #tpu.memory_space<hbm>>)
    return
  }
}

module attributes {stable_mosaic.version = 14 : i64} {
  func.func @_repack_body(%arg0: i32, %arg1: memref<64x256xf32, #tpu.memory_space<vmem>>, %arg2: memref<64x256xf32, #tpu.memory_space<vmem>>, %arg3: memref<64x256xf32, #tpu.memory_space<vmem>>, %arg4: memref<64x256xf32, #tpu.memory_space<vmem>>, %arg5: memref<64x64xf32, #tpu.memory_space<vmem>>, %arg6: memref<256x128xf32, #tpu.memory_space<vmem>>) attributes {dimension_semantics = [#tpu.dimension_semantics<arbitrary>], iteration_bounds = array<i64: 1>, scalar_prefetch = 0 : i64, scratch_operands = 0 : i64, tpu.core_type = #tpu.core_type<tc>, window_params = [{transform_indices = @transform_0, window_bounds = array<i64: 64, 256>}, {transform_indices = @transform_1, window_bounds = array<i64: 64, 256>}, {transform_indices = @transform_2, window_bounds = array<i64: 64, 256>}, {transform_indices = @transform_3, window_bounds = array<i64: 64, 256>}, {pipeline_mode = #tpu.pipeline_mode<synchronous>, transform_indices = @transform_4, window_bounds = array<i64: 64, 64>}, {transform_indices = @transform_5, window_bounds = array<i64: 256, 128>}]} {
    %get3A = arith.constant 0 : index
    %get3A_0 = arith.constant 0 : index
    %get3A_1 = vector.load %arg5[%get3A, %get3A_0] : memref<64x64xf32, #tpu.memory_space<vmem>>, vector<64x64xf32>
    %get3A_2 = arith.constant 0 : index
    %get3A_3 = arith.constant 0 : index
    %get3A_4 = vector.load %arg1[%get3A_2, %get3A_3] : memref<64x256xf32, #tpu.memory_space<vmem>>, vector<64x256xf32>
    %dot_general3A = arith.constant dense<0.000000e+00> : vector<256x64xf32>
    %dot_general3A_5 = tpu.matmul %get3A_4, %get3A_1, %dot_general3A {dimension_numbers = #tpu.dot_dimension_numbers<[0], [0], [1], [1], [0, 1, 1, 1], [], []>, transpose_lhs_hint = false} : vector<64x256xf32>, vector<64x64xf32>, vector<256x64xf32> -> vector<256x64xf32>
    %get3A_6 = arith.constant 0 : index
    %get3A_7 = arith.constant 0 : index
    %get3A_8 = vector.load %arg3[%get3A_6, %get3A_7] : memref<64x256xf32, #tpu.memory_space<vmem>>, vector<64x256xf32>
    %dot_general3A_9 = arith.constant dense<0.000000e+00> : vector<256x64xf32>
    %dot_general3A_10 = tpu.matmul %get3A_8, %get3A_1, %dot_general3A_9 {dimension_numbers = #tpu.dot_dimension_numbers<[0], [0], [1], [1], [0, 1, 1, 1], [], []>, transpose_lhs_hint = false} : vector<64x256xf32>, vector<64x64xf32>, vector<256x64xf32> -> vector<256x64xf32>
    %convert_element_type3A = arith.truncf %dot_general3A_5 : vector<256x64xf32> to vector<256x64xbf16>
    %bitcast_convert_type3A = tpu.bitcast %convert_element_type3A : vector<256x64xbf16> -> vector<256x64xi16>
    %convert_element_type3A_11 = arith.extui %bitcast_convert_type3A : vector<256x64xi16> to vector<256x64xi32>
    %convert_element_type3A_12 = arith.truncf %dot_general3A_10 : vector<256x64xf32> to vector<256x64xbf16>
    %bitcast_convert_type3A_13 = tpu.bitcast %convert_element_type3A_12 : vector<256x64xbf16> -> vector<256x64xi16>
    %convert_element_type3A_14 = arith.extui %bitcast_convert_type3A_13 : vector<256x64xi16> to vector<256x64xi32>
    %shift_left3A = arith.constant 16 : i32
    %shift_left3A_15 = vector.broadcast %shift_left3A : i32 to vector<256x64xi32>
    %shift_left3A_16 = arith.shli %convert_element_type3A_14, %shift_left3A_15 : vector<256x64xi32>
    %or3A = arith.ori %convert_element_type3A_11, %shift_left3A_16 : vector<256x64xi32>
    %bitcast_convert_type3A_17 = tpu.bitcast %or3A : vector<256x64xi32> -> vector<256x64xf32>
    %swap3A = arith.constant 0 : index
    %swap3A_18 = arith.constant 0 : index
    %swap3A_19 = vector.load %arg6[%swap3A, %swap3A_18] : memref<256x128xf32, #tpu.memory_space<vmem>>, vector<256x64xf32>
    tpu.vector_store %arg6[%swap3A, %swap3A_18], %bitcast_convert_type3A_17 {strides = array<i32>} : memref<256x128xf32, #tpu.memory_space<vmem>>, vector<256x64xf32>,
    %get3A_20 = arith.constant 0 : index
    %get3A_21 = arith.constant 0 : index
    %get3A_22 = vector.load %arg2[%get3A_20, %get3A_21] : memref<64x256xf32, #tpu.memory_space<vmem>>, vector<64x256xf32>
    %dot_general3A_23 = arith.constant dense<0.000000e+00> : vector<256x64xf32>
    %dot_general3A_24 = tpu.matmul %get3A_22, %get3A_1, %dot_general3A_23 {dimension_numbers = #tpu.dot_dimension_numbers<[0], [0], [1], [1], [0, 1, 1, 1], [], []>, transpose_lhs_hint = false} : vector<64x256xf32>, vector<64x64xf32>, vector<256x64xf32> -> vector<256x64xf32>
    %get3A_25 = arith.constant 0 : index
    %get3A_26 = arith.constant 0 : index
    %get3A_27 = vector.load %arg4[%get3A_25, %get3A_26] : memref<64x256xf32, #tpu.memory_space<vmem>>, vector<64x256xf32>
    %dot_general3A_28 = arith.constant dense<0.000000e+00> : vector<256x64xf32>
    %dot_general3A_29 = tpu.matmul %get3A_27, %get3A_1, %dot_general3A_28 {dimension_numbers = #tpu.dot_dimension_numbers<[0], [0], [1], [1], [0, 1, 1, 1], [], []>, transpose_lhs_hint = false} : vector<64x256xf32>, vector<64x64xf32>, vector<256x64xf32> -> vector<256x64xf32>
    %convert_element_type3A_30 = arith.truncf %dot_general3A_24 : vector<256x64xf32> to vector<256x64xbf16>
    %bitcast_convert_type3A_31 = tpu.bitcast %convert_element_type3A_30 : vector<256x64xbf16> -> vector<256x64xi16>
    %convert_element_type3A_32 = arith.extui %bitcast_convert_type3A_31 : vector<256x64xi16> to vector<256x64xi32>
    %convert_element_type3A_33 = arith.truncf %dot_general3A_29 : vector<256x64xf32> to vector<256x64xbf16>
    %bitcast_convert_type3A_34 = tpu.bitcast %convert_element_type3A_33 : vector<256x64xbf16> -> vector<256x64xi16>
    %convert_element_type3A_35 = arith.extui %bitcast_convert_type3A_34 : vector<256x64xi16> to vector<256x64xi32>
    %shift_left3A_36 = arith.constant 16 : i32
    %shift_left3A_37 = vector.broadcast %shift_left3A_36 : i32 to vector<256x64xi32>
    %shift_left3A_38 = arith.shli %convert_element_type3A_35, %shift_left3A_37 : vector<256x64xi32>
    %or3A_39 = arith.ori %convert_element_type3A_32, %shift_left3A_38 : vector<256x64xi32>
    %bitcast_convert_type3A_40 = tpu.bitcast %or3A_39 : vector<256x64xi32> -> vector<256x64xf32>
    %swap3A_41 = arith.constant 0 : index
    %swap3A_42 = arith.constant 64 : index
    %swap3A_43 = vector.load %arg6[%swap3A_41, %swap3A_42] : memref<256x128xf32, #tpu.memory_space<vmem>>, vector<256x64xf32>
    tpu.vector_store %arg6[%swap3A_41, %swap3A_42], %bitcast_convert_type3A_40 {strides = array<i32>} : memref<256x128xf32, #tpu.memory_space<vmem>>, vector<256x64xf32>,
    return
  }
  func.func @transform_0(%arg0: i32) -> (i32, i32) {
    %add3A = arith.constant 0 : i32
    %add3A_0 = arith.addi %arg0, %add3A : i32
    %min3A = arith.constant 3 : i32
    %min3A_1 = arith.minsi %add3A_0, %min3A : i32
    %c0_i32 = arith.constant 0 : i32
    %c0_i32_2 = arith.constant 0 : i32
    return %c0_i32, %min3A_1 : i32, i32
  }
  func.func @transform_1(%arg0: i32) -> (i32, i32) {
    %add3A = arith.constant 1 : i32
    %add3A_0 = arith.addi %arg0, %add3A : i32
    %min3A = arith.constant 3 : i32
    %min3A_1 = arith.minsi %add3A_0, %min3A : i32
    %c0_i32 = arith.constant 0 : i32
    %c0_i32_2 = arith.constant 0 : i32
    return %c0_i32, %min3A_1 : i32, i32
  }
  func.func @transform_2(%arg0: i32) -> (i32, i32) {
    %add3A = arith.constant 2 : i32
    %add3A_0 = arith.addi %arg0, %add3A : i32
    %min3A = arith.constant 3 : i32
    %min3A_1 = arith.minsi %add3A_0, %min3A : i32
    %c0_i32 = arith.constant 0 : i32
    %c0_i32_2 = arith.constant 0 : i32
    return %c0_i32, %min3A_1 : i32, i32
  }
  func.func @transform_3(%arg0: i32) -> (i32, i32) {
    %add3A = arith.constant 3 : i32
    %add3A_0 = arith.addi %arg0, %add3A : i32
    %min3A = arith.constant 3 : i32
    %min3A_1 = arith.minsi %add3A_0, %min3A : i32
    %c0_i32 = arith.constant 0 : i32
    %c0_i32_2 = arith.constant 0 : i32
    return %c0_i32, %min3A_1 : i32, i32
  }
  func.func @transform_4(%arg0: i32) -> (i32, i32) {
    %c0_i32 = arith.constant 0 : i32
    %c0_i32_0 = arith.constant 0 : i32
    %c0_i32_1 = arith.constant 0 : i32
    return %c0_i32, %c0_i32_0 : i32, i32
  }
  func.func @transform_5(%arg0: i32) -> (i32, i32) {
    %c0_i32 = arith.constant 0 : i32
    %c0_i32_0 = arith.constant 0 : i32
    return %arg0, %c0_i32 : i32, i32
  }
}

module attributes {stable_mosaic.version = 14 : i64} {
  func.func @_repack_body(%arg0: i32, %arg1: memref<64x8192xf32, #tpu.memory_space<vmem>>, %arg2: memref<64x8192xf32, #tpu.memory_space<vmem>>, %arg3: memref<64x8192xf32, #tpu.memory_space<vmem>>, %arg4: memref<64x8192xf32, #tpu.memory_space<vmem>>, %arg5: memref<64x64xf32, #tpu.memory_space<vmem>>, %arg6: memref<8192x128xf32, #tpu.memory_space<vmem>>) attributes {dimension_semantics = [#tpu.dimension_semantics<arbitrary>], iteration_bounds = array<i64: 32>, scalar_prefetch = 0 : i64, scratch_operands = 0 : i64, tpu.core_type = #tpu.core_type<tc>, window_params = [{transform_indices = @transform_0, window_bounds = array<i64: 64, 8192>}, {transform_indices = @transform_1, window_bounds = array<i64: 64, 8192>}, {transform_indices = @transform_2, window_bounds = array<i64: 64, 8192>}, {transform_indices = @transform_3, window_bounds = array<i64: 64, 8192>}, {pipeline_mode = #tpu.pipeline_mode<synchronous>, transform_indices = @transform_4, window_bounds = array<i64: 64, 64>}, {transform_indices = @transform_5, window_bounds = array<i64: 8192, 128>}]} {
    %get3A = arith.constant 0 : index
    %get3A_0 = arith.constant 0 : index
    %get3A_1 = vector.load %arg5[%get3A, %get3A_0] : memref<64x64xf32, #tpu.memory_space<vmem>>, vector<64x64xf32>
    %get3A_2 = arith.constant 0 : index
    %get3A_3 = arith.constant 0 : index
    %get3A_4 = vector.load %arg1[%get3A_2, %get3A_3] : memref<64x8192xf32, #tpu.memory_space<vmem>>, vector<64x8192xf32>
    %dot_general3A = arith.constant dense<0.000000e+00> : vector<8192x64xf32>
    %dot_general3A_5 = tpu.matmul %get3A_4, %get3A_1, %dot_general3A {dimension_numbers = #tpu.dot_dimension_numbers<[0], [0], [1], [1], [0, 1, 1, 1], [], []>, transpose_lhs_hint = false} : vector<64x8192xf32>, vector<64x64xf32>, vector<8192x64xf32> -> vector<8192x64xf32>
    %get3A_6 = arith.constant 0 : index
    %get3A_7 = arith.constant 0 : index
    %get3A_8 = vector.load %arg3[%get3A_6, %get3A_7] : memref<64x8192xf32, #tpu.memory_space<vmem>>, vector<64x8192xf32>
    %dot_general3A_9 = arith.constant dense<0.000000e+00> : vector<8192x64xf32>
    %dot_general3A_10 = tpu.matmul %get3A_8, %get3A_1, %dot_general3A_9 {dimension_numbers = #tpu.dot_dimension_numbers<[0], [0], [1], [1], [0, 1, 1, 1], [], []>, transpose_lhs_hint = false} : vector<64x8192xf32>, vector<64x64xf32>, vector<8192x64xf32> -> vector<8192x64xf32>
    %convert_element_type3A = arith.truncf %dot_general3A_5 : vector<8192x64xf32> to vector<8192x64xbf16>
    %bitcast_convert_type3A = tpu.bitcast %convert_element_type3A : vector<8192x64xbf16> -> vector<8192x64xi16>
    %convert_element_type3A_11 = arith.extui %bitcast_convert_type3A : vector<8192x64xi16> to vector<8192x64xi32>
    %convert_element_type3A_12 = arith.truncf %dot_general3A_10 : vector<8192x64xf32> to vector<8192x64xbf16>
    %bitcast_convert_type3A_13 = tpu.bitcast %convert_element_type3A_12 : vector<8192x64xbf16> -> vector<8192x64xi16>
    %convert_element_type3A_14 = arith.extui %bitcast_convert_type3A_13 : vector<8192x64xi16> to vector<8192x64xi32>
    %shift_left3A = arith.constant 16 : i32
    %shift_left3A_15 = vector.broadcast %shift_left3A : i32 to vector<8192x64xi32>
    %shift_left3A_16 = arith.shli %convert_element_type3A_14, %shift_left3A_15 : vector<8192x64xi32>
    %or3A = arith.ori %convert_element_type3A_11, %shift_left3A_16 : vector<8192x64xi32>
    %bitcast_convert_type3A_17 = tpu.bitcast %or3A : vector<8192x64xi32> -> vector<8192x64xf32>
    %swap3A = arith.constant 0 : index
    %swap3A_18 = arith.constant 0 : index
    %swap3A_19 = vector.load %arg6[%swap3A, %swap3A_18] : memref<8192x128xf32, #tpu.memory_space<vmem>>, vector<8192x64xf32>
    tpu.vector_store %arg6[%swap3A, %swap3A_18], %bitcast_convert_type3A_17 {strides = array<i32>} : memref<8192x128xf32, #tpu.memory_space<vmem>>, vector<8192x64xf32>,
    %get3A_20 = arith.constant 0 : index
    %get3A_21 = arith.constant 0 : index
    %get3A_22 = vector.load %arg2[%get3A_20, %get3A_21] : memref<64x8192xf32, #tpu.memory_space<vmem>>, vector<64x8192xf32>
    %dot_general3A_23 = arith.constant dense<0.000000e+00> : vector<8192x64xf32>
    %dot_general3A_24 = tpu.matmul %get3A_22, %get3A_1, %dot_general3A_23 {dimension_numbers = #tpu.dot_dimension_numbers<[0], [0], [1], [1], [0, 1, 1, 1], [], []>, transpose_lhs_hint = false} : vector<64x8192xf32>, vector<64x64xf32>, vector<8192x64xf32> -> vector<8192x64xf32>
    %get3A_25 = arith.constant 0 : index
    %get3A_26 = arith.constant 0 : index
    %get3A_27 = vector.load %arg4[%get3A_25, %get3A_26] : memref<64x8192xf32, #tpu.memory_space<vmem>>, vector<64x8192xf32>
    %dot_general3A_28 = arith.constant dense<0.000000e+00> : vector<8192x64xf32>
    %dot_general3A_29 = tpu.matmul %get3A_27, %get3A_1, %dot_general3A_28 {dimension_numbers = #tpu.dot_dimension_numbers<[0], [0], [1], [1], [0, 1, 1, 1], [], []>, transpose_lhs_hint = false} : vector<64x8192xf32>, vector<64x64xf32>, vector<8192x64xf32> -> vector<8192x64xf32>
    %convert_element_type3A_30 = arith.truncf %dot_general3A_24 : vector<8192x64xf32> to vector<8192x64xbf16>
    %bitcast_convert_type3A_31 = tpu.bitcast %convert_element_type3A_30 : vector<8192x64xbf16> -> vector<8192x64xi16>
    %convert_element_type3A_32 = arith.extui %bitcast_convert_type3A_31 : vector<8192x64xi16> to vector<8192x64xi32>
    %convert_element_type3A_33 = arith.truncf %dot_general3A_29 : vector<8192x64xf32> to vector<8192x64xbf16>
    %bitcast_convert_type3A_34 = tpu.bitcast %convert_element_type3A_33 : vector<8192x64xbf16> -> vector<8192x64xi16>
    %convert_element_type3A_35 = arith.extui %bitcast_convert_type3A_34 : vector<8192x64xi16> to vector<8192x64xi32>
    %shift_left3A_36 = arith.constant 16 : i32
    %shift_left3A_37 = vector.broadcast %shift_left3A_36 : i32 to vector<8192x64xi32>
    %shift_left3A_38 = arith.shli %convert_element_type3A_35, %shift_left3A_37 : vector<8192x64xi32>
    %or3A_39 = arith.ori %convert_element_type3A_32, %shift_left3A_38 : vector<8192x64xi32>
    %bitcast_convert_type3A_40 = tpu.bitcast %or3A_39 : vector<8192x64xi32> -> vector<8192x64xf32>
    %swap3A_41 = arith.constant 0 : index
    %swap3A_42 = arith.constant 64 : index
    %swap3A_43 = vector.load %arg6[%swap3A_41, %swap3A_42] : memref<8192x128xf32, #tpu.memory_space<vmem>>, vector<8192x64xf32>
    tpu.vector_store %arg6[%swap3A_41, %swap3A_42], %bitcast_convert_type3A_40 {strides = array<i32>} : memref<8192x128xf32, #tpu.memory_space<vmem>>, vector<8192x64xf32>,
    return
  }
  func.func @transform_0(%arg0: i32) -> (i32, i32) {
    %add3A = arith.constant 0 : i32
    %add3A_0 = arith.addi %arg0, %add3A : i32
    %min3A = arith.constant 122 : i32
    %min3A_1 = arith.minsi %add3A_0, %min3A : i32
    %c0_i32 = arith.constant 0 : i32
    %c0_i32_2 = arith.constant 0 : i32
    return %c0_i32, %min3A_1 : i32, i32
  }
  func.func @transform_1(%arg0: i32) -> (i32, i32) {
    %add3A = arith.constant 32 : i32
    %add3A_0 = arith.addi %arg0, %add3A : i32
    %min3A = arith.constant 122 : i32
    %min3A_1 = arith.minsi %add3A_0, %min3A : i32
    %c0_i32 = arith.constant 0 : i32
    %c0_i32_2 = arith.constant 0 : i32
    return %c0_i32, %min3A_1 : i32, i32
  }
  func.func @transform_2(%arg0: i32) -> (i32, i32) {
    %add3A = arith.constant 64 : i32
    %add3A_0 = arith.addi %arg0, %add3A : i32
    %min3A = arith.constant 122 : i32
    %min3A_1 = arith.minsi %add3A_0, %min3A : i32
    %c0_i32 = arith.constant 0 : i32
    %c0_i32_2 = arith.constant 0 : i32
    return %c0_i32, %min3A_1 : i32, i32
  }
  func.func @transform_3(%arg0: i32) -> (i32, i32) {
    %add3A = arith.constant 96 : i32
    %add3A_0 = arith.addi %arg0, %add3A : i32
    %min3A = arith.constant 122 : i32
    %min3A_1 = arith.minsi %add3A_0, %min3A : i32
    %c0_i32 = arith.constant 0 : i32
    %c0_i32_2 = arith.constant 0 : i32
    return %c0_i32, %min3A_1 : i32, i32
  }
  func.func @transform_4(%arg0: i32) -> (i32, i32) {
    %c0_i32 = arith.constant 0 : i32
    %c0_i32_0 = arith.constant 0 : i32
    %c0_i32_1 = arith.constant 0 : i32
    return %c0_i32, %c0_i32_0 : i32, i32
  }
  func.func @transform_5(%arg0: i32) -> (i32, i32) {
    %c0_i32 = arith.constant 0 : i32
    %c0_i32_0 = arith.constant 0 : i32
    return %arg0, %c0_i32 : i32, i32
  }
}

module attributes {stable_mosaic.version = 14 : i64} {
  func.func @_mlp_body(%arg0: i32, %arg1: memref<2048x128xf32, #tpu.memory_space<vmem>>, %arg2: memref<2048x128xf32, #tpu.memory_space<vmem>>, %arg3: memref<2048x128xf32, #tpu.memory_space<vmem>>, %arg4: memref<2048x1xf32, #tpu.memory_space<vmem>>, %arg5: memref<2048x1xf32, #tpu.memory_space<vmem>>, %arg6: memref<2048x1xf32, #tpu.memory_space<vmem>>, %arg7: memref<128x64xf32, #tpu.memory_space<vmem>>, %arg8: memref<128x64xf32, #tpu.memory_space<vmem>>, %arg9: memref<128x64xf32, #tpu.memory_space<vmem>>, %arg10: memref<64xf32, #tpu.memory_space<vmem>>, %arg11: memref<64x32xf32, #tpu.memory_space<vmem>>, %arg12: memref<32xf32, #tpu.memory_space<vmem>>, %arg13: memref<32x1xf32, #tpu.memory_space<vmem>>, %arg14: memref<1xf32, #tpu.memory_space<vmem>>, %arg15: memref<2048x1xf32, #tpu.memory_space<vmem>>) attributes {dimension_semantics = [#tpu.dimension_semantics<arbitrary>], iteration_bounds = array<i64: 8>, scalar_prefetch = 0 : i64, scratch_operands = 0 : i64, tpu.core_type = #tpu.core_type<tc>, window_params = [{transform_indices = @transform_0, window_bounds = array<i64: 2048, 128>}, {transform_indices = @transform_1, window_bounds = array<i64: 2048, 128>}, {transform_indices = @transform_2, window_bounds = array<i64: 2048, 128>}, {transform_indices = @transform_3, window_bounds = array<i64: 2048, 1>}, {transform_indices = @transform_4, window_bounds = array<i64: 2048, 1>}, {transform_indices = @transform_5, window_bounds = array<i64: 2048, 1>}, {pipeline_mode = #tpu.pipeline_mode<synchronous>, transform_indices = @transform_6, window_bounds = array<i64: 128, 64>}, {pipeline_mode = #tpu.pipeline_mode<synchronous>, transform_indices = @transform_7, window_bounds = array<i64: 128, 64>}, {pipeline_mode = #tpu.pipeline_mode<synchronous>, transform_indices = @transform_8, window_bounds = array<i64: 128, 64>}, {pipeline_mode = #tpu.pipeline_mode<synchronous>, transform_indices = @transform_9, window_bounds = array<i64: 64>}, {pipeline_mode = #tpu.pipeline_mode<synchronous>, transform_indices = @transform_10, window_bounds = array<i64: 64, 32>}, {pipeline_mode = #tpu.pipeline_mode<synchronous>, transform_indices = @transform_11, window_bounds = array<i64: 32>}, {pipeline_mode = #tpu.pipeline_mode<synchronous>, transform_indices = @transform_12, window_bounds = array<i64: 32, 1>}, {pipeline_mode = #tpu.pipeline_mode<synchronous>, transform_indices = @transform_13, window_bounds = array<i64: 1>}, {transform_indices = @transform_14, window_bounds = array<i64: 2048, 1>}]} {
    %iota3A = tpu.iota {dimensions = array<i32: 1>} : vector<1x128xi32>
    %lt3A = arith.constant 64 : i32
    %lt3A_0 = vector.broadcast %lt3A : i32 to vector<1x128xi32>
    %lt3A_1 = arith.cmpi slt, %iota3A, %lt3A_0 : vector<1x128xi32>
    %get3A = arith.constant 0 : index
    %get3A_2 = arith.constant 0 : index
    %get3A_3 = vector.load %arg4[%get3A, %get3A_2] : memref<2048x1xf32, #tpu.memory_space<vmem>>, vector<2048x1xf32>
    %get3A_4 = arith.constant 0 : index
    %get3A_5 = arith.constant 0 : index
    %get3A_6 = vector.load %arg1[%get3A_4, %get3A_5] : memref<2048x128xf32, #tpu.memory_space<vmem>>, vector<2048x128xf32>
    %bitcast_convert_type3A = tpu.bitcast %get3A_6 : vector<2048x128xf32> -> vector<2048x128xi32>
    %shift_left3A = arith.constant 16 : i32
    %shift_left3A_7 = vector.broadcast %shift_left3A : i32 to vector<2048x128xi32>
    %shift_left3A_8 = arith.shli %bitcast_convert_type3A, %shift_left3A_7 : vector<2048x128xi32>
    %bitcast_convert_type3A_9 = tpu.bitcast %shift_left3A_8 : vector<2048x128xi32> -> vector<2048x128xf32>
    %and3A = arith.constant -65536 : i32
    %and3A_10 = vector.broadcast %and3A : i32 to vector<2048x128xi32>
    %and3A_11 = arith.andi %bitcast_convert_type3A, %and3A_10 : vector<2048x128xi32>
    %bitcast_convert_type3A_12 = tpu.bitcast %and3A_11 : vector<2048x128xi32> -> vector<2048x128xf32>
    %ge3A = arith.constant 1.500000e+00 : f32
    %ge3A_13 = vector.broadcast %ge3A : f32 to vector<2048x1xf32>
    %ge3A_14 = arith.cmpf oge, %get3A_3, %ge3A_13 : vector<2048x1xf32>
    %broadcast_in_dim3A = vector.shape_cast %ge3A_14 : vector<2048x1xi1> to vector<2048x1xi1>
    %broadcast_in_dim3A_15 = vector.broadcast %broadcast_in_dim3A : vector<2048x1xi1> to vector<2048x128xi1>
    %select_n3A = arith.select %broadcast_in_dim3A_15, %bitcast_convert_type3A_12, %bitcast_convert_type3A_9 : vector<2048x128xi1>, vector<2048x128xf32>
    %ge3A_16 = arith.constant 1.500000e+00 : f32
    %ge3A_17 = vector.broadcast %ge3A_16 : f32 to vector<2048x1xf32>
    %ge3A_18 = arith.cmpf oge, %get3A_3, %ge3A_17 : vector<2048x1xf32>
    %sub3A = arith.constant 2.000000e+00 : f32
    %sub3A_19 = vector.broadcast %sub3A : f32 to vector<2048x1xf32>
    %sub3A_20 = arith.subf %get3A_3, %sub3A_19 : vector<2048x1xf32>
    %select_n3A_21 = arith.select %ge3A_18, %sub3A_20, %get3A_3 : vector<2048x1xi1>, vector<2048x1xf32>
    %ge3A_22 = arith.constant 5.000000e-01 : f32
    %ge3A_23 = vector.broadcast %ge3A_22 : f32 to vector<2048x1xf32>
    %ge3A_24 = arith.cmpf oge, %select_n3A_21, %ge3A_23 : vector<2048x1xf32>
    %xor3A = vector.broadcast %lt3A_1 : vector<1x128xi1> to vector<2048x128xi1>
    %xor3A_25 = vector.broadcast %ge3A_24 : vector<2048x1xi1> to vector<2048x128xi1>
    %xor3A_26 = arith.xori %xor3A, %xor3A_25 : vector<2048x128xi1>
    %jit3A = arith.constant 0.000000e+00 : f32
    %broadcast_in_dim3A_27 = vector.broadcast %jit3A : f32 to vector<2048x128xf32>
    %select_n3A_28 = arith.select %xor3A_26, %select_n3A, %broadcast_in_dim3A_27 : vector<2048x128xi1>, vector<2048x128xf32>
    %get3A_29 = arith.constant 0 : index
    %get3A_30 = arith.constant 0 : index
    %get3A_31 = vector.load %arg7[%get3A_29, %get3A_30] : memref<128x64xf32, #tpu.memory_space<vmem>>, vector<128x64xf32>
    %dot_general3A = arith.constant dense<0.000000e+00> : vector<2048x64xf32>
    %dot_general3A_32 = tpu.matmul %select_n3A_28, %get3A_31, %dot_general3A {dimension_numbers = #tpu.dot_dimension_numbers<[1], [0], [0], [1], [0, 0, 1, 1], [], []>, transpose_lhs_hint = false} : vector<2048x128xf32>, vector<128x64xf32>, vector<2048x64xf32> -> vector<2048x64xf32>
    %get3A_33 = arith.constant 0 : index
    %get3A_34 = arith.constant 0 : index
    %get3A_35 = vector.load %arg5[%get3A_33, %get3A_34] : memref<2048x1xf32, #tpu.memory_space<vmem>>, vector<2048x1xf32>
    %get3A_36 = arith.constant 0 : index
    %get3A_37 = arith.constant 0 : index
    %get3A_38 = vector.load %arg2[%get3A_36, %get3A_37] : memref<2048x128xf32, #tpu.memory_space<vmem>>, vector<2048x128xf32>
    %bitcast_convert_type3A_39 = tpu.bitcast %get3A_38 : vector<2048x128xf32> -> vector<2048x128xi32>
    %shift_left3A_40 = arith.constant 16 : i32
    %shift_left3A_41 = vector.broadcast %shift_left3A_40 : i32 to vector<2048x128xi32>
    %shift_left3A_42 = arith.shli %bitcast_convert_type3A_39, %shift_left3A_41 : vector<2048x128xi32>
    %bitcast_convert_type3A_43 = tpu.bitcast %shift_left3A_42 : vector<2048x128xi32> -> vector<2048x128xf32>
    %and3A_44 = arith.constant -65536 : i32
    %and3A_45 = vector.broadcast %and3A_44 : i32 to vector<2048x128xi32>
    %and3A_46 = arith.andi %bitcast_convert_type3A_39, %and3A_45 : vector<2048x128xi32>
    %bitcast_convert_type3A_47 = tpu.bitcast %and3A_46 : vector<2048x128xi32> -> vector<2048x128xf32>
    %ge3A_48 = arith.constant 1.500000e+00 : f32
    %ge3A_49 = vector.broadcast %ge3A_48 : f32 to vector<2048x1xf32>
    %ge3A_50 = arith.cmpf oge, %get3A_35, %ge3A_49 : vector<2048x1xf32>
    %broadcast_in_dim3A_51 = vector.shape_cast %ge3A_50 : vector<2048x1xi1> to vector<2048x1xi1>
    %broadcast_in_dim3A_52 = vector.broadcast %broadcast_in_dim3A_51 : vector<2048x1xi1> to vector<2048x128xi1>
    %select_n3A_53 = arith.select %broadcast_in_dim3A_52, %bitcast_convert_type3A_47, %bitcast_convert_type3A_43 : vector<2048x128xi1>, vector<2048x128xf32>
    %ge3A_54 = arith.constant 1.500000e+00 : f32
    %ge3A_55 = vector.broadcast %ge3A_54 : f32 to vector<2048x1xf32>
    %ge3A_56 = arith.cmpf oge, %get3A_35, %ge3A_55 : vector<2048x1xf32>
    %sub3A_57 = arith.constant 2.000000e+00 : f32
    %sub3A_58 = vector.broadcast %sub3A_57 : f32 to vector<2048x1xf32>
    %sub3A_59 = arith.subf %get3A_35, %sub3A_58 : vector<2048x1xf32>
    %select_n3A_60 = arith.select %ge3A_56, %sub3A_59, %get3A_35 : vector<2048x1xi1>, vector<2048x1xf32>
    %ge3A_61 = arith.constant 5.000000e-01 : f32
    %ge3A_62 = vector.broadcast %ge3A_61 : f32 to vector<2048x1xf32>
    %ge3A_63 = arith.cmpf oge, %select_n3A_60, %ge3A_62 : vector<2048x1xf32>
    %xor3A_64 = vector.broadcast %lt3A_1 : vector<1x128xi1> to vector<2048x128xi1>
    %xor3A_65 = vector.broadcast %ge3A_63 : vector<2048x1xi1> to vector<2048x128xi1>
    %xor3A_66 = arith.xori %xor3A_64, %xor3A_65 : vector<2048x128xi1>
    %jit3A_67 = arith.constant 0.000000e+00 : f32
    %broadcast_in_dim3A_68 = vector.broadcast %jit3A_67 : f32 to vector<2048x128xf32>
    %select_n3A_69 = arith.select %xor3A_66, %select_n3A_53, %broadcast_in_dim3A_68 : vector<2048x128xi1>, vector<2048x128xf32>
    %get3A_70 = arith.constant 0 : index
    %get3A_71 = arith.constant 0 : index
    %get3A_72 = vector.load %arg8[%get3A_70, %get3A_71] : memref<128x64xf32, #tpu.memory_space<vmem>>, vector<128x64xf32>
    %dot_general3A_73 = arith.constant dense<0.000000e+00> : vector<2048x64xf32>
    %dot_general3A_74 = tpu.matmul %select_n3A_69, %get3A_72, %dot_general3A_73 {dimension_numbers = #tpu.dot_dimension_numbers<[1], [0], [0], [1], [0, 0, 1, 1], [], []>, transpose_lhs_hint = false} : vector<2048x128xf32>, vector<128x64xf32>, vector<2048x64xf32> -> vector<2048x64xf32>
    %add3A = arith.addf %dot_general3A_32, %dot_general3A_74 : vector<2048x64xf32>
    %get3A_75 = arith.constant 0 : index
    %get3A_76 = arith.constant 0 : index
    %get3A_77 = vector.load %arg6[%get3A_75, %get3A_76] : memref<2048x1xf32, #tpu.memory_space<vmem>>, vector<2048x1xf32>
    %get3A_78 = arith.constant 0 : index
    %get3A_79 = arith.constant 0 : index
    %get3A_80 = vector.load %arg3[%get3A_78, %get3A_79] : memref<2048x128xf32, #tpu.memory_space<vmem>>, vector<2048x128xf32>
    %bitcast_convert_type3A_81 = tpu.bitcast %get3A_80 : vector<2048x128xf32> -> vector<2048x128xi32>
    %shift_left3A_82 = arith.constant 16 : i32
    %shift_left3A_83 = vector.broadcast %shift_left3A_82 : i32 to vector<2048x128xi32>
    %shift_left3A_84 = arith.shli %bitcast_convert_type3A_81, %shift_left3A_83 : vector<2048x128xi32>
    %bitcast_convert_type3A_85 = tpu.bitcast %shift_left3A_84 : vector<2048x128xi32> -> vector<2048x128xf32>
    %and3A_86 = arith.constant -65536 : i32
    %and3A_87 = vector.broadcast %and3A_86 : i32 to vector<2048x128xi32>
    %and3A_88 = arith.andi %bitcast_convert_type3A_81, %and3A_87 : vector<2048x128xi32>
    %bitcast_convert_type3A_89 = tpu.bitcast %and3A_88 : vector<2048x128xi32> -> vector<2048x128xf32>
    %ge3A_90 = arith.constant 1.500000e+00 : f32
    %ge3A_91 = vector.broadcast %ge3A_90 : f32 to vector<2048x1xf32>
    %ge3A_92 = arith.cmpf oge, %get3A_77, %ge3A_91 : vector<2048x1xf32>
    %broadcast_in_dim3A_93 = vector.shape_cast %ge3A_92 : vector<2048x1xi1> to vector<2048x1xi1>
    %broadcast_in_dim3A_94 = vector.broadcast %broadcast_in_dim3A_93 : vector<2048x1xi1> to vector<2048x128xi1>
    %select_n3A_95 = arith.select %broadcast_in_dim3A_94, %bitcast_convert_type3A_89, %bitcast_convert_type3A_85 : vector<2048x128xi1>, vector<2048x128xf32>
    %ge3A_96 = arith.constant 1.500000e+00 : f32
    %ge3A_97 = vector.broadcast %ge3A_96 : f32 to vector<2048x1xf32>
    %ge3A_98 = arith.cmpf oge, %get3A_77, %ge3A_97 : vector<2048x1xf32>
    %sub3A_99 = arith.constant 2.000000e+00 : f32
    %sub3A_100 = vector.broadcast %sub3A_99 : f32 to vector<2048x1xf32>
    %sub3A_101 = arith.subf %get3A_77, %sub3A_100 : vector<2048x1xf32>
    %select_n3A_102 = arith.select %ge3A_98, %sub3A_101, %get3A_77 : vector<2048x1xi1>, vector<2048x1xf32>
    %ge3A_103 = arith.constant 5.000000e-01 : f32
    %ge3A_104 = vector.broadcast %ge3A_103 : f32 to vector<2048x1xf32>
    %ge3A_105 = arith.cmpf oge, %select_n3A_102, %ge3A_104 : vector<2048x1xf32>
    %xor3A_106 = vector.broadcast %lt3A_1 : vector<1x128xi1> to vector<2048x128xi1>
    %xor3A_107 = vector.broadcast %ge3A_105 : vector<2048x1xi1> to vector<2048x128xi1>
    %xor3A_108 = arith.xori %xor3A_106, %xor3A_107 : vector<2048x128xi1>
    %jit3A_109 = arith.constant 0.000000e+00 : f32
    %broadcast_in_dim3A_110 = vector.broadcast %jit3A_109 : f32 to vector<2048x128xf32>
    %select_n3A_111 = arith.select %xor3A_108, %select_n3A_95, %broadcast_in_dim3A_110 : vector<2048x128xi1>, vector<2048x128xf32>
    %get3A_112 = arith.constant 0 : index
    %get3A_113 = arith.constant 0 : index
    %get3A_114 = vector.load %arg9[%get3A_112, %get3A_113] : memref<128x64xf32, #tpu.memory_space<vmem>>, vector<128x64xf32>
    %dot_general3A_115 = arith.constant dense<0.000000e+00> : vector<2048x64xf32>
    %dot_general3A_116 = tpu.matmul %select_n3A_111, %get3A_114, %dot_general3A_115 {dimension_numbers = #tpu.dot_dimension_numbers<[1], [0], [0], [1], [0, 0, 1, 1], [], []>, transpose_lhs_hint = false} : vector<2048x128xf32>, vector<128x64xf32>, vector<2048x64xf32> -> vector<2048x64xf32>
    %add3A_117 = arith.addf %add3A, %dot_general3A_116 : vector<2048x64xf32>
    %get3A_118 = arith.constant 0 : index
    %get3A_119 = vector.load %arg10[%get3A_118] : memref<64xf32, #tpu.memory_space<vmem>>, vector<64xf32>
    %broadcast_in_dim3A_120 = vector.shape_cast %get3A_119 : vector<64xf32> to vector<1x64xf32>
    %add3A_121 = vector.broadcast %broadcast_in_dim3A_120 : vector<1x64xf32> to vector<2048x64xf32>
    %add3A_122 = arith.addf %add3A_117, %add3A_121 : vector<2048x64xf32>
    %max3A = arith.constant 0.000000e+00 : f32
    %max3A_123 = vector.broadcast %max3A : f32 to vector<2048x64xf32>
    %max3A_124 = arith.maximumf %add3A_122, %max3A_123 : vector<2048x64xf32>
    %get3A_125 = arith.constant 0 : index
    %get3A_126 = arith.constant 0 : index
    %get3A_127 = vector.load %arg11[%get3A_125, %get3A_126] : memref<64x32xf32, #tpu.memory_space<vmem>>, vector<64x32xf32>
    %dot_general3A_128 = arith.constant dense<0.000000e+00> : vector<2048x32xf32>
    %dot_general3A_129 = tpu.matmul %max3A_124, %get3A_127, %dot_general3A_128 {dimension_numbers = #tpu.dot_dimension_numbers<[1], [0], [0], [1], [0, 0, 1, 1], [], []>, transpose_lhs_hint = false} : vector<2048x64xf32>, vector<64x32xf32>, vector<2048x32xf32> -> vector<2048x32xf32>
    %get3A_130 = arith.constant 0 : index
    %get3A_131 = vector.load %arg12[%get3A_130] : memref<32xf32, #tpu.memory_space<vmem>>, vector<32xf32>
    %broadcast_in_dim3A_132 = vector.shape_cast %get3A_131 : vector<32xf32> to vector<1x32xf32>
    %add3A_133 = vector.broadcast %broadcast_in_dim3A_132 : vector<1x32xf32> to vector<2048x32xf32>
    %add3A_134 = arith.addf %dot_general3A_129, %add3A_133 : vector<2048x32xf32>
    %max3A_135 = arith.constant 0.000000e+00 : f32
    %max3A_136 = vector.broadcast %max3A_135 : f32 to vector<2048x32xf32>
    %max3A_137 = arith.maximumf %add3A_134, %max3A_136 : vector<2048x32xf32>
    %get3A_138 = arith.constant 0 : index
    %get3A_139 = arith.constant 0 : index
    %get3A_140 = vector.load %arg13[%get3A_138, %get3A_139] : memref<32x1xf32, #tpu.memory_space<vmem>>, vector<32x1xf32>
    %dot_general3A_141 = arith.constant dense<0.000000e+00> : vector<2048x1xf32>
    %dot_general3A_142 = tpu.matmul %max3A_137, %get3A_140, %dot_general3A_141 {dimension_numbers = #tpu.dot_dimension_numbers<[1], [0], [0], [1], [0, 0, 1, 1], [], []>, transpose_lhs_hint = false} : vector<2048x32xf32>, vector<32x1xf32>, vector<2048x1xf32> -> vector<2048x1xf32>
    %get3A_143 = arith.constant 0 : index
    %get3A_144 = vector.load %arg14[%get3A_143] : memref<1xf32, #tpu.memory_space<vmem>>, vector<1xf32>
    %broadcast_in_dim3A_145 = vector.shape_cast %get3A_144 : vector<1xf32> to vector<1x1xf32>
    %add3A_146 = vector.broadcast %broadcast_in_dim3A_145 : vector<1x1xf32> to vector<2048x1xf32>
    %add3A_147 = arith.addf %dot_general3A_142, %add3A_146 : vector<2048x1xf32>
    %neg3A = arith.constant 0.000000e+00 : f32
    %neg3A_148 = vector.broadcast %neg3A : f32 to vector<2048x1xf32>
    %neg3A_149 = arith.subf %neg3A_148, %add3A_147 : vector<2048x1xf32>
    %exp3A = math.exp %neg3A_149 : vector<2048x1xf32>
    %add3A_150 = arith.constant 1.000000e+00 : f32
    %add3A_151 = vector.broadcast %add3A_150 : f32 to vector<2048x1xf32>
    %add3A_152 = arith.addf %add3A_151, %exp3A : vector<2048x1xf32>
    %div3A = arith.constant 1.000000e+00 : f32
    %div3A_153 = vector.broadcast %div3A : f32 to vector<2048x1xf32>
    %div3A_154 = arith.divf %div3A_153, %add3A_152 : vector<2048x1xf32>
    %swap3A = arith.constant 0 : index
    %swap3A_155 = arith.constant 0 : index
    %swap3A_156 = vector.load %arg15[%swap3A, %swap3A_155] : memref<2048x1xf32, #tpu.memory_space<vmem>>, vector<2048x1xf32>
    tpu.vector_store %arg15[%swap3A, %swap3A_155], %div3A_154 {strides = array<i32>} : memref<2048x1xf32, #tpu.memory_space<vmem>>, vector<2048x1xf32>,
    return
  }
  func.func @transform_0(%arg0: i32) -> (i32, i32) {
    %c0_i32 = arith.constant 0 : i32
    %c0_i32_0 = arith.constant 0 : i32
    return %arg0, %c0_i32 : i32, i32
  }
  func.func @transform_1(%arg0: i32) -> (i32, i32) {
    %c0_i32 = arith.constant 0 : i32
    %c0_i32_0 = arith.constant 0 : i32
    return %arg0, %c0_i32 : i32, i32
  }
  func.func @transform_2(%arg0: i32) -> (i32, i32) {
    %c0_i32 = arith.constant 0 : i32
    %c0_i32_0 = arith.constant 0 : i32
    return %arg0, %c0_i32 : i32, i32
  }
  func.func @transform_3(%arg0: i32) -> (i32, i32) {
    %c0_i32 = arith.constant 0 : i32
    %c0_i32_0 = arith.constant 0 : i32
    return %arg0, %c0_i32 : i32, i32
  }
  func.func @transform_4(%arg0: i32) -> (i32, i32) {
    %c0_i32 = arith.constant 0 : i32
    %c0_i32_0 = arith.constant 0 : i32
    return %arg0, %c0_i32 : i32, i32
  }
  func.func @transform_5(%arg0: i32) -> (i32, i32) {
    %c0_i32 = arith.constant 0 : i32
    %c0_i32_0 = arith.constant 0 : i32
    return %arg0, %c0_i32 : i32, i32
  }
  func.func @transform_6(%arg0: i32) -> (i32, i32) {
    %c0_i32 = arith.constant 0 : i32
    %c0_i32_0 = arith.constant 0 : i32
    %c0_i32_1 = arith.constant 0 : i32
    return %c0_i32, %c0_i32_0 : i32, i32
  }
  func.func @transform_7(%arg0: i32) -> (i32, i32) {
    %c0_i32 = arith.constant 0 : i32
    %c0_i32_0 = arith.constant 0 : i32
    %c0_i32_1 = arith.constant 0 : i32
    return %c0_i32, %c0_i32_0 : i32, i32
  }
  func.func @transform_8(%arg0: i32) -> (i32, i32) {
    %c0_i32 = arith.constant 0 : i32
    %c0_i32_0 = arith.constant 0 : i32
    %c0_i32_1 = arith.constant 0 : i32
    return %c0_i32, %c0_i32_0 : i32, i32
  }
  func.func @transform_9(%arg0: i32) -> i32 {
    %c0_i32 = arith.constant 0 : i32
    %c0_i32_0 = arith.constant 0 : i32
    return %c0_i32 : i32
  }
  func.func @transform_10(%arg0: i32) -> (i32, i32) {
    %c0_i32 = arith.constant 0 : i32
    %c0_i32_0 = arith.constant 0 : i32
    %c0_i32_1 = arith.constant 0 : i32
    return %c0_i32, %c0_i32_0 : i32, i32
  }
  func.func @transform_11(%arg0: i32) -> i32 {
    %c0_i32 = arith.constant 0 : i32
    %c0_i32_0 = arith.constant 0 : i32
    return %c0_i32 : i32
  }
  func.func @transform_12(%arg0: i32) -> (i32, i32) {
    %c0_i32 = arith.constant 0 : i32
    %c0_i32_0 = arith.constant 0 : i32
    %c0_i32_1 = arith.constant 0 : i32
    return %c0_i32, %c0_i32_0 : i32, i32
  }
  func.func @transform_13(%arg0: i32) -> i32 {
    %c0_i32 = arith.constant 0 : i32
    %c0_i32_0 = arith.constant 0 : i32
    return %c0_i32 : i32
  }
  func.func @transform_14(%arg0: i32) -> (i32, i32) {
    %c0_i32 = arith.constant 0 : i32
    %c0_i32_0 = arith.constant 0 : i32
    return %arg0, %c0_i32 : i32, i32
  }
}

</mosaic_0001>

<sc_bundles>
// kernel: kernel.11.cloned.1.call-start
scs
__scs_entry_jumppad:
0x0: {  	(pc) =	sbr.rel $0x88, $3  }
0x1: {  	(tag) =	ssettag $0x0;
	lr =	simm.s32 $0x1  }
0x2: {  	[smem:$0x3F95] =	sst lr;
	_ =	strace $0xD0000000  }
0x3: {  	_ = 	snop  }
0x4: {  	_ = 	snop  }
0x5: {  	_ = 	snop  }
0x6: {  	_ = 	snop  }
0x7: {  	_ = 	snop  }
__scs_overlays_trampoline_lowered:
0x8: {  	[smem:$0x3FA4] =	sst s0  }
0x9: {  	[smem:$0x3FA5] =	sst s1  }
0xa: {  	[smem:$0x3FA6] =	sst s2  }
0xb: {  	[smem:$0x3FA7] =	sst s3  }
0xc: {  	[smem:$0x3FA8] =	sst s4  }
0xd: {  	[smem:$0x3FA9] =	sst s5  }
0xe: {  	[smem:$0x3FAA] =	sst s6  }
0xf: {  	[smem:$0x3FAB] =	sst s7  }
0x10: {  	[smem:$0x3FAC] =	sst s8  }
0x11: {  	[smem:$0x3FAD] =	sst s9;
	s0 =	simm.s32 @!p0 $0x0  }
0x12: {  	s1 =	sld [smem:$0x3F93];
	s0 =	simm.s32 @p0 $0x1  }
0x13: {  	[smem:$0x3FAE] =	sst s0;
	s0 =	simm.s32 @!p1 $0x0  }
0x14: {  	s2 =	sld [smem:$0x3F92];
	s0 =	simm.s32 @p1 $0x1  }
0x15: {  	[smem:$0x3FAF] =	sst s0;
	s0 =	simm.s32 @!p2 $0x0  }
0x16: {  	s3 =	sld [smem:$0x3FDB];
	s0 =	simm.s32 @p2 $0x1  }
0x17: {  	s4 =	simm.s32 $0x1BF5;
	[smem:$0x3FB1] =	sst s0  }
0x18: {  	s0 =	sld [smem:$0x3F94];
	_ =	swait.ge [sflag:s4], $0x0  }
0x19: {  	s7 =	sld [smem:$0x3F95]  }
0x1a: {  	s8 =	sadd.s32 $0xFFFFE003, lr  }
0x1b: {  	s9 =	sadd.s32 $0xFFFFFEF7, lr;
	s5 =	simm.s32 $0xFFFFFFFF;
	p2 =	slt.u32 s8, $0xFFFFF086  }
0x1c: {  	p1 =	slt.u32 s9, $0xF7A;
	s5 =	simm.s32 @!p2 $0x0  }
0x1d: {  	s5 =	simm.s32 @p1 $0x1;
	p0 =	seq.s32 s7, s2  }
0x1e: {  	s7 =	smul.u32 @!p0 $0xF7A, s2;
	p2 =	seq.s32 @!p0 s5, $0x0  }
0x1f: {  	s9 =	smul.u32 $0xF7A, s1;
	s8 =	simm.s32 @!p0 $0x1BF5;
	p2 =	por !p2, p0  }
0x20: {  	[sflag:s8] =	ssyncset.s32 @!p0 $0xFFFFF086;
	s6 =	sadd.s32 @!p0 s3, s7;
	s7 =	simm.s32 @!p0 $0x108  }
0x21: {  	s3 =	sadd.s32 s3, s9;
	s6 =	sadd.s32 @!p0 $0x88, s6;
	s7 =	simm.s32 @p2 $0x1082  }
0x22: {  	[simem:s7], [sflag:s8] =	dma.local @!p0 [hbm:s6], $0xF7A  }
0x23: {  	s9 =	sor.u32 $0xD0000000, s2;
	s6 =	simm.s32 $0x108;
	_ =	swait.ge @!p0 [sflag:s8], $0x0  }
0x24: {  	s3 =	sadd.s32 $0x88, s3;
	s6 =	simm.s32 @!p1 $0x1082;
	[sflag:s4] =	ssyncset.s32 $0xFFFFF086  }
0x25: {  	[simem:s6], [sflag:s4] =	dma.local [hbm:s3], $0xF7A  }
0x26: {  	[smem:$0x3F95] =	sst s1;
	(tag) =	ssettag s2;
	_ =	strace s9  }
0x27: {  	s1 =	sld [smem:$0x3FA5]  }
0x28: {  	s2 =	sld [smem:$0x3FA6]  }
0x29: {  	s4 =	sld [smem:$0x3FA8]  }
0x2a: {  	p0 =	seq.s32 s5, $0x0;
	s5 =	sld [smem:$0x3FA9]  }
0x2b: {  	s6 =	sld [smem:$0x3FAA]  }
0x2c: {  	s7 =	sld [smem:$0x3FAB]  }
0x2d: {  	s3 =	simm.s32 $0x108;
	s8 =	sld [smem:$0x3FAC]  }
0x2e: {  	s3 =	simm.s32 @!p0 $0x1082;
	s9 =	sld [smem:$0x3FAD]  }
0x2f: {  	lr =	sadd.s32 s0, s3;
	s0 =	sld [smem:$0x3FA4]  }
0x30: {  	s3 =	sld [smem:$0x3FA7]  }
0x31: {  	[smem:$0x3FB0] =	sst s10  }
0x32: {  	s10 =	sld [smem:$0x3FAE];
	_ =	sdelay $0x3  }
0x33: {  	p0 =	seq.s32 s10, $0x1;
	s10 =	sld [smem:$0x3FB0];
	_ =	sdelay $0x3  }
0x34: {  	[smem:$0x3FB0] =	sst s10  }
0x35: {  	s10 =	sld [smem:$0x3FAF];
	_ =	sdelay $0x3  }
0x36: {  	p1 =	seq.s32 s10, $0x1;
	s10 =	sld [smem:$0x3FB0];
	_ =	sdelay $0x3  }
0x37: {  	[smem:$0x3FB0] =	sst s10  }
0x38: {  	s10 =	sld [smem:$0x3FB1]  }
0x39: {  	_ = 	snop;
	(pc) =	sbr.ind lr, $3  }
0x3a: {  	_ = 	snop  }
0x3b: {  	_ = 	snop  }
0x3c: {  	p2 =	seq.s32 s10, $0x1;
	s10 =	sld [smem:$0x3FB0]  }
0x3d: {  	_ =	shalt  }
0x3e: {  	_ =	shalt  }
0x3f: {  	_ =	shalt  }
0x40: {  	_ =	shalt  }
0x41: {  	_ =	shalt  }
0x42: {  	_ =	shalt  }
0x43: {  	_ =	shalt  }
0x44: {  	_ =	shalt  }
0x45: {  	_ =	shalt  }
0x46: {  	_ =	shalt  }
0x47: {  	_ =	shalt  }
0x48: {  	_ =	shalt  }
0x49: {  	_ =	shalt  }
0x4a: {  	_ =	shalt  }
0x4b: {  	_ =	shalt  }
0x4c: {  	_ =	shalt  }
0x4d: {  	_ =	shalt  }
0x4e: {  	_ =	shalt  }
0x4f: {  	_ =	shalt  }
0x50: {  	_ =	shalt  }
0x51: {  	_ =	shalt  }
0x52: {  	_ =	shalt  }
0x53: {  	_ =	shalt  }
0x54: {  	_ =	shalt  }
0x55: {  	_ =	shalt  }
0x56: {  	_ =	shalt  }
0x57: {  	_ =	shalt  }
0x58: {  	_ =	shalt  }
0x59: {  	_ =	shalt  }
0x5a: {  	_ =	shalt  }
0x5b: {  	_ =	shalt  }
0x5c: {  	_ =	shalt  }
0x5d: {  	_ =	shalt  }
0x5e: {  	_ =	shalt  }
0x5f: {  	_ =	shalt  }
0x60: {  	_ =	shalt  }
0x61: {  	_ =	shalt  }
0x62: {  	_ =	shalt  }
0x63: {  	_ =	shalt  }
0x64: {  	_ =	shalt  }
0x65: {  	_ =	shalt  }
0x66: {  	_ =	shalt  }
0x67: {  	_ =	shalt  }
0x68: {  	_ =	shalt  }
0x69: {  	_ =	shalt  }
0x6a: {  	_ =	shalt  }
0x6b: {  	_ =	shalt  }
0x6c: {  	_ =	shalt  }
0x6d: {  	_ =	shalt  }
0x6e: {  	_ =	shalt  }
0x6f: {  	_ =	shalt  }
0x70: {  	_ =	shalt  }
0x71: {  	_ =	shalt  }
0x72: {  	_ =	shalt  }
0x73: {  	_ =	shalt  }
0x74: {  	_ =	shalt  }
0x75: {  	_ =	shalt  }
0x76: {  	_ =	shalt  }
0x77: {  	_ =	shalt  }
0x78: {  	_ =	shalt  }
0x79: {  	_ =	shalt  }
0x7a: {  	_ =	shalt  }
0x7b: {  	_ =	shalt  }
0x7c: {  	_ =	shalt  }
0x7d: {  	_ =	shalt  }
0x7e: {  	_ =	shalt  }
0x7f: {  	_ =	shalt  }
0x80: {  	_ =	shalt  }
0x81: {  	_ =	shalt  }
0x82: {  	_ =	shalt  }
0x83: {  	_ =	shalt  }
0x84: {  	_ =	shalt  }
0x85: {  	_ =	shalt  }
0x86: {  	_ =	shalt  }
0x87: {  	_ =	shalt  }
.Lfunc_end0:
.L_simem_size_0:
called_computation.1_lowered:
.L_overlay_start_0:
0x88: {  	s2 =	sld [smem:$0x3FD9]  }
0x89: {  	s3 =	sld [smem:$0x3FFE];
	_ =	sdelay $0x1  }
0x8a: {  	s1 =	srdreg.scid  }
0x8b: {  	s0 =	sand.u32 $0x1, s1  }
0x8c: {  	s17 =	sshll.u32 s0, $0xA;
	s2 =	sadd.s32 s3, s2  }
0x8d: {  	s2 =	sadd.s32 s2, s17  }
0x8e: {  	[smem:$0x3FBC] =	sst s2  }
0x8f: {  	_ = 	snop  }
0x90: {  	s18 =	sld [smem:$0x3FC8]  }
0x91: {  	s4 =	sld [smem:$0x3FC7];
	(tm) =	ssettm $0x1  }
0x92: {  	s19 =	sld [smem:$0x3FFB];
	_ =	sdelay $0x3  }
0x93: {  	_ =	strace s19  }
0x94: {  	s2 =	sld [smem:$0x3FFC];
	_ =	sdelay $0x3  }
0x95: {  	_ =	strace s2  }
0x96: {  	s2 =	sld [smem:$0x3FFD];
	_ =	sdelay $0x3  }
0x97: {  	_ =	strace s2  }
0x98: {  	_ =	strace $0x8FFFFFFF  }
0x99: {  	s20 =	sld [smem:$0x3FDB];
	_ =	sdelay $0x1  }
0x9a: {  	s5 =	simm.s32 $_scs_section_size  }
0x9b: {  	s6 =	simm.s32 $_size__tile_overlayer_lowered;
	s7 =	simm.s32 $_tile_overlayer_lowered  }
0x9c: {  	s8 =	simm.s32 $0x1BFF;
	s21 =	sshll.u32 s7, $0x1;
	s5 =	sadd.s32 s5, s20  }
0x9d: {  	s22 =	simm.s32 $0x0;
	s6 =	sshll.u32 s6, $0x1;
	s7 =	sadd.s32 s21, s5  }
0x9e: {  	[timem:s22], [sflag:s8] =	dma.local [hbm:s7], s6  }
0x9f: {  	_ =	swait.ge [sflag:s8], s6  }
0xa0: {  	s6 =	ssub.s32 $0x0, s6;
	[sflag:s8] =	ssyncset.done $0x0  }
0xa1: {  	[sflag:s8] =	ssyncadd.s32 s6;
	_ =	sdelay $0x1  }
0xa2: {  	s23 =	simm.s32 $0x1B8B  }
0xa3: {  	_ =	swait.ge [sflag:s23], $0x1  }
0xa4: {  	[sflag:s23] =	ssyncset.done $0x0  }
0xa5: {  	[sflag:s23] =	ssyncadd.s32 $0xFFFFFFFF  }
0xa6: {  	s6 =	sld [smem:$0x0]  }
0xa7: {  	s7 =	sand.u32 $0xFFFFFFFE, s1  }
0xa8: {  	p0 =	sne.s32 s1, s7  }
0xa9: {  	s7 =	sshll.u32 @p0 s7, $0xE  }
0xaa: {  	s7 =	sadd.s32 @p0 $0x11B8D, s7;
	s8 =	sshll.u32 @p0 s6, $0x11  }
0xab: {  	s7 =	sor.u32 @p0 s8, s7  }
0xac: {  	[sflag:s7] =	ssyncadd.remote.s32 @p0 $0x1;
	_ =	sdelay $0x1  }
0xad: {  	s7 =	simm.s32 @p0 $0x1B8D  }
0xae: {  	_ =	swait.eq @p0 [sflag:s7], $0x1  }
0xaf: {  	[sflag:s7] =	ssyncadd.s32 @p0 $0xFFFFFFFF  }
0xb0: {  	s8 =	sshll.u32 @!p0 s1, $0xE  }
0xb1: {  	s8 =	sor.u32 @!p0 $0x4000, s8;
	s7 =	simm.s32 @!p0 $0x1B8D  }
0xb2: {  	s6 =	sshll.u32 @!p0 s6, $0x11;
	s8 =	sadd.s32 @!p0 $0x11B8D, s8;
	_ =	swait.eq @!p0 [sflag:s7], $0x1  }
0xb3: {  	s6 =	sor.u32 @!p0 s6, s8;
	[sflag:s7] =	ssyncadd.s32 @!p0 $0xFFFFFFFF  }
0xb4: {  	s25 =	simm.s32 $0x1B8E;
	s24 =	sld [smem:$0x3FFE];
	[sflag:s6] =	ssyncadd.remote.s32 @!p0 $0x1  }
0xb5: {  	s26 =	simm.s32 $execute0_lowered;
	[smem:$0x3FD2] =	sst s25  }
0xb6: {  	s7 =	sshll.u32 s26, $0x1;
	_ =	strace $0x80000049;
	[dreg:$0x1] =	wrdreg $0xFFFFFFFF  }
0xb7: {  	s28 =	simm.s32 $_size_execute0_lowered;
	s5 =	sadd.s32 s5, s7;
	[dreg:$0x0] =	wrdreg $0x0  }
0xb8: {  	s7 =	sshll.u32 s28, $0x1;
	[dreg:$0x2] =	wrdreg s5  }
0xb9: {  	[dreg:$0x3] =	wrdreg s7  }
0xba: {  	[dreg:$0x4] =	wrdreg $0xC0  }
0xbb: {  	_ =	task [dreg:s22], $0x5FFFF  }
0xbc: {  	[dreg:$0x1] =	wrdreg $0xFFFFFFFF  }
0xbd: {  	[dreg:$0x0] =	wrdreg $0x60  }
0xbe: {  	[dreg:$0x2] =	wrdreg s18  }
0xbf: {  	[dreg:$0x3] =	wrdreg s4  }
0xc0: {  	[dreg:$0x4] =	wrdreg s24  }
0xc1: {  	[dreg:$0x5] =	wrdreg $0xA  }
0xc2: {  	_ =	task.clear_ibuf [dreg:s22], $0x6FFFF;
	_ =	strace $0x90000049  }
0xc3: {  	s29 =	simm.s32 $0xA;
	_ =	strace $0x8000004B  }
0xc4: {  	_ =	swait.ge [sflag:s29], $0x1  }
0xc5: {  	[sflag:s29] =	ssyncadd.s32 $0xFFFFFFFF  }
0xc6: {  	_ =	strace $0x9000004B  }
0xc7: {  	_ =	sfence  }
0xc8: {  	s30 =	sld [smem:$0x0];
	_ =	sdelay $0x2  }
0xc9: {  	s31 =	sshll.u32 s1, $0xD;
	s1 =	sshrl.u32 s1, $0x2  }
0xca: {  	s4 =	sand.u32 $0x4000, s31;
	s1 =	sadd.s32 s1, s30  }
0xcb: {  	s0 =	sor.u32 s4, s0;
	s1 =	sshll.u32 s1, $0x11  }
0xcc: {  	s0 =	sor.u32 s1, s0  }
0xcd: {  	s0 =	sadd.s32 $0x8F2B, s0  }
0xce: {  	[sflag:s0] =	ssyncadd.remote.s32 $0x1  }
0xcf: {  	_ =	sfence.sel $0xFFFF  }
0xd0: {  	[dreg:$0x0] =	wrdreg $0xFFFFFFFF;
	(pc) =	sbr.abs _section_cstart, $3  }
0xd1: {  	[dreg:$0x1] =	wrdreg $0xFFFFFFFF  }
0xd2: {  	_ =	task.clear_ibuf [dreg:s22], $0x2FFFF;
	_ =	strace $0x9FFFFFFF  }
0xd3: {  	(tm) =	ssettm $0x7FFFFFFF  }
tec
execute0_lowered:
.L_overlay_start_1:
0x0: {  	(tag) =	ssettag $0x1  }
0x1: {  	s8 =	rddreg [dreg:$0x0]  }
0x2: {  	s13 =	rddreg [dreg:$0x1]  }
0x3: {  	s5 =	rddreg [dreg:$0x2]  }
0x4: {  	s0 =	rddreg [dreg:$0x3];
	s1 =	simm.s32 $0x0  }
0x5: {  	s4 =	srdreg.scid;
	s2 =	stileid.u32;
	s18 =	simm.s32 $0x280  }
0x6: {  	s19 =	simm.s32 $0x100;
	s20 =	simm.s32 $0x4280;
	s21 =	simm.s32 $0x180  }
0x7: {  	s22 =	simm.s32 $0x8280;
	s23 =	simm.s32 $0x200;
	s24 =	simm.s32 $0xC280  }
0x8: {  	s25 =	simm.s32 $0x1;
	s26 =	simm.s32 $0x2;
	[smem:$0x7FF] =	sst s1  }
0x9: {  	s3 =	sadd.s32 $0x442200, s5;
	s6 =	sand.u32 $0x1, s4;
	s4 =	sadd.s32 $0x443200, s5  }
0xa: {  	s7 =	sshll.u32 s2, $0xE;
	s11 =	sshll.u32 s2, $0x7;
	_ =	strace $0x8000004A  }
0xb: {  	s9 =	sshll.u32 s6, $0xD;
	s10 =	ssub.s32 $0x2, s6;
	s6 =	sshll.u32 s6, $0x6  }
0xc: {  	s7 =	sor.u32 s9, s7;
	s31 =	sshrl.u32 s10, $0x1;
	s11 =	sor.u32 s6, s11  }
0xd: {  	s14 =	sadd.s32 s7, s5;
	s15 =	ssub.s32 s10, s31;
	s5 =	sadd.s32 s8, s11  }
0xe: {  	s12 =	sor.u32 $0x10, s11;
	s16 =	sor.u32 $0x20, s11;
	s17 =	sor.u32 $0x30, s11  }
0xf: {  	s10 =	sadd.s32 s13, s11;
	s6 =	sadd.s32 s8, s12;
	s7 =	sadd.s32 s8, s16  }
0x10: {  	s8 =	sadd.s32 s8, s17;
	s9 =	sadd.s32 $0x843200, s14;
	s11 =	sadd.s32 s13, s12  }
0x11: {  	s12 =	sadd.s32 s13, s16;
	s13 =	sadd.s32 s13, s17;
	s14 =	sadd.s32 $0x883200, s14  }
0x12: {  	s15 =	smax.u32 s15, $0x1;
	s16 =	simm.s32 $0x3;
	s17 =	simm.s32 $0x80  }
.LBB2_1:
0x13: {  	[tilespmem:s1], [sflag:$0x3] =	stream.linear.gather [hbm4b:s5+s1], $0x80, $0x38;
	[tilespmem:$0x10280] =	vst v63  }
0x14: {  	_ =	swait.ge [sflag:s16], $0x80  }
0x15: {  	[sflag:s16] =	ssyncset.done $0x0  }
0x16: {  	[sflag:s16] =	ssyncadd.s32 $0xFFFFFF80  }
0x17: {  	v0 =	vld [tilespmem:$0x0]  }
0x18: {  	v1 =	vld [tilespmem:$0x10]  }
0x19: {  	v2 =	vld [tilespmem:$0x20]  }
0x1a: {  	v3 =	vld [tilespmem:$0x30]  }
0x1b: {  	v4 =	vld [tilespmem:$0x40]  }
0x1c: {  	v5 =	vld [tilespmem:$0x50];
	v0 =	vand.u32 $0xFF, v0  }
0x1d: {  	v7 =	vld [tilespmem:$0x60];
	v6 =	vand.u32 $0xFF, v1;
	[tilespmem:$0x80] =	vst v0  }
0x1e: {  	v9 =	vld [tilespmem:$0x70];
	v8 =	vand.u32 $0xFF, v2;
	[tilespmem:$0x90] =	vst v6  }
0x1f: {  	v10 =	vand.u32 $0xFF, v3;
	[tilespmem:$0xA0] =	vst v8  }
0x20: {  	v11 =	vand.u32 $0xFF, v4;
	[tilespmem:$0xB0] =	vst v10  }
0x21: {  	v12 =	vand.u32 $0xFF, v5;
	[tilespmem:$0xC0] =	vst v11  }
0x22: {  	v13 =	vand.u32 $0xFF, v7;
	[tilespmem:$0xD0] =	vst v12  }
0x23: {  	v14 =	vand.u32 $0xFF, v9;
	[tilespmem:$0xE0] =	vst v13  }
0x24: {  	[tilespmem:$0xF0] =	vst v14  }
0x25: {  	[tilespmem:s18], [sflag:$0x1] =	stream.indirect.gather [hbm4b:s3+s17], $0x80, s17, s17, $0xb8;
	[tilespmem:$0x10280] =	vst v63  }
0x26: {  	_ = 	snop  }
0x27: {  	[tilespmem:s1], [sflag:$0x3] =	stream.linear.gather [hbm4b:s6+s1], $0x80, $0x38;
	[tilespmem:$0x10280] =	vst v63  }
0x28: {  	_ =	swait.ge [sflag:s16], $0x80  }
0x29: {  	[sflag:s16] =	ssyncset.done $0x0  }
0x2a: {  	[sflag:s16] =	ssyncadd.s32 $0xFFFFFF80  }
0x2b: {  	v15 =	vld [tilespmem:$0x0]  }
0x2c: {  	v16 =	vld [tilespmem:$0x10]  }
0x2d: {  	v17 =	vld [tilespmem:$0x20]  }
0x2e: {  	v18 =	vld [tilespmem:$0x30]  }
0x2f: {  	v19 =	vld [tilespmem:$0x40]  }
0x30: {  	v20 =	vld [tilespmem:$0x50];
	v0 =	vand.u32 $0xFF, v15  }
0x31: {  	v22 =	vld [tilespmem:$0x60];
	v21 =	vand.u32 $0xFF, v16;
	[tilespmem:$0x100] =	vst v0  }
0x32: {  	v24 =	vld [tilespmem:$0x70];
	v23 =	vand.u32 $0xFF, v17;
	[tilespmem:$0x110] =	vst v21  }
0x33: {  	v25 =	vand.u32 $0xFF, v18;
	[tilespmem:$0x120] =	vst v23  }
0x34: {  	v26 =	vand.u32 $0xFF, v19;
	[tilespmem:$0x130] =	vst v25  }
0x35: {  	v27 =	vand.u32 $0xFF, v20;
	[tilespmem:$0x140] =	vst v26  }
0x36: {  	v28 =	vand.u32 $0xFF, v22;
	[tilespmem:$0x150] =	vst v27  }
0x37: {  	v29 =	vand.u32 $0xFF, v24;
	[tilespmem:$0x160] =	vst v28  }
0x38: {  	[tilespmem:$0x170] =	vst v29  }
0x39: {  	[tilespmem:s20], [sflag:$0x1] =	stream.indirect.gather [hbm4b:s3+s17], $0x80, s19, s17, $0xb8;
	[tilespmem:$0x10280] =	vst v63  }
0x3a: {  	_ = 	snop  }
0x3b: {  	[tilespmem:s1], [sflag:$0x3] =	stream.linear.gather [hbm4b:s7+s1], $0x80, $0x38;
	[tilespmem:$0x10280] =	vst v63  }
0x3c: {  	_ =	swait.ge [sflag:s16], $0x80  }
0x3d: {  	[sflag:s16] =	ssyncset.done $0x0  }
0x3e: {  	[sflag:s16] =	ssyncadd.s32 $0xFFFFFF80  }
0x3f: {  	v30 =	vld [tilespmem:$0x0]  }
0x40: {  	v31 =	vld [tilespmem:$0x10]  }
0x41: {  	v32 =	vld [tilespmem:$0x20]  }
0x42: {  	v33 =	vld [tilespmem:$0x30]  }
0x43: {  	v34 =	vld [tilespmem:$0x40]  }
0x44: {  	v35 =	vld [tilespmem:$0x50];
	v0 =	vand.u32 $0xFF, v30  }
0x45: {  	v37 =	vld [tilespmem:$0x60];
	v36 =	vand.u32 $0xFF, v31;
	[tilespmem:$0x180] =	vst v0  }
0x46: {  	v39 =	vld [tilespmem:$0x70];
	v38 =	vand.u32 $0xFF, v32;
	[tilespmem:$0x190] =	vst v36  }
0x47: {  	v40 =	vand.u32 $0xFF, v33;
	[tilespmem:$0x1A0] =	vst v38  }
0x48: {  	v41 =	vand.u32 $0xFF, v34;
	[tilespmem:$0x1B0] =	vst v40  }
0x49: {  	v42 =	vand.u32 $0xFF, v35;
	[tilespmem:$0x1C0] =	vst v41  }
0x4a: {  	v43 =	vand.u32 $0xFF, v37;
	[tilespmem:$0x1D0] =	vst v42  }
0x4b: {  	v44 =	vand.u32 $0xFF, v39;
	[tilespmem:$0x1E0] =	vst v43  }
0x4c: {  	[tilespmem:$0x1F0] =	vst v44  }
0x4d: {  	[tilespmem:s22], [sflag:$0x1] =	stream.indirect.gather [hbm4b:s3+s17], $0x80, s21, s17, $0xb8;
	[tilespmem:$0x10280] =	vst v63  }
0x4e: {  	_ = 	snop  }
0x4f: {  	[tilespmem:s1], [sflag:$0x3] =	stream.linear.gather [hbm4b:s8+s1], $0x80, $0x38;
	[tilespmem:$0x10280] =	vst v63  }
0x50: {  	_ =	swait.ge [sflag:s16], $0x80  }
0x51: {  	[sflag:s16] =	ssyncset.done $0x0  }
0x52: {  	[sflag:s16] =	ssyncadd.s32 $0xFFFFFF80  }
0x53: {  	v45 =	vld [tilespmem:$0x0]  }
0x54: {  	v46 =	vld [tilespmem:$0x10]  }
0x55: {  	v47 =	vld [tilespmem:$0x20]  }
0x56: {  	v48 =	vld [tilespmem:$0x30]  }
0x57: {  	v49 =	vld [tilespmem:$0x40]  }
0x58: {  	v50 =	vld [tilespmem:$0x50];
	v0 =	vand.u32 $0xFF, v45  }
0x59: {  	v52 =	vld [tilespmem:$0x60];
	v51 =	vand.u32 $0xFF, v46;
	[tilespmem:$0x200] =	vst v0  }
0x5a: {  	v54 =	vld [tilespmem:$0x70];
	v53 =	vand.u32 $0xFF, v47;
	[tilespmem:$0x210] =	vst v51  }
0x5b: {  	v55 =	vand.u32 $0xFF, v48;
	[tilespmem:$0x220] =	vst v53  }
0x5c: {  	v56 =	vand.u32 $0xFF, v49;
	[tilespmem:$0x230] =	vst v55  }
0x5d: {  	v57 =	vand.u32 $0xFF, v50;
	[tilespmem:$0x240] =	vst v56  }
0x5e: {  	v58 =	vand.u32 $0xFF, v52;
	[tilespmem:$0x250] =	vst v57  }
0x5f: {  	v59 =	vand.u32 $0xFF, v54;
	[tilespmem:$0x260] =	vst v58  }
0x60: {  	[tilespmem:$0x270] =	vst v59  }
0x61: {  	[tilespmem:s24], [sflag:$0x1] =	stream.indirect.gather [hbm4b:s3+s17], $0x80, s23, s17, $0xb8;
	[tilespmem:$0x10280] =	vst v63  }
0x62: {  	_ =	swait.ge [sflag:s25], $0x4000  }
0x63: {  	[sflag:s25] =	ssyncset.done $0x0  }
0x64: {  	[sflag:s25] =	ssyncadd.s32 $0xFFFFC000  }
0x65: {  	_ =	swait.ge [sflag:s25], $0x4000  }
0x66: {  	[sflag:s25] =	ssyncset.done $0x0  }
0x67: {  	[sflag:s25] =	ssyncadd.s32 $0xFFFFC000  }
0x68: {  	_ =	swait.ge [sflag:s25], $0x4000  }
0x69: {  	[sflag:s25] =	ssyncset.done $0x0  }
0x6a: {  	[sflag:s25] =	ssyncadd.s32 $0xFFFFC000  }
0x6b: {  	_ =	swait.ge [sflag:s25], $0x4000  }
0x6c: {  	[sflag:s25] =	ssyncset.done $0x0  }
0x6d: {  	[sflag:s25] =	ssyncadd.s32 $0xFFFFC000  }
0x6e: {  	[hbm4b:s9+s1] =	stream.linear.scatter [tilespmem:s18], [sflag:$0x2], $0x10000, $0x38;
	[tilespmem:$0x10280] =	vst v63  }
0x6f: {  	_ =	swait.ge [sflag:s26], $0x10000  }
0x70: {  	[sflag:s26] =	ssyncset.done $0x0  }
0x71: {  	[sflag:s26] =	ssyncadd.s32 $0xFFFF0000  }
0x72: {  	[tilespmem:s1], [sflag:$0x3] =	stream.linear.gather [hbm4b:s10+s1], $0x80, $0x38;
	[tilespmem:$0x10280] =	vst v63  }
0x73: {  	_ =	swait.ge [sflag:s16], $0x80  }
0x74: {  	[sflag:s16] =	ssyncset.done $0x0  }
0x75: {  	[sflag:s16] =	ssyncadd.s32 $0xFFFFFF80  }
0x76: {  	v60 =	vld [tilespmem:$0x0]  }
0x77: {  	v61 =	vld [tilespmem:$0x10]  }
0x78: {  	v62 =	vld [tilespmem:$0x20]  }
0x79: {  	v63 =	vld [tilespmem:$0x30]  }
0x7a: {  	v8 =	vld [tilespmem:$0x40]  }
0x7b: {  	v9 =	vld [tilespmem:$0x50];
	v0 =	vand.u32 $0x3FFFF, v60  }
0x7c: {  	v11 =	vld [tilespmem:$0x60];
	v10 =	vand.u32 $0x3FFFF, v61;
	[tilespmem:$0x80] =	vst v0  }
0x7d: {  	v13 =	vld [tilespmem:$0x70];
	v12 =	vand.u32 $0x3FFFF, v62;
	[tilespmem:$0x90] =	vst v10  }
0x7e: {  	v14 =	vand.u32 $0x3FFFF, v63;
	[tilespmem:$0xA0] =	vst v12  }
0x7f: {  	v15 =	vand.u32 $0x3FFFF, v8;
	[tilespmem:$0xB0] =	vst v14  }
0x80: {  	v16 =	vand.u32 $0x3FFFF, v9;
	[tilespmem:$0xC0] =	vst v15  }
0x81: {  	v17 =	vand.u32 $0x3FFFF, v11;
	[tilespmem:$0xD0] =	vst v16  }
0x82: {  	v18 =	vand.u32 $0x3FFFF, v13;
	[tilespmem:$0xE0] =	vst v17  }
0x83: {  	[tilespmem:$0xF0] =	vst v18  }
0x84: {  	[tilespmem:s18], [sflag:$0x1] =	stream.indirect.gather [hbm4b:s4+s17], $0x80, s17, s17, $0xb8;
	[tilespmem:$0x10280] =	vst v63  }
0x85: {  	_ = 	snop  }
0x86: {  	[tilespmem:s1], [sflag:$0x3] =	stream.linear.gather [hbm4b:s11+s1], $0x80, $0x38;
	[tilespmem:$0x10280] =	vst v63  }
0x87: {  	_ =	swait.ge [sflag:s16], $0x80  }
0x88: {  	[sflag:s16] =	ssyncset.done $0x0  }
0x89: {  	[sflag:s16] =	ssyncadd.s32 $0xFFFFFF80  }
0x8a: {  	v19 =	vld [tilespmem:$0x0]  }
0x8b: {  	v20 =	vld [tilespmem:$0x10]  }
0x8c: {  	v21 =	vld [tilespmem:$0x20]  }
0x8d: {  	v22 =	vld [tilespmem:$0x30]  }
0x8e: {  	v23 =	vld [tilespmem:$0x40]  }
0x8f: {  	v24 =	vld [tilespmem:$0x50];
	v0 =	vand.u32 $0x3FFFF, v19  }
0x90: {  	v26 =	vld [tilespmem:$0x60];
	v25 =	vand.u32 $0x3FFFF, v20;
	[tilespmem:$0x100] =	vst v0  }
0x91: {  	v28 =	vld [tilespmem:$0x70];
	v27 =	vand.u32 $0x3FFFF, v21;
	[tilespmem:$0x110] =	vst v25  }
0x92: {  	v29 =	vand.u32 $0x3FFFF, v22;
	[tilespmem:$0x120] =	vst v27  }
0x93: {  	v30 =	vand.u32 $0x3FFFF, v23;
	[tilespmem:$0x130] =	vst v29  }
0x94: {  	v31 =	vand.u32 $0x3FFFF, v24;
	[tilespmem:$0x140] =	vst v30  }
0x95: {  	v32 =	vand.u32 $0x3FFFF, v26;
	[tilespmem:$0x150] =	vst v31  }
0x96: {  	v33 =	vand.u32 $0x3FFFF, v28;
	[tilespmem:$0x160] =	vst v32  }
0x97: {  	[tilespmem:$0x170] =	vst v33  }
0x98: {  	[tilespmem:s20], [sflag:$0x1] =	stream.indirect.gather [hbm4b:s4+s17], $0x80, s19, s17, $0xb8;
	[tilespmem:$0x10280] =	vst v63  }
0x99: {  	_ = 	snop  }
0x9a: {  	[tilespmem:s1], [sflag:$0x3] =	stream.linear.gather [hbm4b:s12+s1], $0x80, $0x38;
	[tilespmem:$0x10280] =	vst v63  }
0x9b: {  	_ =	swait.ge [sflag:s16], $0x80  }
0x9c: {  	[sflag:s16] =	ssyncset.done $0x0  }
0x9d: {  	[sflag:s16] =	ssyncadd.s32 $0xFFFFFF80  }
0x9e: {  	v34 =	vld [tilespmem:$0x0]  }
0x9f: {  	v35 =	vld [tilespmem:$0x10]  }
0xa0: {  	v36 =	vld [tilespmem:$0x20]  }
0xa1: {  	v37 =	vld [tilespmem:$0x30]  }
0xa2: {  	v38 =	vld [tilespmem:$0x40]  }
0xa3: {  	v39 =	vld [tilespmem:$0x50];
	v0 =	vand.u32 $0x3FFFF, v34  }
0xa4: {  	v41 =	vld [tilespmem:$0x60];
	v40 =	vand.u32 $0x3FFFF, v35;
	[tilespmem:$0x180] =	vst v0  }
0xa5: {  	v43 =	vld [tilespmem:$0x70];
	v42 =	vand.u32 $0x3FFFF, v36;
	[tilespmem:$0x190] =	vst v40  }
0xa6: {  	v44 =	vand.u32 $0x3FFFF, v37;
	[tilespmem:$0x1A0] =	vst v42  }
0xa7: {  	v45 =	vand.u32 $0x3FFFF, v38;
	[tilespmem:$0x1B0] =	vst v44  }
0xa8: {  	v46 =	vand.u32 $0x3FFFF, v39;
	[tilespmem:$0x1C0] =	vst v45  }
0xa9: {  	v47 =	vand.u32 $0x3FFFF, v41;
	[tilespmem:$0x1D0] =	vst v46  }
0xaa: {  	v48 =	vand.u32 $0x3FFFF, v43;
	[tilespmem:$0x1E0] =	vst v47  }
0xab: {  	[tilespmem:$0x1F0] =	vst v48  }
0xac: {  	[tilespmem:s22], [sflag:$0x1] =	stream.indirect.gather [hbm4b:s4+s17], $0x80, s21, s17, $0xb8;
	[tilespmem:$0x10280] =	vst v63  }
0xad: {  	_ = 	snop  }
0xae: {  	[tilespmem:s1], [sflag:$0x3] =	stream.linear.gather [hbm4b:s13+s1], $0x80, $0x38;
	[tilespmem:$0x10280] =	vst v63  }
0xaf: {  	_ =	swait.ge [sflag:s16], $0x80  }
0xb0: {  	[sflag:s16] =	ssyncset.done $0x0  }
0xb1: {  	[sflag:s16] =	ssyncadd.s32 $0xFFFFFF80  }
0xb2: {  	v49 =	vld [tilespmem:$0x0]  }
0xb3: {  	v50 =	vld [tilespmem:$0x10]  }
0xb4: {  	v51 =	vld [tilespmem:$0x20]  }
0xb5: {  	v52 =	vld [tilespmem:$0x30]  }
0xb6: {  	v53 =	vld [tilespmem:$0x40]  }
0xb7: {  	v54 =	vld [tilespmem:$0x50];
	v0 =	vand.u32 $0x3FFFF, v49  }
0xb8: {  	v56 =	vld [tilespmem:$0x60];
	v55 =	vand.u32 $0x3FFFF, v50;
	[tilespmem:$0x200] =	vst v0  }
0xb9: {  	v58 =	vld [tilespmem:$0x70];
	v57 =	vand.u32 $0x3FFFF, v51;
	[tilespmem:$0x210] =	vst v55  }
0xba: {  	v59 =	vand.u32 $0x3FFFF, v52;
	[tilespmem:$0x220] =	vst v57  }
0xbb: {  	v60 =	vand.u32 $0x3FFFF, v53;
	[tilespmem:$0x230] =	vst v59  }
0xbc: {  	v61 =	vand.u32 $0x3FFFF, v54;
	[tilespmem:$0x240] =	vst v60  }
0xbd: {  	v62 =	vand.u32 $0x3FFFF, v56;
	[tilespmem:$0x250] =	vst v61  }
0xbe: {  	v63 =	vand.u32 $0x3FFFF, v58;
	[tilespmem:$0x260] =	vst v62  }
0xbf: {  	[tilespmem:$0x270] =	vst v63  }
0xc0: {  	[tilespmem:s24], [sflag:$0x1] =	stream.indirect.gather [hbm4b:s4+s17], $0x80, s23, s17, $0xb8;
	[tilespmem:$0x10280] =	vst v63  }
0xc1: {  	_ =	swait.ge [sflag:s25], $0x4000  }
0xc2: {  	[sflag:s25] =	ssyncset.done $0x0  }
0xc3: {  	[sflag:s25] =	ssyncadd.s32 $0xFFFFC000  }
0xc4: {  	_ =	swait.ge [sflag:s25], $0x4000  }
0xc5: {  	[sflag:s25] =	ssyncset.done $0x0  }
0xc6: {  	[sflag:s25] =	ssyncadd.s32 $0xFFFFC000  }
0xc7: {  	_ =	swait.ge [sflag:s25], $0x4000  }
0xc8: {  	[sflag:s25] =	ssyncset.done $0x0  }
0xc9: {  	[sflag:s25] =	ssyncadd.s32 $0xFFFFC000  }
0xca: {  	_ =	swait.ge [sflag:s25], $0x4000  }
0xcb: {  	p0 =	sne.s32 s15, $0x1;
	[sflag:s25] =	ssyncset.done $0x0  }
.Ltmp0:
0xcc: {  	[sflag:s25] =	ssyncadd.s32 $0xFFFFC000;
	(pc) =	sbr.rel @p0 .LBB2_1-.Ltmp0, $4  }
0xcd: {  	[hbm4b:s14+s1] =	stream.linear.scatter [tilespmem:s18], [sflag:$0x2], $0x10000, $0x38;
	[tilespmem:$0x10280] =	vst v63  }
0xce: {  	_ =	swait.ge [sflag:s26], $0x10000  }
0xcf: {  	[sflag:s26] =	ssyncset.done $0x0  }
0xd0: {  	s15 =	sadd.s32 $0xFFFFFFFF, s15;
	[sflag:s26] =	ssyncadd.s32 $0xFFFF0000  }
0xd1: {  	_ =	sfence.sel $0x180000  }
0xd2: {  	[bflag:$0x0] =	sbarrier.arrive $0xFFFF  }
0xd3: {  	p0 =	sne.s32 s2, $0x0;
	_ =	strace $0x9000004A  }
0xd4: {  	s0 =	sadd.s32 @!p0 $0x100000, s0;
	[bflag:$0x2] =	sbarrier.arrive $0xFFFF  }
0xd5: {  	[sflag:s0] =	ssyncadd.tile.s32 @!p0 $0x1;
	_ =	shalt  }
.Lfunc_end2:
_tile_overlayer_lowered:
.L_overlay_start_2:
0xd6: {  	(tag) =	ssettag $0x2  }
0xd7: {  	s0 =	rddreg [dreg:$0x0];
	s2 =	stileid.u32  }
0xd8: {  	s1 =	rddreg [dreg:$0x1];
	p0 =	sne.s32 s2, $0x0  }
0xd9: {  	s3 =	rddreg [dreg:$0x2];
	[bflag:$0x3] =	sbarrier.arrive $0xFFFF;
	s2 =	simm.s32 @!p0 $0x1C03  }
0xda: {  	[timem:s3], [sflag:s2] =	dma.local @!p0 [hbm:s0], s1  }
0xdb: {  	s0 =	simm.s32 @!p0 $0x3  }
0xdc: {  	_ =	swait.ge @!p0 [sflag:s0], s1  }
0xdd: {  	s1 =	ssub.s32 @!p0 $0x0, s1;
	[sflag:s0] =	ssyncset.done @!p0 $0x0  }
0xde: {  	[sflag:s0] =	ssyncadd.s32 @!p0 s1  }
0xdf: {  	[bflag:$0x3] =	sbarrier.arrive $0xFFFF  }
0xe0: {  	_ =	shalt  }

// kernel: kernel.8.cloned.1.call-start
scs
__scs_entry_jumppad:
0x0: {  	(pc) =	sbr.rel $0x88, $3  }
0x1: {  	(tag) =	ssettag $0x0;
	lr =	simm.s32 $0x1  }
0x2: {  	[smem:$0x3F95] =	sst lr;
	_ =	strace $0xD0000000  }
0x3: {  	_ = 	snop  }
0x4: {  	_ = 	snop  }
0x5: {  	_ = 	snop  }
0x6: {  	_ = 	snop  }
0x7: {  	_ = 	snop  }
__scs_overlays_trampoline_lowered:
0x8: {  	[smem:$0x3FA4] =	sst s0  }
0x9: {  	[smem:$0x3FA5] =	sst s1  }
0xa: {  	[smem:$0x3FA6] =	sst s2  }
0xb: {  	[smem:$0x3FA7] =	sst s3  }
0xc: {  	[smem:$0x3FA8] =	sst s4  }
0xd: {  	[smem:$0x3FA9] =	sst s5  }
0xe: {  	[smem:$0x3FAA] =	sst s6  }
0xf: {  	[smem:$0x3FAB] =	sst s7  }
0x10: {  	[smem:$0x3FAC] =	sst s8  }
0x11: {  	[smem:$0x3FAD] =	sst s9;
	s0 =	simm.s32 @!p0 $0x0  }
0x12: {  	s1 =	sld [smem:$0x3F93];
	s0 =	simm.s32 @p0 $0x1  }
0x13: {  	[smem:$0x3FAE] =	sst s0;
	s0 =	simm.s32 @!p1 $0x0  }
0x14: {  	s2 =	sld [smem:$0x3F92];
	s0 =	simm.s32 @p1 $0x1  }
0x15: {  	[smem:$0x3FAF] =	sst s0;
	s0 =	simm.s32 @!p2 $0x0  }
0x16: {  	s3 =	sld [smem:$0x3FDB];
	s0 =	simm.s32 @p2 $0x1  }
0x17: {  	s4 =	simm.s32 $0x1BF5;
	[smem:$0x3FB1] =	sst s0  }
0x18: {  	s0 =	sld [smem:$0x3F94];
	_ =	swait.ge [sflag:s4], $0x0  }
0x19: {  	s7 =	sld [smem:$0x3F95]  }
0x1a: {  	s8 =	sadd.s32 $0xFFFFE003, lr  }
0x1b: {  	s9 =	sadd.s32 $0xFFFFFEF7, lr;
	s5 =	simm.s32 $0xFFFFFFFF;
	p2 =	slt.u32 s8, $0xFFFFF086  }
0x1c: {  	p1 =	slt.u32 s9, $0xF7A;
	s5 =	simm.s32 @!p2 $0x0  }
0x1d: {  	s5 =	simm.s32 @p1 $0x1;
	p0 =	seq.s32 s7, s2  }
0x1e: {  	s7 =	smul.u32 @!p0 $0xF7A, s2;
	p2 =	seq.s32 @!p0 s5, $0x0  }
0x1f: {  	s9 =	smul.u32 $0xF7A, s1;
	s8 =	simm.s32 @!p0 $0x1BF5;
	p2 =	por !p2, p0  }
0x20: {  	[sflag:s8] =	ssyncset.s32 @!p0 $0xFFFFF086;
	s6 =	sadd.s32 @!p0 s3, s7;
	s7 =	simm.s32 @!p0 $0x108  }
0x21: {  	s3 =	sadd.s32 s3, s9;
	s6 =	sadd.s32 @!p0 $0x88, s6;
	s7 =	simm.s32 @p2 $0x1082  }
0x22: {  	[simem:s7], [sflag:s8] =	dma.local @!p0 [hbm:s6], $0xF7A  }
0x23: {  	s9 =	sor.u32 $0xD0000000, s2;
	s6 =	simm.s32 $0x108;
	_ =	swait.ge @!p0 [sflag:s8], $0x0  }
0x24: {  	s3 =	sadd.s32 $0x88, s3;
	s6 =	simm.s32 @!p1 $0x1082;
	[sflag:s4] =	ssyncset.s32 $0xFFFFF086  }
0x25: {  	[simem:s6], [sflag:s4] =	dma.local [hbm:s3], $0xF7A  }
0x26: {  	[smem:$0x3F95] =	sst s1;
	(tag) =	ssettag s2;
	_ =	strace s9  }
0x27: {  	s1 =	sld [smem:$0x3FA5]  }
0x28: {  	s2 =	sld [smem:$0x3FA6]  }
0x29: {  	s4 =	sld [smem:$0x3FA8]  }
0x2a: {  	p0 =	seq.s32 s5, $0x0;
	s5 =	sld [smem:$0x3FA9]  }
0x2b: {  	s6 =	sld [smem:$0x3FAA]  }
0x2c: {  	s7 =	sld [smem:$0x3FAB]  }
0x2d: {  	s3 =	simm.s32 $0x108;
	s8 =	sld [smem:$0x3FAC]  }
0x2e: {  	s3 =	simm.s32 @!p0 $0x1082;
	s9 =	sld [smem:$0x3FAD]  }
0x2f: {  	lr =	sadd.s32 s0, s3;
	s0 =	sld [smem:$0x3FA4]  }
0x30: {  	s3 =	sld [smem:$0x3FA7]  }
0x31: {  	[smem:$0x3FB0] =	sst s10  }
0x32: {  	s10 =	sld [smem:$0x3FAE];
	_ =	sdelay $0x3  }
0x33: {  	p0 =	seq.s32 s10, $0x1;
	s10 =	sld [smem:$0x3FB0];
	_ =	sdelay $0x3  }
0x34: {  	[smem:$0x3FB0] =	sst s10  }
0x35: {  	s10 =	sld [smem:$0x3FAF];
	_ =	sdelay $0x3  }
0x36: {  	p1 =	seq.s32 s10, $0x1;
	s10 =	sld [smem:$0x3FB0];
	_ =	sdelay $0x3  }
0x37: {  	[smem:$0x3FB0] =	sst s10  }
0x38: {  	s10 =	sld [smem:$0x3FB1]  }
0x39: {  	_ = 	snop;
	(pc) =	sbr.ind lr, $3  }
0x3a: {  	_ = 	snop  }
0x3b: {  	_ = 	snop  }
0x3c: {  	p2 =	seq.s32 s10, $0x1;
	s10 =	sld [smem:$0x3FB0]  }
0x3d: {  	_ =	shalt  }
0x3e: {  	_ =	shalt  }
0x3f: {  	_ =	shalt  }
0x40: {  	_ =	shalt  }
0x41: {  	_ =	shalt  }
0x42: {  	_ =	shalt  }
0x43: {  	_ =	shalt  }
0x44: {  	_ =	shalt  }
0x45: {  	_ =	shalt  }
0x46: {  	_ =	shalt  }
0x47: {  	_ =	shalt  }
0x48: {  	_ =	shalt  }
0x49: {  	_ =	shalt  }
0x4a: {  	_ =	shalt  }
0x4b: {  	_ =	shalt  }
0x4c: {  	_ =	shalt  }
0x4d: {  	_ =	shalt  }
0x4e: {  	_ =	shalt  }
0x4f: {  	_ =	shalt  }
0x50: {  	_ =	shalt  }
0x51: {  	_ =	shalt  }
0x52: {  	_ =	shalt  }
0x53: {  	_ =	shalt  }
0x54: {  	_ =	shalt  }
0x55: {  	_ =	shalt  }
0x56: {  	_ =	shalt  }
0x57: {  	_ =	shalt  }
0x58: {  	_ =	shalt  }
0x59: {  	_ =	shalt  }
0x5a: {  	_ =	shalt  }
0x5b: {  	_ =	shalt  }
0x5c: {  	_ =	shalt  }
0x5d: {  	_ =	shalt  }
0x5e: {  	_ =	shalt  }
0x5f: {  	_ =	shalt  }
0x60: {  	_ =	shalt  }
0x61: {  	_ =	shalt  }
0x62: {  	_ =	shalt  }
0x63: {  	_ =	shalt  }
0x64: {  	_ =	shalt  }
0x65: {  	_ =	shalt  }
0x66: {  	_ =	shalt  }
0x67: {  	_ =	shalt  }
0x68: {  	_ =	shalt  }
0x69: {  	_ =	shalt  }
0x6a: {  	_ =	shalt  }
0x6b: {  	_ =	shalt  }
0x6c: {  	_ =	shalt  }
0x6d: {  	_ =	shalt  }
0x6e: {  	_ =	shalt  }
0x6f: {  	_ =	shalt  }
0x70: {  	_ =	shalt  }
0x71: {  	_ =	shalt  }
0x72: {  	_ =	shalt  }
0x73: {  	_ =	shalt  }
0x74: {  	_ =	shalt  }
0x75: {  	_ =	shalt  }
0x76: {  	_ =	shalt  }
0x77: {  	_ =	shalt  }
0x78: {  	_ =	shalt  }
0x79: {  	_ =	shalt  }
0x7a: {  	_ =	shalt  }
0x7b: {  	_ =	shalt  }
0x7c: {  	_ =	shalt  }
0x7d: {  	_ =	shalt  }
0x7e: {  	_ =	shalt  }
0x7f: {  	_ =	shalt  }
0x80: {  	_ =	shalt  }
0x81: {  	_ =	shalt  }
0x82: {  	_ =	shalt  }
0x83: {  	_ =	shalt  }
0x84: {  	_ =	shalt  }
0x85: {  	_ =	shalt  }
0x86: {  	_ =	shalt  }
0x87: {  	_ =	shalt  }
.Lfunc_end0:
.L_simem_size_0:
called_computation_lowered:
.L_overlay_start_0:
0x88: {  	s2 =	sld [smem:$0x3FD9]  }
0x89: {  	s3 =	sld [smem:$0x3FFE];
	_ =	sdelay $0x1  }
0x8a: {  	s1 =	srdreg.scid  }
0x8b: {  	s0 =	sand.u32 $0x1, s1  }
0x8c: {  	s17 =	sshll.u32 s0, $0xA;
	s2 =	sadd.s32 s3, s2  }
0x8d: {  	s2 =	sadd.s32 s2, s17  }
0x8e: {  	[smem:$0x3FBC] =	sst s2  }
0x8f: {  	_ = 	snop  }
0x90: {  	s2 =	sld [smem:$0x3FC9];
	(tm) =	ssettm $0x1  }
0x91: {  	s18 =	sld [smem:$0x3FFB];
	_ =	sdelay $0x3  }
0x92: {  	_ =	strace s18  }
0x93: {  	s3 =	sld [smem:$0x3FFC];
	_ =	sdelay $0x3  }
0x94: {  	_ =	strace s3  }
0x95: {  	s3 =	sld [smem:$0x3FFD];
	_ =	sdelay $0x3  }
0x96: {  	_ =	strace s3  }
0x97: {  	_ =	strace $0x8FFFFFFF  }
0x98: {  	s19 =	sld [smem:$0x3FDB];
	_ =	sdelay $0x1  }
0x99: {  	s4 =	simm.s32 $_scs_section_size  }
0x9a: {  	s5 =	simm.s32 $_size__tile_overlayer_lowered;
	s6 =	simm.s32 $_tile_overlayer_lowered  }
0x9b: {  	s22 =	simm.s32 $0x1BFF;
	s21 =	sshll.u32 s6, $0x1;
	s3 =	sadd.s32 s4, s19  }
0x9c: {  	s7 =	simm.s32 $0x0;
	s20 =	sshll.u32 s5, $0x1;
	s5 =	sadd.s32 s21, s3  }
0x9d: {  	[timem:s7], [sflag:s22] =	dma.local [hbm:s5], s20  }
0x9e: {  	_ =	swait.ge [sflag:s22], s20  }
0x9f: {  	s4 =	ssub.s32 $0x0, s20;
	[sflag:s22] =	ssyncset.done $0x0  }
0xa0: {  	[sflag:s22] =	ssyncadd.s32 s4;
	_ =	sdelay $0x1  }
0xa1: {  	s23 =	simm.s32 $0x1B8B  }
0xa2: {  	_ =	swait.ge [sflag:s23], $0x1  }
0xa3: {  	[sflag:s23] =	ssyncset.done $0x0  }
0xa4: {  	s25 =	simm.s32 $0x1B8E;
	s24 =	sld [smem:$0x3FFE];
	[sflag:s23] =	ssyncadd.s32 $0xFFFFFFFF  }
0xa5: {  	s26 =	simm.s32 $execute0_lowered;
	[smem:$0x3FD2] =	sst s25  }
0xa6: {  	s5 =	sshll.u32 s26, $0x1;
	_ =	strace $0x80000046;
	[dreg:$0x1] =	wrdreg $0xFFFFFFFF  }
0xa7: {  	s28 =	simm.s32 $_size_execute0_lowered;
	s3 =	sadd.s32 s3, s5;
	[dreg:$0x0] =	wrdreg $0x0  }
0xa8: {  	s5 =	sshll.u32 s28, $0x1;
	[dreg:$0x2] =	wrdreg s3  }
0xa9: {  	[dreg:$0x3] =	wrdreg s5  }
0xaa: {  	[dreg:$0x4] =	wrdreg $0xC0  }
0xab: {  	_ =	task [dreg:s7], $0x5FFFF  }
0xac: {  	[dreg:$0x1] =	wrdreg $0xFFFFFFFF  }
0xad: {  	[dreg:$0x0] =	wrdreg $0x60  }
0xae: {  	[dreg:$0x2] =	wrdreg s2  }
0xaf: {  	[dreg:$0x3] =	wrdreg s24  }
0xb0: {  	[dreg:$0x4] =	wrdreg $0x9  }
0xb1: {  	_ =	task.clear_ibuf [dreg:s7], $0x5FFFF;
	_ =	strace $0x90000046  }
0xb2: {  	s29 =	simm.s32 $0x9;
	_ =	strace $0x80000048  }
0xb3: {  	_ =	swait.ge [sflag:s29], $0x1  }
0xb4: {  	[sflag:s29] =	ssyncadd.s32 $0xFFFFFFFF  }
0xb5: {  	_ =	strace $0x90000048  }
0xb6: {  	_ =	sfence  }
0xb7: {  	s30 =	sld [smem:$0x0];
	_ =	sdelay $0x2  }
0xb8: {  	s31 =	sshll.u32 s1, $0xD;
	s1 =	sshrl.u32 s1, $0x2  }
0xb9: {  	s3 =	sand.u32 $0x4000, s31;
	s1 =	sadd.s32 s1, s30  }
0xba: {  	s0 =	sor.u32 s3, s0;
	s1 =	sshll.u32 s1, $0x11  }
0xbb: {  	s0 =	sor.u32 s1, s0  }
0xbc: {  	s0 =	sadd.s32 $0x8F2B, s0  }
0xbd: {  	[sflag:s0] =	ssyncadd.remote.s32 $0x1  }
0xbe: {  	_ =	sfence.sel $0xFFFF  }
0xbf: {  	[dreg:$0x0] =	wrdreg $0xFFFFFFFF;
	(pc) =	sbr.abs _section_cstart, $3  }
0xc0: {  	[dreg:$0x1] =	wrdreg $0xFFFFFFFF  }
0xc1: {  	_ =	task.clear_ibuf [dreg:s7], $0x2FFFF;
	_ =	strace $0x9FFFFFFF  }
0xc2: {  	(tm) =	ssettm $0x7FFFFFFF  }
0xc3: {  	_ =	shalt  }
tec
execute0_lowered:
.L_overlay_start_1:
0x0: {  	(tag) =	ssettag $0x1  }
0x1: {  	s3 =	rddreg [dreg:$0x0]  }
0x2: {  	s8 =	rddreg [dreg:$0x1];
	s1 =	srdreg.scid  }
0x3: {  	s0 =	rddreg [dreg:$0x2];
	s9 =	sand.u32 $0x1, s1;
	s1 =	stileid.u32  }
0x4: {  	s2 =	simm.s32 $0x0;
	s4 =	sshll.u32 s9, $0x6;
	s5 =	sshll.u32 s1, $0x7  }
0x5: {  	[smem:$0x7FF] =	sst s2;
	s4 =	sor.u32 s4, s5  }
0x6: {  	_ =	strace $0x80000047;
	s7 =	sadd.s32 s3, s4;
	s4 =	simm.s32 $0x3  }
0x7: {  	[tilespmem:s2], [sflag:$0x3] =	stream.linear.gather [hbm4b:s7+s2], $0x80, $0x38;
	[tilespmem:$0x10280] =	vst v63  }
0x8: {  	_ =	swait.ge [sflag:s4], $0x80  }
0x9: {  	[sflag:s4] =	ssyncset.done $0x0  }
0xa: {  	[sflag:s4] =	ssyncadd.s32 $0xFFFFFF80  }
0xb: {  	v0 =	vld [tilespmem:$0x60]  }
0xc: {  	v1 =	vld [tilespmem:$0x10]  }
0xd: {  	v2 =	vld [tilespmem:$0x20]  }
0xe: {  	v4 =	vld [tilespmem:$0x0]  }
0xf: {  	v3 =	vld [tilespmem:$0x30]  }
0x10: {  	v5 =	vld [tilespmem:$0x40];
	v0 =	vand.u32 $0x3FFFF, v0  }
0x11: {  	v6 =	vld [tilespmem:$0x50];
	v1 =	vand.u32 $0x3FFFF, v1;
	[tilespmem:$0xE0] =	vst v0  }
0x12: {  	v0 =	vld [tilespmem:$0x70];
	[tilespmem:$0x90] =	vst v1;
	v1 =	vand.u32 $0x3FFFF, v2  }
0x13: {  	v2 =	vand.u32 $0x3FFFF, v4;
	[tilespmem:$0xA0] =	vst v1  }
0x14: {  	v1 =	vand.u32 $0x3FFFF, v3;
	[tilespmem:$0x80] =	vst v2  }
0x15: {  	[tilespmem:$0xB0] =	vst v1;
	v1 =	vand.u32 $0x3FFFF, v5  }
0x16: {  	[tilespmem:$0xC0] =	vst v1;
	v1 =	vand.u32 $0x3FFFF, v6  }
0x17: {  	[tilespmem:$0xD0] =	vst v1;
	v0 =	vand.u32 $0x3FFFF, v0  }
0x18: {  	s6 =	simm.s32 $0x80;
	s5 =	sadd.s32 $0x2200, s8;
	s3 =	simm.s32 $0x280;
	[tilespmem:$0xF0] =	vst v0  }
0x19: {  	[tilespmem:s3], [sflag:$0x1] =	stream.indirect.gather [hbm4b:s5+s6], $0x80, s6, s6, $0xb8;
	[tilespmem:$0x10280] =	vst v63  }
0x1a: {  	s13 =	sadd.s32 $0x10, s7  }
0x1b: {  	[tilespmem:s2], [sflag:$0x3] =	stream.linear.gather [hbm4b:s13+s2], $0x80, $0x38;
	[tilespmem:$0x10280] =	vst v63  }
0x1c: {  	_ =	swait.ge [sflag:s4], $0x80  }
0x1d: {  	[sflag:s4] =	ssyncset.done $0x0  }
0x1e: {  	[sflag:s4] =	ssyncadd.s32 $0xFFFFFF80  }
0x1f: {  	v0 =	vld [tilespmem:$0x0]  }
0x20: {  	v1 =	vld [tilespmem:$0x70]  }
0x21: {  	v2 =	vld [tilespmem:$0x60]  }
0x22: {  	v3 =	vld [tilespmem:$0x50]  }
0x23: {  	v61 =	vld [tilespmem:$0x40]  }
0x24: {  	v62 =	vld [tilespmem:$0x30];
	v0 =	vand.u32 $0x3FFFF, v0  }
0x25: {  	v1 =	vand.u32 $0x3FFFF, v1;
	[tilespmem:$0x100] =	vst v0;
	v0 =	vld [tilespmem:$0x10]  }
0x26: {  	v63 =	vld [tilespmem:$0x20];
	v2 =	vand.u32 $0x3FFFF, v2;
	[tilespmem:$0x170] =	vst v1  }
0x27: {  	v1 =	vand.u32 $0x3FFFF, v3;
	[tilespmem:$0x160] =	vst v2  }
0x28: {  	v2 =	vand.u32 $0x3FFFF, v61;
	[tilespmem:$0x150] =	vst v1  }
0x29: {  	s10 =	ssub.s32 $0x2, s9;
	v1 =	vand.u32 $0x3FFFF, v62;
	[tilespmem:$0x140] =	vst v2  }
0x2a: {  	s11 =	sshrl.u32 s10, $0x1;
	[tilespmem:$0x130] =	vst v1;
	v0 =	vand.u32 $0x3FFFF, v0  }
0x2b: {  	s17 =	simm.s32 $0x100;
	s30 =	ssub.s32 s10, s11;
	[tilespmem:$0x110] =	vst v0;
	v0 =	vand.u32 $0x3FFFF, v63  }
0x2c: {  	s18 =	simm.s32 $0x4280;
	s15 =	simm.s32 $0x180;
	s20 =	smax.u32 s30, $0x1;
	[tilespmem:$0x120] =	vst v0  }
0x2d: {  	[tilespmem:s18], [sflag:$0x1] =	stream.indirect.gather [hbm4b:s5+s6], $0x80, s17, s6, $0xb8;
	[tilespmem:$0x10280] =	vst v63  }
0x2e: {  	s16 =	simm.s32 $0x8280;
	s19 =	sadd.s32 $0x20, s7;
	p0 =	sne.s32 s20, $0x1  }
0x2f: {  	[tilespmem:s2], [sflag:$0x3] =	stream.linear.gather [hbm4b:s19+s2], $0x80, $0x38;
	[tilespmem:$0x10280] =	vst v63  }
.Ltmp0:
0x30: {  	s12 =	simm.s32 $0xC280;
	s9 =	sshll.u32 s9, $0xD;
	(pc) =	sbr.rel @!p0 .LBB2_2-.Ltmp0, $4  }
0x31: {  	s31 =	sshll.u32 s1, $0xE;
	s8 =	sadd.s32 s9, s8;
	_ =	swait.ge [sflag:s4], $0x80  }
0x32: {  	s9 =	simm.s32 $0x2;
	s8 =	sadd.s32 s31, s8;
	[sflag:s4] =	ssyncset.done $0x0  }
0x33: {  	s11 =	simm.s32 $0x200;
	s10 =	simm.s32 $0x1;
	[sflag:s4] =	ssyncadd.s32 $0xFFFFFF80  }
0x34: {  	s14 =	sadd.s32 $0x30, s7;
	s8 =	sadd.s32 $0x402200, s8;
	s20 =	sadd.s32 $0xFFFFFFFF, s20;
	v0 =	vld [tilespmem:$0x70]  }
.LBB2_1:
0x35: {  	p0 =	sne.s32 s20, $0x1;
	s20 =	sadd.s32 $0xFFFFFFFF, s20;
	v1 =	vld [tilespmem:$0x60]  }
0x36: {  	v2 =	vld [tilespmem:$0x30]  }
0x37: {  	v3 =	vld [tilespmem:$0x40]  }
0x38: {  	v4 =	vld [tilespmem:$0x20]  }
0x39: {  	v5 =	vld [tilespmem:$0x0]  }
0x3a: {  	v0 =	vand.u32 $0x3FFFF, v0;
	v6 =	vld [tilespmem:$0x50];
	v1 =	vand.u32 $0x3FFFF, v1  }
0x3b: {  	v7 =	vld [tilespmem:$0x10];
	v2 =	vand.u32 $0x3FFFF, v2;
	[tilespmem:$0x1F0] =	vst v0  }
0x3c: {  	[tilespmem:$0x1B0] =	vst v2;
	v0 =	vand.u32 $0x3FFFF, v3  }
0x3d: {  	v2 =	vand.u32 $0x3FFFF, v4;
	[tilespmem:$0x1C0] =	vst v0  }
0x3e: {  	v0 =	vand.u32 $0x3FFFF, v5;
	[tilespmem:$0x1A0] =	vst v2  }
0x3f: {  	[tilespmem:$0x180] =	vst v0;
	v0 =	vand.u32 $0x3FFFF, v6  }
0x40: {  	v2 =	vand.u32 $0x3FFFF, v7;
	[tilespmem:$0x1E0] =	vst v1  }
0x41: {  	[tilespmem:$0x190] =	vst v2  }
0x42: {  	[tilespmem:$0x1D0] =	vst v0  }
0x43: {  	[tilespmem:s16], [sflag:$0x1] =	stream.indirect.gather [hbm4b:s5+s6], $0x80, s15, s6, $0xb8;
	[tilespmem:$0x10280] =	vst v63  }
0x44: {  	_ = 	snop  }
0x45: {  	[tilespmem:s2], [sflag:$0x3] =	stream.linear.gather [hbm4b:s14+s2], $0x80, $0x38;
	[tilespmem:$0x10280] =	vst v63  }
0x46: {  	_ =	swait.ge [sflag:s4], $0x80  }
0x47: {  	[sflag:s4] =	ssyncset.done $0x0  }
0x48: {  	[sflag:s4] =	ssyncadd.s32 $0xFFFFFF80  }
0x49: {  	v0 =	vld [tilespmem:$0x0]  }
0x4a: {  	v1 =	vld [tilespmem:$0x10]  }
0x4b: {  	v2 =	vld [tilespmem:$0x20]  }
0x4c: {  	v3 =	vld [tilespmem:$0x30]  }
0x4d: {  	v4 =	vld [tilespmem:$0x40]  }
0x4e: {  	v0 =	vand.u32 $0x3FFFF, v0;
	v5 =	vld [tilespmem:$0x60]  }
0x4f: {  	[tilespmem:$0x200] =	vst v0;
	v0 =	vand.u32 $0x3FFFF, v1;
	v1 =	vld [tilespmem:$0x70]  }
0x50: {  	[tilespmem:$0x210] =	vst v0;
	v0 =	vand.u32 $0x3FFFF, v2;
	v2 =	vld [tilespmem:$0x50]  }
0x51: {  	[tilespmem:$0x220] =	vst v0;
	v0 =	vand.u32 $0x3FFFF, v3  }
0x52: {  	[tilespmem:$0x230] =	vst v0;
	v0 =	vand.u32 $0x3FFFF, v4  }
0x53: {  	[tilespmem:$0x240] =	vst v0;
	v0 =	vand.u32 $0x3FFFF, v5  }
0x54: {  	[tilespmem:$0x260] =	vst v0;
	v0 =	vand.u32 $0x3FFFF, v1  }
0x55: {  	v1 =	vand.u32 $0x3FFFF, v2;
	[tilespmem:$0x270] =	vst v0  }
0x56: {  	[tilespmem:$0x250] =	vst v1  }
0x57: {  	[tilespmem:s12], [sflag:$0x1] =	stream.indirect.gather [hbm4b:s5+s6], $0x80, s11, s6, $0xb8;
	[tilespmem:$0x10280] =	vst v63  }
0x58: {  	_ =	swait.ge [sflag:s10], $0x4000  }
0x59: {  	[sflag:s10] =	ssyncset.done $0x0  }
0x5a: {  	[sflag:s10] =	ssyncadd.s32 $0xFFFFC000  }
0x5b: {  	_ =	swait.ge [sflag:s10], $0x4000  }
0x5c: {  	[sflag:s10] =	ssyncset.done $0x0  }
0x5d: {  	[sflag:s10] =	ssyncadd.s32 $0xFFFFC000  }
0x5e: {  	_ =	swait.ge [sflag:s10], $0x4000  }
0x5f: {  	[sflag:s10] =	ssyncset.done $0x0  }
0x60: {  	[sflag:s10] =	ssyncadd.s32 $0xFFFFC000  }
0x61: {  	_ =	swait.ge [sflag:s10], $0x4000  }
0x62: {  	[sflag:s10] =	ssyncset.done $0x0  }
0x63: {  	[sflag:s10] =	ssyncadd.s32 $0xFFFFC000  }
0x64: {  	[hbm4b:s8+s2] =	stream.linear.scatter [tilespmem:s3], [sflag:$0x2], $0x10000, $0x38;
	[tilespmem:$0x10280] =	vst v63  }
0x65: {  	_ =	swait.ge [sflag:s9], $0x10000  }
0x66: {  	[sflag:s9] =	ssyncset.done $0x0  }
0x67: {  	[sflag:s9] =	ssyncadd.s32 $0xFFFF0000  }
0x68: {  	[tilespmem:s2], [sflag:$0x3] =	stream.linear.gather [hbm4b:s7+s2], $0x80, $0x38;
	[tilespmem:$0x10280] =	vst v63  }
0x69: {  	_ =	swait.ge [sflag:s4], $0x80  }
0x6a: {  	[sflag:s4] =	ssyncset.done $0x0  }
0x6b: {  	[sflag:s4] =	ssyncadd.s32 $0xFFFFFF80  }
0x6c: {  	v0 =	vld [tilespmem:$0x10]  }
0x6d: {  	v1 =	vld [tilespmem:$0x60]  }
0x6e: {  	v2 =	vld [tilespmem:$0x70]  }
0x6f: {  	v3 =	vld [tilespmem:$0x20]  }
0x70: {  	v4 =	vld [tilespmem:$0x30]  }
0x71: {  	v5 =	vld [tilespmem:$0x0]  }
0x72: {  	v0 =	vand.u32 $0x3FFFF, v0;
	v6 =	vld [tilespmem:$0x40];
	v1 =	vand.u32 $0x3FFFF, v1  }
0x73: {  	v7 =	vld [tilespmem:$0x50];
	[tilespmem:$0xE0] =	vst v1;
	v1 =	vand.u32 $0x3FFFF, v2  }
0x74: {  	[tilespmem:$0x90] =	vst v0;
	v0 =	vand.u32 $0x3FFFF, v3  }
0x75: {  	[tilespmem:$0xA0] =	vst v0;
	v0 =	vand.u32 $0x3FFFF, v4  }
0x76: {  	v2 =	vand.u32 $0x3FFFF, v5;
	[tilespmem:$0xB0] =	vst v0  }
0x77: {  	[tilespmem:$0x80] =	vst v2;
	v0 =	vand.u32 $0x3FFFF, v6  }
0x78: {  	[tilespmem:$0xC0] =	vst v0;
	v0 =	vand.u32 $0x3FFFF, v7  }
0x79: {  	[tilespmem:$0xD0] =	vst v0  }
0x7a: {  	[tilespmem:$0xF0] =	vst v1  }
0x7b: {  	[tilespmem:s3], [sflag:$0x1] =	stream.indirect.gather [hbm4b:s5+s6], $0x80, s6, s6, $0xb8;
	[tilespmem:$0x10280] =	vst v63  }
0x7c: {  	_ = 	snop  }
0x7d: {  	[tilespmem:s2], [sflag:$0x3] =	stream.linear.gather [hbm4b:s13+s2], $0x80, $0x38;
	[tilespmem:$0x10280] =	vst v63  }
0x7e: {  	_ =	swait.ge [sflag:s4], $0x80  }
0x7f: {  	[sflag:s4] =	ssyncset.done $0x0  }
0x80: {  	[sflag:s4] =	ssyncadd.s32 $0xFFFFFF80  }
0x81: {  	v0 =	vld [tilespmem:$0x0];
	_ =	sdelay $0x1  }
0x82: {  	v1 =	vld [tilespmem:$0x70]  }
0x83: {  	v2 =	vld [tilespmem:$0x60]  }
0x84: {  	v3 =	vld [tilespmem:$0x50]  }
0x85: {  	v0 =	vand.u32 $0x3FFFF, v0;
	v4 =	vld [tilespmem:$0x40]  }
0x86: {  	[tilespmem:$0x100] =	vst v0;
	v0 =	vld [tilespmem:$0x30]  }
0x87: {  	v5 =	vld [tilespmem:$0x10];
	v1 =	vand.u32 $0x3FFFF, v1  }
0x88: {  	v6 =	vld [tilespmem:$0x20];
	v2 =	vand.u32 $0x3FFFF, v2;
	[tilespmem:$0x170] =	vst v1  }
0x89: {  	v1 =	vand.u32 $0x3FFFF, v3;
	[tilespmem:$0x160] =	vst v2  }
0x8a: {  	v2 =	vand.u32 $0x3FFFF, v4;
	[tilespmem:$0x150] =	vst v1  }
0x8b: {  	v0 =	vand.u32 $0x3FFFF, v0;
	[tilespmem:$0x140] =	vst v2  }
0x8c: {  	v1 =	vand.u32 $0x3FFFF, v5;
	[tilespmem:$0x130] =	vst v0  }
0x8d: {  	[tilespmem:$0x110] =	vst v1;
	v0 =	vand.u32 $0x3FFFF, v6  }
0x8e: {  	[tilespmem:$0x120] =	vst v0  }
0x8f: {  	[tilespmem:s18], [sflag:$0x1] =	stream.indirect.gather [hbm4b:s5+s6], $0x80, s17, s6, $0xb8;
	[tilespmem:$0x10280] =	vst v63  }
0x90: {  	_ = 	snop  }
0x91: {  	[tilespmem:s2], [sflag:$0x3] =	stream.linear.gather [hbm4b:s19+s2], $0x80, $0x38;
	[tilespmem:$0x10280] =	vst v63  }
.Ltmp1:
0x92: {  	_ = 	snop;
	(pc) =	sbr.rel @p0 .LBB2_1-.Ltmp1, $4  }
0x93: {  	_ =	swait.ge [sflag:s4], $0x80  }
0x94: {  	[sflag:s4] =	ssyncset.done $0x0  }
0x95: {  	[sflag:s4] =	ssyncadd.s32 $0xFFFFFF80  }
0x96: {  	v0 =	vld [tilespmem:$0x70]  }
.LBB2_2:
0x97: {  	v1 =	vld [tilespmem:$0x30]  }
0x98: {  	v2 =	vld [tilespmem:$0x40]  }
0x99: {  	v3 =	vld [tilespmem:$0x20]  }
0x9a: {  	v4 =	vld [tilespmem:$0x0]  }
0x9b: {  	v5 =	vld [tilespmem:$0x60];
	v0 =	vand.u32 $0x3FFFF, v0  }
0x9c: {  	v6 =	vld [tilespmem:$0x10];
	v1 =	vand.u32 $0x3FFFF, v1;
	[tilespmem:$0x1F0] =	vst v0  }
0x9d: {  	v43 =	vld [tilespmem:$0x50];
	v44 =	vand.u32 $0x3FFFF, v2;
	[tilespmem:$0x1B0] =	vst v1  }
0x9e: {  	v45 =	vand.u32 $0x3FFFF, v3;
	[tilespmem:$0x1C0] =	vst v44  }
0x9f: {  	v46 =	vand.u32 $0x3FFFF, v4;
	[tilespmem:$0x1A0] =	vst v45  }
0xa0: {  	v47 =	vand.u32 $0x3FFFF, v5;
	[tilespmem:$0x180] =	vst v46  }
0xa1: {  	v48 =	vand.u32 $0x3FFFF, v6;
	[tilespmem:$0x1E0] =	vst v47  }
0xa2: {  	v0 =	vand.u32 $0x3FFFF, v43;
	[tilespmem:$0x190] =	vst v48  }
0xa3: {  	[tilespmem:$0x1D0] =	vst v0  }
0xa4: {  	[tilespmem:s16], [sflag:$0x1] =	stream.indirect.gather [hbm4b:s5+s6], $0x80, s15, s6, $0xb8;
	[tilespmem:$0x10280] =	vst v63  }
0xa5: {  	_ = 	snop  }
0xa6: {  	[tilespmem:s2], [sflag:$0x3] =	stream.linear.gather [hbm4b:s14+s2], $0x80, $0x38;
	[tilespmem:$0x10280] =	vst v63  }
0xa7: {  	_ =	swait.ge [sflag:s4], $0x80  }
0xa8: {  	[sflag:s4] =	ssyncset.done $0x0  }
0xa9: {  	[sflag:s4] =	ssyncadd.s32 $0xFFFFFF80  }
0xaa: {  	v49 =	vld [tilespmem:$0x0]  }
0xab: {  	v50 =	vld [tilespmem:$0x10]  }
0xac: {  	v51 =	vld [tilespmem:$0x20]  }
0xad: {  	v52 =	vld [tilespmem:$0x30]  }
0xae: {  	v53 =	vld [tilespmem:$0x40]  }
0xaf: {  	v54 =	vld [tilespmem:$0x60];
	v0 =	vand.u32 $0x3FFFF, v49  }
0xb0: {  	v56 =	vld [tilespmem:$0x70];
	v55 =	vand.u32 $0x3FFFF, v50;
	[tilespmem:$0x200] =	vst v0  }
0xb1: {  	v58 =	vld [tilespmem:$0x50];
	v57 =	vand.u32 $0x3FFFF, v51;
	[tilespmem:$0x210] =	vst v55  }
0xb2: {  	v59 =	vand.u32 $0x3FFFF, v52;
	[tilespmem:$0x220] =	vst v57  }
0xb3: {  	v60 =	vand.u32 $0x3FFFF, v53;
	[tilespmem:$0x230] =	vst v59  }
0xb4: {  	v61 =	vand.u32 $0x3FFFF, v54;
	[tilespmem:$0x240] =	vst v60  }
0xb5: {  	v62 =	vand.u32 $0x3FFFF, v56;
	[tilespmem:$0x260] =	vst v61  }
0xb6: {  	v63 =	vand.u32 $0x3FFFF, v58;
	[tilespmem:$0x270] =	vst v62  }
0xb7: {  	[tilespmem:$0x250] =	vst v63  }
0xb8: {  	[tilespmem:s12], [sflag:$0x1] =	stream.indirect.gather [hbm4b:s5+s6], $0x80, s11, s6, $0xb8;
	[tilespmem:$0x10280] =	vst v63  }
0xb9: {  	_ =	swait.ge [sflag:s10], $0x4000  }
0xba: {  	[sflag:s10] =	ssyncset.done $0x0  }
0xbb: {  	[sflag:s10] =	ssyncadd.s32 $0xFFFFC000  }
0xbc: {  	_ =	swait.ge [sflag:s10], $0x4000  }
0xbd: {  	[sflag:s10] =	ssyncset.done $0x0  }
0xbe: {  	[sflag:s10] =	ssyncadd.s32 $0xFFFFC000  }
0xbf: {  	_ =	swait.ge [sflag:s10], $0x4000  }
0xc0: {  	[sflag:s10] =	ssyncset.done $0x0  }
0xc1: {  	[sflag:s10] =	ssyncadd.s32 $0xFFFFC000  }
0xc2: {  	_ =	swait.ge [sflag:s10], $0x4000  }
0xc3: {  	[sflag:s10] =	ssyncset.done $0x0  }
0xc4: {  	[sflag:s10] =	ssyncadd.s32 $0xFFFFC000  }
0xc5: {  	[hbm4b:s8+s2] =	stream.linear.scatter [tilespmem:s3], [sflag:$0x2], $0x10000, $0x38;
	[tilespmem:$0x10280] =	vst v63  }
0xc6: {  	_ =	swait.ge [sflag:s9], $0x10000  }
0xc7: {  	[sflag:s9] =	ssyncset.done $0x0  }
0xc8: {  	[sflag:s9] =	ssyncadd.s32 $0xFFFF0000  }
0xc9: {  	_ =	sfence.sel $0x180000  }
0xca: {  	[bflag:$0x0] =	sbarrier.arrive $0xFFFF  }
0xcb: {  	p0 =	sne.s32 s1, $0x0;
	_ =	strace $0x90000047  }
0xcc: {  	s0 =	sadd.s32 @!p0 $0x100000, s0;
	[bflag:$0x2] =	sbarrier.arrive $0xFFFF  }
0xcd: {  	[sflag:s0] =	ssyncadd.tile.s32 @!p0 $0x1;
	_ =	shalt  }
.Lfunc_end2:
_tile_overlayer_lowered:
.L_overlay_start_2:
0xce: {  	(tag) =	ssettag $0x2  }
0xcf: {  	s0 =	rddreg [dreg:$0x0];
	s2 =	stileid.u32  }
0xd0: {  	s1 =	rddreg [dreg:$0x1];
	p0 =	sne.s32 s2, $0x0  }
0xd1: {  	s3 =	rddreg [dreg:$0x2];
	[bflag:$0x3] =	sbarrier.arrive $0xFFFF;
	s2 =	simm.s32 @!p0 $0x1C03  }
0xd2: {  	[timem:s3], [sflag:s2] =	dma.local @!p0 [hbm:s0], s1  }
0xd3: {  	s0 =	simm.s32 @!p0 $0x3  }
0xd4: {  	_ =	swait.ge @!p0 [sflag:s0], s1  }
0xd5: {  	s1 =	ssub.s32 @!p0 $0x0, s1;
	[sflag:s0] =	ssyncset.done @!p0 $0x0  }
0xd6: {  	[sflag:s0] =	ssyncadd.s32 @!p0 s1  }
0xd7: {  	[bflag:$0x3] =	sbarrier.arrive $0xFFFF  }
0xd8: {  	_ =	shalt  }

</sc_bundles>
